<compile_context>
chip_gen: v7x
topology: tpu7x:2x2x1
jax: 0.10.2.dev20260603
libtpu: 0.0.44.dev20260713+nightly
codegen_flags: <defaults>
</compile_context>

<pallas_src>
import functools

import jax
import jax.numpy as jnp
from jax import lax
from jax.experimental import pallas as pl
from jax.experimental.pallas import tpu as pltpu
from jax.experimental.pallas import tpu_sc as plsc

N = 10000
E = 320000
D_IN = 128
D_HID = 128
D_OUT = 40

NC, NS = 2, 16
NW = NC * NS
CHUNK = 128
CPW = 80
EPAD = NW * CPW * CHUNK
NP = 10112
RPT = NP // NS

D1 = 128
DDEG = 16
D2 = 48

_mesh = plsc.VectorSubcoreMesh(core_axis_name="c", subcore_axis_name="s")


def _make_seg_sum(d, dtype, with_deg, nacc):
    lanes = 16 * (4 // jnp.dtype(dtype).itemsize)

    out_type = [jax.ShapeDtypeStruct((nacc * NC, NP, d), dtype)]
    scratch = [
        pltpu.VMEM((4, 2, CHUNK), jnp.int32),
        pltpu.VMEM((CHUNK, d), dtype),
        pltpu.VMEM((CHUNK, d), dtype),
        pltpu.VMEM_SHARED((nacc, NP, d), dtype),
        pltpu.SemaphoreType.DMA,
        pltpu.SemaphoreType.DMA,
        pltpu.SemaphoreType.DMA,
        pltpu.SemaphoreType.DMA,
        pltpu.SemaphoreType.DMA,
        pltpu.SemaphoreType.DMA,
    ]
    if with_deg:
        out_type.append(jax.ShapeDtypeStruct((NC, NP, DDEG), dtype))
        scratch.append(pltpu.VMEM((CHUNK, DDEG), dtype))
        scratch.append(pltpu.VMEM_SHARED((NP, DDEG), dtype))

    @functools.partial(
        pl.kernel,
        mesh=_mesh,
        compiler_params=pltpu.CompilerParams(use_tc_tiling_on_sc=False),
        out_type=out_type,
        scratch_types=scratch,
    )
    def seg_sum(vals_hbm, idx_hbm, out_hbm, *rest):
        if with_deg:
            (deg_hbm, idxr, rows0, rows1, accab,
             isem0, isem1, isem2, isem3, gsem0, gsem1, onesb, dacc) = rest
        else:
            (idxr, rows0, rows1, accab,
             isem0, isem1, isem2, isem3, gsem0, gsem1) = rest
        c = lax.axis_index("c")
        s = lax.axis_index("s")
        w = s * NC + c
        base = pl.multiple_of(w * CPW, 8)
        roff = pl.multiple_of(s * RPT, 8)
        isems = (isem0, isem1, isem2, isem3)
        gsems = (gsem0, gsem1)
        bufs = (rows0, rows1)
        accs = tuple(accab.at[i] for i in range(nacc))

        def zrow(r, carry):
            def zcol(kk, carry2):
                rows0[r, pl.ds(kk * lanes, lanes)] = jnp.zeros((lanes,), dtype)
                return carry2
            return lax.fori_loop(0, d // lanes, zcol, carry)

        lax.fori_loop(0, CHUNK, zrow, jnp.int32(0))
        nfull, rem = RPT // CHUNK, RPT % CHUNK

        def zfill(dst_acc):
            for k in range(nfull):
                pltpu.sync_copy(rows0, dst_acc.at[pl.ds(roff + k * CHUNK, CHUNK)])
            if rem:
                pltpu.sync_copy(rows0.at[pl.ds(0, rem)],
                                dst_acc.at[pl.ds(roff + nfull * CHUNK, rem)])

        for acc in accs:
            zfill(acc)
        if with_deg:
            dlanes = lanes
            def dzrow(r, carry):
                def dzcol(kk, carry2):
                    onesb[r, pl.ds(kk * dlanes, dlanes)] = jnp.zeros(
                        (dlanes,), dtype)
                    return carry2
                return lax.fori_loop(0, DDEG // dlanes, dzcol, carry)
            lax.fori_loop(0, CHUNK, dzrow, jnp.int32(0))
            for k in range(nfull):
                pltpu.sync_copy(onesb, dacc.at[pl.ds(roff + k * CHUNK, CHUNK)])
            if rem:
                pltpu.sync_copy(onesb.at[pl.ds(0, rem)],
                                dacc.at[pl.ds(roff + nfull * CHUNK, rem)])
            def orow(r, carry):
                def ocol(kk, carry2):
                    onesb[r, pl.ds(kk * dlanes, dlanes)] = jnp.ones(
                        (dlanes,), dtype)
                    return carry2
                return lax.fori_loop(0, DDEG // dlanes, ocol, carry)
            lax.fori_loop(0, CHUNK, orow, jnp.int32(0))
        plsc.subcore_barrier()

        def fetch_idx(cf, slot, sem):
            row = jnp.where(cf < CPW, base + cf, base)
            pltpu.async_copy(idx_hbm.at[row], idxr.at[slot], sem)

        for k in range(4):
            fetch_idx(jnp.int32(k), k, isems[k])
        for b in range(2):
            pltpu.make_async_copy(idx_hbm.at[base], idxr.at[b], isems[b]).wait()
            pltpu.async_copy(vals_hbm.at[idxr.at[b, 0]], bufs[b], gsems[b])

        def body(i, carry):
            for k in range(4):
                j = 4 * i + k
                b = k % 2
                k2 = (k + 2) % 4
                pltpu.make_async_copy(vals_hbm.at[idxr.at[k, 0]],
                                      bufs[b], gsems[b]).wait()
                pltpu.sync_copy(bufs[b], accs[b % nacc].at[idxr.at[k, 1]],
                                add=True)
                if with_deg:
                    pltpu.sync_copy(onesb, dacc.at[idxr.at[k, 1]], add=True)
                fetch_idx(j + 4, k, isems[k])
                pltpu.make_async_copy(idx_hbm.at[base],
                                      idxr.at[k2], isems[k2]).wait()
                pltpu.async_copy(vals_hbm.at[idxr.at[k2, 0]], bufs[b], gsems[b])
            return carry

        lax.fori_loop(0, CPW // 4, body, 0)
        for b in range(2):
            pltpu.make_async_copy(vals_hbm.at[idxr.at[b, 0]],
                                  bufs[b], gsems[b]).wait()
        for k in (2, 3):
            pltpu.make_async_copy(idx_hbm.at[base], idxr.at[k], isems[k]).wait()
        plsc.subcore_barrier()
        for a in range(nacc):
            pltpu.sync_copy(accs[a].at[pl.ds(roff, RPT)],
                            out_hbm.at[nacc * c + a, pl.ds(roff, RPT)])
        if with_deg:
            pltpu.sync_copy(dacc.at[pl.ds(roff, RPT)],
                            deg_hbm.at[c, pl.ds(roff, RPT)])

    return seg_sum


_seg_sum_d1 = _make_seg_sum(D1, jnp.float32, True, 1)
_seg_sum_d2 = _make_seg_sum(D2, jnp.float32, False, 1)

BLK = 1000


def _tc1_body(x_ref, aggp_ref, degp_ref, ws1_ref, wn1_ref, b1_ref, wn2e_ref,
              h1_ref, z_ref, r_ref):
    srow = aggp_ref[0] + aggp_ref[1]
    degs = degp_ref[0] + degp_ref[1]
    deg = degs[:, :1]
    recip = 1.0 / jnp.maximum(deg, 1.0)
    mean_c = jnp.dot(srow * recip, wn1_ref[...],
                     preferred_element_type=jnp.float32)
    h = jnp.dot(x_ref[...], ws1_ref[...],
                preferred_element_type=jnp.float32) + mean_c + b1_ref[...]
    h = jnp.maximum(h, 0.0)
    h1_ref[...] = h
    z_ref[...] = jnp.dot(h, wn2e_ref[...], preferred_element_type=jnp.float32)
    r_ref[...] = recip


def _tc2_body(h1_ref, agg2p_ref, r_ref, ws2e_ref, b2e_ref, out_ref):
    mean2 = (agg2p_ref[0] + agg2p_ref[1]) * r_ref[...]
    o = jnp.dot(h1_ref[...], ws2e_ref[...],
                preferred_element_type=jnp.float32) + mean2 + b2e_ref[...]
    out_ref[...] = o[:, :D_OUT]


_tc1 = pl.pallas_call(
    _tc1_body,
    grid=(N // BLK,),
    in_specs=[
        pl.BlockSpec((BLK, D_IN), lambda i: (i, 0)),
        pl.BlockSpec((NC, BLK, D1), lambda i: (0, i, 0)),
        pl.BlockSpec((NC, BLK, DDEG), lambda i: (0, i, 0)),
        pl.BlockSpec((D_IN, D_HID), lambda i: (0, 0)),
        pl.BlockSpec((D1, D_HID), lambda i: (0, 0)),
        pl.BlockSpec((1, D_HID), lambda i: (0, 0)),
        pl.BlockSpec((D_HID, D2), lambda i: (0, 0)),
    ],
    out_specs=[
        pl.BlockSpec((BLK, D_HID), lambda i: (i, 0)),
        pl.BlockSpec((BLK, D2), lambda i: (i, 0)),
        pl.BlockSpec((BLK, 1), lambda i: (i, 0)),
    ],
    out_shape=[
        jax.ShapeDtypeStruct((N, D_HID), jnp.float32),
        jax.ShapeDtypeStruct((N, D2), jnp.float32),
        jax.ShapeDtypeStruct((N, 1), jnp.float32),
    ],
)

_tc2 = pl.pallas_call(
    _tc2_body,
    grid=(N // BLK,),
    in_specs=[
        pl.BlockSpec((BLK, D_HID), lambda i: (i, 0)),
        pl.BlockSpec((NC, BLK, D2), lambda i: (0, i, 0)),
        pl.BlockSpec((BLK, 1), lambda i: (i, 0)),
        pl.BlockSpec((D_HID, D2), lambda i: (0, 0)),
        pl.BlockSpec((1, D2), lambda i: (0, 0)),
    ],
    out_specs=pl.BlockSpec((BLK, D_OUT), lambda i: (i, 0)),
    out_shape=jax.ShapeDtypeStruct((N, D_OUT), jnp.float32),
)


def kernel(features, edge_index, W_self1, W_neigh1, b1, W_self2, W_neigh2, b2):
    src = edge_index[0].astype(jnp.int32)
    dst = edge_index[1].astype(jnp.int32)
    src2d = jnp.pad(src, (0, EPAD - E)).reshape(NW * CPW, CHUNK)
    dst2d = jnp.pad(dst, (0, EPAD - E), constant_values=N).reshape(NW * CPW, CHUNK)
    idx_comb = jnp.stack([src2d, dst2d], axis=1)

    aggp, degp = _seg_sum_d1(features, idx_comb)

    wn2e = jnp.concatenate(
        [W_neigh2, jnp.zeros((D_HID, D2 - D_OUT), jnp.float32)], axis=1)
    h1, z, recip = _tc1(features, aggp, degp, W_self1, W_neigh1,
                        b1.reshape(1, D_HID), wn2e)

    (agg2p,) = _seg_sum_d2(z, idx_comb)

    ws2e = jnp.concatenate(
        [W_self2, jnp.zeros((D_HID, D2 - D_OUT), jnp.float32)], axis=1)
    b2e = jnp.concatenate(
        [b2, jnp.zeros((D2 - D_OUT,), jnp.float32)]).reshape(1, D2)
    return _tc2(h1, agg2p, recip, ws2e, b2e)

# --- scband reference (transcript-rebuilt; emitter-appended) ---
"""Pipeline reference for scband-gnnmodel-48842368090682 (READ-ONLY COPY).

The authoritative reference and input builder live on the scoring server;
editing this copy changes nothing except your own understanding.
"""

import jax, jax.numpy as jnp
import numpy as np

N_NODES = 10000
N_EDGES = 320000
D_IN = 128
D_HID = 128
N_CLASSES = 40


def setup_inputs(seed: int = 0) -> dict:
    key = jax.random.key(seed)
    ks = jax.random.split(key, 8)
    x = jax.random.normal(ks[0], (N_NODES, D_IN), dtype=jnp.float32)
    edge_index = jax.random.randint(ks[1], (2, N_EDGES), 0, N_NODES, dtype=jnp.int64)
    s1 = 1.0 / np.sqrt(D_IN)
    s2 = 1.0 / np.sqrt(D_HID)
    W_self1 = jax.random.normal(ks[2], (D_IN, D_HID), dtype=jnp.float32) * s1
    W_neigh1 = jax.random.normal(ks[3], (D_IN, D_HID), dtype=jnp.float32) * s1
    b1 = jnp.zeros((D_HID,), dtype=jnp.float32)
    W_self2 = jax.random.normal(ks[4], (D_HID, N_CLASSES), dtype=jnp.float32) * s2
    W_neigh2 = jax.random.normal(ks[5], (D_HID, N_CLASSES), dtype=jnp.float32) * s2
    b2 = jnp.zeros((N_CLASSES,), dtype=jnp.float32)
    return {"features": x, "edge_index": edge_index,
            "W_self1": W_self1, "W_neigh1": W_neigh1, "b1": b1,
            "W_self2": W_self2, "W_neigh2": W_neigh2, "b2": b2}


def _sage_layer(h, src, dst, n_nodes, W_self, W_neigh, b):
    # DGL SAGEConv, aggregator_type='mean':
    #   h_neigh = mean over incoming neighbors of h[src]
    #   out = h @ W_self + h_neigh @ W_neigh + b
    msgs = jnp.take(h, src, axis=0)                       # gather [E, d]
    agg = jax.ops.segment_sum(msgs, dst, num_segments=n_nodes)
    deg = jax.ops.segment_sum(jnp.ones((src.shape[0],), h.dtype), dst,
                              num_segments=n_nodes)
    mean = agg / jnp.clip(deg, 1.0)[:, None]
    return h @ W_self + mean @ W_neigh + b


def reference(features, edge_index, W_self1, W_neigh1, b1, W_self2, W_neigh2, b2):
    src = edge_index[0]
    dst = edge_index[1]
    n = features.shape[0]
    h = _sage_layer(features, src, dst, n, W_self1, W_neigh1, b1)
    h = jax.nn.relu(h)
    # dropout is identity in eval mode
    h = _sage_layer(h, src, dst, n, W_self2, W_neigh2, b2)
    return h

if __name__ == "__main__":
    import jax
    _d = setup_inputs()
    print(jax.jit(kernel)(*tuple(_d.values())))

</pallas_src>

<mosaic_0001>
#map = affine_map<(d0, d1) -> (0, 0)>
#map1 = affine_map<(d0, d1) -> (0, 0, 0)>
module attributes {stable_mosaic.version = 14 : i64} {
  func.func @seg_sum(%arg0: i32, %arg1: i32, %arg2: memref<10000x128xf32, #tpu.memory_space<hbm>>, %arg3: memref<2560x2x128xi32, #tpu.memory_space<hbm>>, %arg4: memref<2x10112x128xf32, #tpu.memory_space<hbm>>, %arg5: memref<2x10112x16xf32, #tpu.memory_space<hbm>>, %arg6: memref<4x2x128xi32, #tpu.memory_space<vmem>>, %arg7: memref<128x128xf32, #tpu.memory_space<vmem>>, %arg8: memref<128x128xf32, #tpu.memory_space<vmem>>, %arg9: memref<1x10112x128xf32, #tpu.memory_space<vmem_shared>>, %arg10: memref<!tpu.dma_semaphore, #tpu.memory_space<semaphore_mem>>, %arg11: memref<!tpu.dma_semaphore, #tpu.memory_space<semaphore_mem>>, %arg12: memref<!tpu.dma_semaphore, #tpu.memory_space<semaphore_mem>>, %arg13: memref<!tpu.dma_semaphore, #tpu.memory_space<semaphore_mem>>, %arg14: memref<!tpu.dma_semaphore, #tpu.memory_space<semaphore_mem>>, %arg15: memref<!tpu.dma_semaphore, #tpu.memory_space<semaphore_mem>>, %arg16: memref<128x16xf32, #tpu.memory_space<vmem>>, %arg17: memref<10112x16xf32, #tpu.memory_space<vmem_shared>>) attributes {dimension_semantics = [#tpu.dimension_semantics<core_parallel>, #tpu.dimension_semantics<subcore_parallel>], iteration_bounds = array<i64: 2, 16>, scalar_prefetch = 0 : i64, scratch_operands = 12 : i64, tpu.core_type = #tpu.core_type<sc_vector_subcore>, window_params = [{transform_indices = #map}, {transform_indices = #map1}, {transform_indices = #map1}, {transform_indices = #map1}]} {
    %mul3A = arith.constant 2 : i32
    %mul3A_0 = arith.muli %arg1, %mul3A : i32
    %add3A = arith.addi %mul3A_0, %arg0 : i32
    %mul3A_1 = arith.constant 80 : i32
    %mul3A_2 = arith.muli %add3A, %mul3A_1 : i32
    %multiple_of3A = tpu.assume_multiple %mul3A_2, 8 : i32
    %mul3A_3 = arith.constant 632 : i32
    %mul3A_4 = arith.muli %arg1, %mul3A_3 : i32
    %multiple_of3A_5 = tpu.assume_multiple %mul3A_4, 8 : i32
    %scan3A = arith.constant 0 : i32
    %scan3A_6 = arith.constant 0 : i32
    %scan3A_7 = arith.constant 128 : i32
    %scan3A_8 = arith.addi %scan3A_6, %scan3A_7 : i32
    %scan3A_9 = arith.constant 1 : i32
    scf.for %scan3A_248 = %scan3A_6 to %scan3A_8 step %scan3A_9  : i32 {
      %scan3A_249 = arith.constant 0 : i32
      %scan3A_250 = arith.constant 8 : i32
      %scan3A_251 = arith.addi %scan3A_249, %scan3A_250 : i32
      %scan3A_252 = arith.constant 1 : i32
      scf.for %scan3A_254 = %scan3A_249 to %scan3A_251 step %scan3A_252  : i32 {
        %broadcast_in_dim3A = arith.constant 0.000000e+00 : f32
        %broadcast_in_dim3A_255 = vector.broadcast %broadcast_in_dim3A : f32 to vector<16xf32>
        %mul3A_256 = arith.constant 16 : i32
        %mul3A_257 = arith.muli %scan3A_254, %mul3A_256 : i32
        %swap3A = arith.index_cast %scan3A_248 : i32 to index
        %swap3A_258 = arith.index_cast %mul3A_257 : i32 to index
        %swap3A_259 = tpu.vector_load %arg7[%swap3A, %swap3A_258] {strides = array<i32>} : memref<128x128xf32, #tpu.memory_space<vmem>>, vector<1x16xf32>,
        %swap3A_260 = vector.shape_cast %swap3A_259 : vector<1x16xf32> to vector<16xf32>
        %swap3A_261 = vector.shape_cast %broadcast_in_dim3A_255 : vector<16xf32> to vector<1x16xf32>
        tpu.vector_store %arg7[%swap3A, %swap3A_258], %swap3A_261 {strides = array<i32>} : memref<128x128xf32, #tpu.memory_space<vmem>>, vector<1x16xf32>,
      }
      %scan3A_253 = arith.constant 8 : i32
    }
    %scan3A_10 = arith.constant 128 : i32
    %add3A_11 = arith.constant 0 : i32
    %add3A_12 = arith.addi %multiple_of3A_5, %add3A_11 : i32
    %run_scoped3A = arith.constant 0 : i32
    "tpu.region"() ({
      %run_scoped3A_248 = tpu.sem_alloc : memref<!tpu.dma_semaphore, #tpu.memory_space<semaphore_mem>>
      %dma_start3A_249 = arith.constant 0 : i32
      %dma_start3A_250 = arith.constant 0 : i32
      %dma_start3A_251 = tpu.memref_slice %arg9[%run_scoped3A, %dma_start3A_249, %dma_start3A_250] : memref<1x10112x128xf32, #tpu.memory_space<vmem_shared>> -> memref<1x10112x128xf32, #tpu.memory_space<vmem_shared>>
      %dma_start3A_252 = tpu.memref_squeeze %dma_start3A_251 : memref<1x10112x128xf32, #tpu.memory_space<vmem_shared>> -> memref<10112x128xf32, #tpu.memory_space<vmem_shared>>
      %dma_start3A_253 = arith.constant 0 : i32
      %dma_start3A_254 = tpu.memref_slice %dma_start3A_252[%add3A_12, %dma_start3A_253] : memref<10112x128xf32, #tpu.memory_space<vmem_shared>> -> memref<128x128xf32, #tpu.memory_space<vmem_shared>>
      %dma_start3A_255 = arith.constant 0 : i32
      %dma_start3A_256 = arith.constant 0 : i32
      %dma_start3A_257 = tpu.memref_slice %arg9[%run_scoped3A, %dma_start3A_255, %dma_start3A_256] : memref<1x10112x128xf32, #tpu.memory_space<vmem_shared>> -> memref<1x10112x128xf32, #tpu.memory_space<vmem_shared>>
      %dma_start3A_258 = tpu.memref_squeeze %dma_start3A_257 : memref<1x10112x128xf32, #tpu.memory_space<vmem_shared>> -> memref<10112x128xf32, #tpu.memory_space<vmem_shared>>
      %dma_start3A_259 = arith.constant 0 : i32
      %dma_start3A_260 = tpu.memref_slice %dma_start3A_258[%add3A_12, %dma_start3A_259] : memref<10112x128xf32, #tpu.memory_space<vmem_shared>> -> memref<128x128xf32, #tpu.memory_space<vmem_shared>>
      tpu.enqueue_dma source(%arg7 : memref<128x128xf32, #tpu.memory_space<vmem>>) target(%dma_start3A_260 : memref<128x128xf32, #tpu.memory_space<vmem_shared>>) target_semaphore(%run_scoped3A_248 : memref<!tpu.dma_semaphore, #tpu.memory_space<semaphore_mem>>)
      %dma_wait3A_261 = arith.constant 0 : i32
      %dma_wait3A_262 = arith.constant 0 : i32
      %dma_wait3A_263 = tpu.memref_slice %arg9[%run_scoped3A, %dma_wait3A_261, %dma_wait3A_262] : memref<1x10112x128xf32, #tpu.memory_space<vmem_shared>> -> memref<1x10112x128xf32, #tpu.memory_space<vmem_shared>>
      %dma_wait3A_264 = tpu.memref_squeeze %dma_wait3A_263 : memref<1x10112x128xf32, #tpu.memory_space<vmem_shared>> -> memref<10112x128xf32, #tpu.memory_space<vmem_shared>>
      %dma_wait3A_265 = arith.constant 0 : i32
      %dma_wait3A_266 = tpu.memref_slice %dma_wait3A_264[%add3A_12, %dma_wait3A_265] : memref<10112x128xf32, #tpu.memory_space<vmem_shared>> -> memref<128x128xf32, #tpu.memory_space<vmem_shared>>
      %dma_wait3A_267 = arith.constant 0 : i32
      %dma_wait3A_268 = arith.constant 0 : i32
      %dma_wait3A_269 = tpu.memref_slice %arg9[%run_scoped3A, %dma_wait3A_267, %dma_wait3A_268] : memref<1x10112x128xf32, #tpu.memory_space<vmem_shared>> -> memref<1x10112x128xf32, #tpu.memory_space<vmem_shared>>
      %dma_wait3A_270 = tpu.memref_squeeze %dma_wait3A_269 : memref<1x10112x128xf32, #tpu.memory_space<vmem_shared>> -> memref<10112x128xf32, #tpu.memory_space<vmem_shared>>
      %dma_wait3A_271 = arith.constant 0 : i32
      %dma_wait3A_272 = tpu.memref_slice %dma_wait3A_270[%add3A_12, %dma_wait3A_271] : memref<10112x128xf32, #tpu.memory_space<vmem_shared>> -> memref<128x128xf32, #tpu.memory_space<vmem_shared>>
      tpu.wait_dma2 semaphore(%run_scoped3A_248 : memref<!tpu.dma_semaphore, #tpu.memory_space<semaphore_mem>>) src(%arg7 : memref<128x128xf32, #tpu.memory_space<vmem>>) dst(%dma_wait3A_272 : memref<128x128xf32, #tpu.memory_space<vmem_shared>>)
      tpu.yield
    }) : () -> ()
    %add3A_13 = arith.constant 128 : i32
    %add3A_14 = arith.addi %multiple_of3A_5, %add3A_13 : i32
    %run_scoped3A_15 = arith.constant 0 : i32
    "tpu.region"() ({
      %run_scoped3A_248 = tpu.sem_alloc : memref<!tpu.dma_semaphore, #tpu.memory_space<semaphore_mem>>
      %dma_start3A_249 = arith.constant 0 : i32
      %dma_start3A_250 = arith.constant 0 : i32
      %dma_start3A_251 = tpu.memref_slice %arg9[%run_scoped3A_15, %dma_start3A_249, %dma_start3A_250] : memref<1x10112x128xf32, #tpu.memory_space<vmem_shared>> -> memref<1x10112x128xf32, #tpu.memory_space<vmem_shared>>
      %dma_start3A_252 = tpu.memref_squeeze %dma_start3A_251 : memref<1x10112x128xf32, #tpu.memory_space<vmem_shared>> -> memref<10112x128xf32, #tpu.memory_space<vmem_shared>>
      %dma_start3A_253 = arith.constant 0 : i32
      %dma_start3A_254 = tpu.memref_slice %dma_start3A_252[%add3A_14, %dma_start3A_253] : memref<10112x128xf32, #tpu.memory_space<vmem_shared>> -> memref<128x128xf32, #tpu.memory_space<vmem_shared>>
      %dma_start3A_255 = arith.constant 0 : i32
      %dma_start3A_256 = arith.constant 0 : i32
      %dma_start3A_257 = tpu.memref_slice %arg9[%run_scoped3A_15, %dma_start3A_255, %dma_start3A_256] : memref<1x10112x128xf32, #tpu.memory_space<vmem_shared>> -> memref<1x10112x128xf32, #tpu.memory_space<vmem_shared>>
      %dma_start3A_258 = tpu.memref_squeeze %dma_start3A_257 : memref<1x10112x128xf32, #tpu.memory_space<vmem_shared>> -> memref<10112x128xf32, #tpu.memory_space<vmem_shared>>
      %dma_start3A_259 = arith.constant 0 : i32
      %dma_start3A_260 = tpu.memref_slice %dma_start3A_258[%add3A_14, %dma_start3A_259] : memref<10112x128xf32, #tpu.memory_space<vmem_shared>> -> memref<128x128xf32, #tpu.memory_space<vmem_shared>>
      tpu.enqueue_dma source(%arg7 : memref<128x128xf32, #tpu.memory_space<vmem>>) target(%dma_start3A_260 : memref<128x128xf32, #tpu.memory_space<vmem_shared>>) target_semaphore(%run_scoped3A_248 : memref<!tpu.dma_semaphore, #tpu.memory_space<semaphore_mem>>)
      %dma_wait3A_261 = arith.constant 0 : i32
      %dma_wait3A_262 = arith.constant 0 : i32
      %dma_wait3A_263 = tpu.memref_slice %arg9[%run_scoped3A_15, %dma_wait3A_261, %dma_wait3A_262] : memref<1x10112x128xf32, #tpu.memory_space<vmem_shared>> -> memref<1x10112x128xf32, #tpu.memory_space<vmem_shared>>
      %dma_wait3A_264 = tpu.memref_squeeze %dma_wait3A_263 : memref<1x10112x128xf32, #tpu.memory_space<vmem_shared>> -> memref<10112x128xf32, #tpu.memory_space<vmem_shared>>
      %dma_wait3A_265 = arith.constant 0 : i32
      %dma_wait3A_266 = tpu.memref_slice %dma_wait3A_264[%add3A_14, %dma_wait3A_265] : memref<10112x128xf32, #tpu.memory_space<vmem_shared>> -> memref<128x128xf32, #tpu.memory_space<vmem_shared>>
      %dma_wait3A_267 = arith.constant 0 : i32
      %dma_wait3A_268 = arith.constant 0 : i32
      %dma_wait3A_269 = tpu.memref_slice %arg9[%run_scoped3A_15, %dma_wait3A_267, %dma_wait3A_268] : memref<1x10112x128xf32, #tpu.memory_space<vmem_shared>> -> memref<1x10112x128xf32, #tpu.memory_space<vmem_shared>>
      %dma_wait3A_270 = tpu.memref_squeeze %dma_wait3A_269 : memref<1x10112x128xf32, #tpu.memory_space<vmem_shared>> -> memref<10112x128xf32, #tpu.memory_space<vmem_shared>>
      %dma_wait3A_271 = arith.constant 0 : i32
      %dma_wait3A_272 = tpu.memref_slice %dma_wait3A_270[%add3A_14, %dma_wait3A_271] : memref<10112x128xf32, #tpu.memory_space<vmem_shared>> -> memref<128x128xf32, #tpu.memory_space<vmem_shared>>
      tpu.wait_dma2 semaphore(%run_scoped3A_248 : memref<!tpu.dma_semaphore, #tpu.memory_space<semaphore_mem>>) src(%arg7 : memref<128x128xf32, #tpu.memory_space<vmem>>) dst(%dma_wait3A_272 : memref<128x128xf32, #tpu.memory_space<vmem_shared>>)
      tpu.yield
    }) : () -> ()
    %add3A_16 = arith.constant 256 : i32
    %add3A_17 = arith.addi %multiple_of3A_5, %add3A_16 : i32
    %run_scoped3A_18 = arith.constant 0 : i32
    "tpu.region"() ({
      %run_scoped3A_248 = tpu.sem_alloc : memref<!tpu.dma_semaphore, #tpu.memory_space<semaphore_mem>>
      %dma_start3A_249 = arith.constant 0 : i32
      %dma_start3A_250 = arith.constant 0 : i32
      %dma_start3A_251 = tpu.memref_slice %arg9[%run_scoped3A_18, %dma_start3A_249, %dma_start3A_250] : memref<1x10112x128xf32, #tpu.memory_space<vmem_shared>> -> memref<1x10112x128xf32, #tpu.memory_space<vmem_shared>>
      %dma_start3A_252 = tpu.memref_squeeze %dma_start3A_251 : memref<1x10112x128xf32, #tpu.memory_space<vmem_shared>> -> memref<10112x128xf32, #tpu.memory_space<vmem_shared>>
      %dma_start3A_253 = arith.constant 0 : i32
      %dma_start3A_254 = tpu.memref_slice %dma_start3A_252[%add3A_17, %dma_start3A_253] : memref<10112x128xf32, #tpu.memory_space<vmem_shared>> -> memref<128x128xf32, #tpu.memory_space<vmem_shared>>
      %dma_start3A_255 = arith.constant 0 : i32
      %dma_start3A_256 = arith.constant 0 : i32
      %dma_start3A_257 = tpu.memref_slice %arg9[%run_scoped3A_18, %dma_start3A_255, %dma_start3A_256] : memref<1x10112x128xf32, #tpu.memory_space<vmem_shared>> -> memref<1x10112x128xf32, #tpu.memory_space<vmem_shared>>
      %dma_start3A_258 = tpu.memref_squeeze %dma_start3A_257 : memref<1x10112x128xf32, #tpu.memory_space<vmem_shared>> -> memref<10112x128xf32, #tpu.memory_space<vmem_shared>>
      %dma_start3A_259 = arith.constant 0 : i32
      %dma_start3A_260 = tpu.memref_slice %dma_start3A_258[%add3A_17, %dma_start3A_259] : memref<10112x128xf32, #tpu.memory_space<vmem_shared>> -> memref<128x128xf32, #tpu.memory_space<vmem_shared>>
      tpu.enqueue_dma source(%arg7 : memref<128x128xf32, #tpu.memory_space<vmem>>) target(%dma_start3A_260 : memref<128x128xf32, #tpu.memory_space<vmem_shared>>) target_semaphore(%run_scoped3A_248 : memref<!tpu.dma_semaphore, #tpu.memory_space<semaphore_mem>>)
      %dma_wait3A_261 = arith.constant 0 : i32
      %dma_wait3A_262 = arith.constant 0 : i32
      %dma_wait3A_263 = tpu.memref_slice %arg9[%run_scoped3A_18, %dma_wait3A_261, %dma_wait3A_262] : memref<1x10112x128xf32, #tpu.memory_space<vmem_shared>> -> memref<1x10112x128xf32, #tpu.memory_space<vmem_shared>>
      %dma_wait3A_264 = tpu.memref_squeeze %dma_wait3A_263 : memref<1x10112x128xf32, #tpu.memory_space<vmem_shared>> -> memref<10112x128xf32, #tpu.memory_space<vmem_shared>>
      %dma_wait3A_265 = arith.constant 0 : i32
      %dma_wait3A_266 = tpu.memref_slice %dma_wait3A_264[%add3A_17, %dma_wait3A_265] : memref<10112x128xf32, #tpu.memory_space<vmem_shared>> -> memref<128x128xf32, #tpu.memory_space<vmem_shared>>
      %dma_wait3A_267 = arith.constant 0 : i32
      %dma_wait3A_268 = arith.constant 0 : i32
      %dma_wait3A_269 = tpu.memref_slice %arg9[%run_scoped3A_18, %dma_wait3A_267, %dma_wait3A_268] : memref<1x10112x128xf32, #tpu.memory_space<vmem_shared>> -> memref<1x10112x128xf32, #tpu.memory_space<vmem_shared>>
      %dma_wait3A_270 = tpu.memref_squeeze %dma_wait3A_269 : memref<1x10112x128xf32, #tpu.memory_space<vmem_shared>> -> memref<10112x128xf32, #tpu.memory_space<vmem_shared>>
      %dma_wait3A_271 = arith.constant 0 : i32
      %dma_wait3A_272 = tpu.memref_slice %dma_wait3A_270[%add3A_17, %dma_wait3A_271] : memref<10112x128xf32, #tpu.memory_space<vmem_shared>> -> memref<128x128xf32, #tpu.memory_space<vmem_shared>>
      tpu.wait_dma2 semaphore(%run_scoped3A_248 : memref<!tpu.dma_semaphore, #tpu.memory_space<semaphore_mem>>) src(%arg7 : memref<128x128xf32, #tpu.memory_space<vmem>>) dst(%dma_wait3A_272 : memref<128x128xf32, #tpu.memory_space<vmem_shared>>)
      tpu.yield
    }) : () -> ()
    %add3A_19 = arith.constant 384 : i32
    %add3A_20 = arith.addi %multiple_of3A_5, %add3A_19 : i32
    %run_scoped3A_21 = arith.constant 0 : i32
    "tpu.region"() ({
      %run_scoped3A_248 = tpu.sem_alloc : memref<!tpu.dma_semaphore, #tpu.memory_space<semaphore_mem>>
      %dma_start3A_249 = arith.constant 0 : i32
      %dma_start3A_250 = arith.constant 0 : i32
      %dma_start3A_251 = tpu.memref_slice %arg9[%run_scoped3A_21, %dma_start3A_249, %dma_start3A_250] : memref<1x10112x128xf32, #tpu.memory_space<vmem_shared>> -> memref<1x10112x128xf32, #tpu.memory_space<vmem_shared>>
      %dma_start3A_252 = tpu.memref_squeeze %dma_start3A_251 : memref<1x10112x128xf32, #tpu.memory_space<vmem_shared>> -> memref<10112x128xf32, #tpu.memory_space<vmem_shared>>
      %dma_start3A_253 = arith.constant 0 : i32
      %dma_start3A_254 = tpu.memref_slice %dma_start3A_252[%add3A_20, %dma_start3A_253] : memref<10112x128xf32, #tpu.memory_space<vmem_shared>> -> memref<128x128xf32, #tpu.memory_space<vmem_shared>>
      %dma_start3A_255 = arith.constant 0 : i32
      %dma_start3A_256 = arith.constant 0 : i32
      %dma_start3A_257 = tpu.memref_slice %arg9[%run_scoped3A_21, %dma_start3A_255, %dma_start3A_256] : memref<1x10112x128xf32, #tpu.memory_space<vmem_shared>> -> memref<1x10112x128xf32, #tpu.memory_space<vmem_shared>>
      %dma_start3A_258 = tpu.memref_squeeze %dma_start3A_257 : memref<1x10112x128xf32, #tpu.memory_space<vmem_shared>> -> memref<10112x128xf32, #tpu.memory_space<vmem_shared>>
      %dma_start3A_259 = arith.constant 0 : i32
      %dma_start3A_260 = tpu.memref_slice %dma_start3A_258[%add3A_20, %dma_start3A_259] : memref<10112x128xf32, #tpu.memory_space<vmem_shared>> -> memref<128x128xf32, #tpu.memory_space<vmem_shared>>
      tpu.enqueue_dma source(%arg7 : memref<128x128xf32, #tpu.memory_space<vmem>>) target(%dma_start3A_260 : memref<128x128xf32, #tpu.memory_space<vmem_shared>>) target_semaphore(%run_scoped3A_248 : memref<!tpu.dma_semaphore, #tpu.memory_space<semaphore_mem>>)
      %dma_wait3A_261 = arith.constant 0 : i32
      %dma_wait3A_262 = arith.constant 0 : i32
      %dma_wait3A_263 = tpu.memref_slice %arg9[%run_scoped3A_21, %dma_wait3A_261, %dma_wait3A_262] : memref<1x10112x128xf32, #tpu.memory_space<vmem_shared>> -> memref<1x10112x128xf32, #tpu.memory_space<vmem_shared>>
      %dma_wait3A_264 = tpu.memref_squeeze %dma_wait3A_263 : memref<1x10112x128xf32, #tpu.memory_space<vmem_shared>> -> memref<10112x128xf32, #tpu.memory_space<vmem_shared>>
      %dma_wait3A_265 = arith.constant 0 : i32
      %dma_wait3A_266 = tpu.memref_slice %dma_wait3A_264[%add3A_20, %dma_wait3A_265] : memref<10112x128xf32, #tpu.memory_space<vmem_shared>> -> memref<128x128xf32, #tpu.memory_space<vmem_shared>>
      %dma_wait3A_267 = arith.constant 0 : i32
      %dma_wait3A_268 = arith.constant 0 : i32
      %dma_wait3A_269 = tpu.memref_slice %arg9[%run_scoped3A_21, %dma_wait3A_267, %dma_wait3A_268] : memref<1x10112x128xf32, #tpu.memory_space<vmem_shared>> -> memref<1x10112x128xf32, #tpu.memory_space<vmem_shared>>
      %dma_wait3A_270 = tpu.memref_squeeze %dma_wait3A_269 : memref<1x10112x128xf32, #tpu.memory_space<vmem_shared>> -> memref<10112x128xf32, #tpu.memory_space<vmem_shared>>
      %dma_wait3A_271 = arith.constant 0 : i32
      %dma_wait3A_272 = tpu.memref_slice %dma_wait3A_270[%add3A_20, %dma_wait3A_271] : memref<10112x128xf32, #tpu.memory_space<vmem_shared>> -> memref<128x128xf32, #tpu.memory_space<vmem_shared>>
      tpu.wait_dma2 semaphore(%run_scoped3A_248 : memref<!tpu.dma_semaphore, #tpu.memory_space<semaphore_mem>>) src(%arg7 : memref<128x128xf32, #tpu.memory_space<vmem>>) dst(%dma_wait3A_272 : memref<128x128xf32, #tpu.memory_space<vmem_shared>>)
      tpu.yield
    }) : () -> ()
    %add3A_22 = arith.constant 512 : i32
    %add3A_23 = arith.addi %multiple_of3A_5, %add3A_22 : i32
    %run_scoped3A_24 = arith.constant 0 : i32
    "tpu.region"() ({
      %run_scoped3A_248 = tpu.sem_alloc : memref<!tpu.dma_semaphore, #tpu.memory_space<semaphore_mem>>
      %dma_start3A_249 = arith.constant 0 : i32
      %dma_start3A_250 = arith.constant 0 : i32
      %dma_start3A_251 = tpu.memref_slice %arg7[%dma_start3A_249, %dma_start3A_250] : memref<128x128xf32, #tpu.memory_space<vmem>> -> memref<120x128xf32, #tpu.memory_space<vmem>>
      %dma_start3A_252 = arith.constant 0 : i32
      %dma_start3A_253 = arith.constant 0 : i32
      %dma_start3A_254 = tpu.memref_slice %arg9[%run_scoped3A_24, %dma_start3A_252, %dma_start3A_253] : memref<1x10112x128xf32, #tpu.memory_space<vmem_shared>> -> memref<1x10112x128xf32, #tpu.memory_space<vmem_shared>>
      %dma_start3A_255 = tpu.memref_squeeze %dma_start3A_254 : memref<1x10112x128xf32, #tpu.memory_space<vmem_shared>> -> memref<10112x128xf32, #tpu.memory_space<vmem_shared>>
      %dma_start3A_256 = arith.constant 0 : i32
      %dma_start3A_257 = tpu.memref_slice %dma_start3A_255[%add3A_23, %dma_start3A_256] : memref<10112x128xf32, #tpu.memory_space<vmem_shared>> -> memref<120x128xf32, #tpu.memory_space<vmem_shared>>
      %dma_start3A_258 = arith.constant 0 : i32
      %dma_start3A_259 = arith.constant 0 : i32
      %dma_start3A_260 = tpu.memref_slice %arg9[%run_scoped3A_24, %dma_start3A_258, %dma_start3A_259] : memref<1x10112x128xf32, #tpu.memory_space<vmem_shared>> -> memref<1x10112x128xf32, #tpu.memory_space<vmem_shared>>
      %dma_start3A_261 = tpu.memref_squeeze %dma_start3A_260 : memref<1x10112x128xf32, #tpu.memory_space<vmem_shared>> -> memref<10112x128xf32, #tpu.memory_space<vmem_shared>>
      %dma_start3A_262 = arith.constant 0 : i32
      %dma_start3A_263 = tpu.memref_slice %dma_start3A_261[%add3A_23, %dma_start3A_262] : memref<10112x128xf32, #tpu.memory_space<vmem_shared>> -> memref<120x128xf32, #tpu.memory_space<vmem_shared>>
      %dma_start3A_264 = arith.constant 0 : i32
      %dma_start3A_265 = arith.constant 0 : i32
      %dma_start3A_266 = tpu.memref_slice %arg7[%dma_start3A_264, %dma_start3A_265] : memref<128x128xf32, #tpu.memory_space<vmem>> -> memref<120x128xf32, #tpu.memory_space<vmem>>
      tpu.enqueue_dma source(%dma_start3A_266 : memref<120x128xf32, #tpu.memory_space<vmem>>) target(%dma_start3A_263 : memref<120x128xf32, #tpu.memory_space<vmem_shared>>) target_semaphore(%run_scoped3A_248 : memref<!tpu.dma_semaphore, #tpu.memory_space<semaphore_mem>>)
      %dma_wait3A_267 = arith.constant 0 : i32
      %dma_wait3A_268 = arith.constant 0 : i32
      %dma_wait3A_269 = tpu.memref_slice %arg7[%dma_wait3A_267, %dma_wait3A_268] : memref<128x128xf32, #tpu.memory_space<vmem>> -> memref<120x128xf32, #tpu.memory_space<vmem>>
      %dma_wait3A_270 = arith.constant 0 : i32
      %dma_wait3A_271 = arith.constant 0 : i32
      %dma_wait3A_272 = tpu.memref_slice %arg9[%run_scoped3A_24, %dma_wait3A_270, %dma_wait3A_271] : memref<1x10112x128xf32, #tpu.memory_space<vmem_shared>> -> memref<1x10112x128xf32, #tpu.memory_space<vmem_shared>>
      %dma_wait3A_273 = tpu.memref_squeeze %dma_wait3A_272 : memref<1x10112x128xf32, #tpu.memory_space<vmem_shared>> -> memref<10112x128xf32, #tpu.memory_space<vmem_shared>>
      %dma_wait3A_274 = arith.constant 0 : i32
      %dma_wait3A_275 = tpu.memref_slice %dma_wait3A_273[%add3A_23, %dma_wait3A_274] : memref<10112x128xf32, #tpu.memory_space<vmem_shared>> -> memref<120x128xf32, #tpu.memory_space<vmem_shared>>
      %dma_wait3A_276 = arith.constant 0 : i32
      %dma_wait3A_277 = arith.constant 0 : i32
      %dma_wait3A_278 = tpu.memref_slice %arg9[%run_scoped3A_24, %dma_wait3A_276, %dma_wait3A_277] : memref<1x10112x128xf32, #tpu.memory_space<vmem_shared>> -> memref<1x10112x128xf32, #tpu.memory_space<vmem_shared>>
      %dma_wait3A_279 = tpu.memref_squeeze %dma_wait3A_278 : memref<1x10112x128xf32, #tpu.memory_space<vmem_shared>> -> memref<10112x128xf32, #tpu.memory_space<vmem_shared>>
      %dma_wait3A_280 = arith.constant 0 : i32
      %dma_wait3A_281 = tpu.memref_slice %dma_wait3A_279[%add3A_23, %dma_wait3A_280] : memref<10112x128xf32, #tpu.memory_space<vmem_shared>> -> memref<120x128xf32, #tpu.memory_space<vmem_shared>>
      %dma_wait3A_282 = arith.constant 0 : i32
      %dma_wait3A_283 = arith.constant 0 : i32
      %dma_wait3A_284 = tpu.memref_slice %arg7[%dma_wait3A_282, %dma_wait3A_283] : memref<128x128xf32, #tpu.memory_space<vmem>> -> memref<120x128xf32, #tpu.memory_space<vmem>>
      tpu.wait_dma2 semaphore(%run_scoped3A_248 : memref<!tpu.dma_semaphore, #tpu.memory_space<semaphore_mem>>) src(%dma_wait3A_284 : memref<120x128xf32, #tpu.memory_space<vmem>>) dst(%dma_wait3A_281 : memref<120x128xf32, #tpu.memory_space<vmem_shared>>)
      tpu.yield
    }) : () -> ()
    %scan3A_25 = arith.constant 0 : i32
    %scan3A_26 = arith.constant 0 : i32
    %scan3A_27 = arith.constant 128 : i32
    %scan3A_28 = arith.addi %scan3A_26, %scan3A_27 : i32
    %scan3A_29 = arith.constant 1 : i32
    scf.for %scan3A_248 = %scan3A_26 to %scan3A_28 step %scan3A_29  : i32 {
      %scan3A_249 = arith.constant 0 : i32
      %broadcast_in_dim3A = arith.constant 0.000000e+00 : f32
      %broadcast_in_dim3A_250 = vector.broadcast %broadcast_in_dim3A : f32 to vector<16xf32>
      %mul3A_251 = arith.constant 16 : i32
      %mul3A_252 = arith.muli %scan3A_249, %mul3A_251 : i32
      %swap3A = arith.index_cast %scan3A_248 : i32 to index
      %swap3A_253 = arith.index_cast %mul3A_252 : i32 to index
      %swap3A_254 = tpu.vector_load %arg16[%swap3A, %swap3A_253] {strides = array<i32>} : memref<128x16xf32, #tpu.memory_space<vmem>>, vector<1x16xf32>,
      %swap3A_255 = vector.shape_cast %swap3A_254 : vector<1x16xf32> to vector<16xf32>
      %swap3A_256 = vector.shape_cast %broadcast_in_dim3A_250 : vector<16xf32> to vector<1x16xf32>
      tpu.vector_store %arg16[%swap3A, %swap3A_253], %swap3A_256 {strides = array<i32>} : memref<128x16xf32, #tpu.memory_space<vmem>>, vector<1x16xf32>,
      %scan3A_257 = arith.constant 1 : i32
    }
    %scan3A_30 = arith.constant 128 : i32
    %add3A_31 = arith.constant 0 : i32
    %add3A_32 = arith.addi %multiple_of3A_5, %add3A_31 : i32
    "tpu.region"() ({
      %run_scoped3A_248 = tpu.sem_alloc : memref<!tpu.dma_semaphore, #tpu.memory_space<semaphore_mem>>
      %dma_start3A_249 = arith.constant 0 : i32
      %dma_start3A_250 = tpu.memref_slice %arg17[%add3A_32, %dma_start3A_249] : memref<10112x16xf32, #tpu.memory_space<vmem_shared>> -> memref<128x16xf32, #tpu.memory_space<vmem_shared>>
      %dma_start3A_251 = arith.constant 0 : i32
      %dma_start3A_252 = tpu.memref_slice %arg17[%add3A_32, %dma_start3A_251] : memref<10112x16xf32, #tpu.memory_space<vmem_shared>> -> memref<128x16xf32, #tpu.memory_space<vmem_shared>>
      tpu.enqueue_dma source(%arg16 : memref<128x16xf32, #tpu.memory_space<vmem>>) target(%dma_start3A_252 : memref<128x16xf32, #tpu.memory_space<vmem_shared>>) target_semaphore(%run_scoped3A_248 : memref<!tpu.dma_semaphore, #tpu.memory_space<semaphore_mem>>)
      %dma_wait3A_253 = arith.constant 0 : i32
      %dma_wait3A_254 = tpu.memref_slice %arg17[%add3A_32, %dma_wait3A_253] : memref<10112x16xf32, #tpu.memory_space<vmem_shared>> -> memref<128x16xf32, #tpu.memory_space<vmem_shared>>
      %dma_wait3A_255 = arith.constant 0 : i32
      %dma_wait3A_256 = tpu.memref_slice %arg17[%add3A_32, %dma_wait3A_255] : memref<10112x16xf32, #tpu.memory_space<vmem_shared>> -> memref<128x16xf32, #tpu.memory_space<vmem_shared>>
      tpu.wait_dma2 semaphore(%run_scoped3A_248 : memref<!tpu.dma_semaphore, #tpu.memory_space<semaphore_mem>>) src(%arg16 : memref<128x16xf32, #tpu.memory_space<vmem>>) dst(%dma_wait3A_256 : memref<128x16xf32, #tpu.memory_space<vmem_shared>>)
      tpu.yield
    }) : () -> ()
    %add3A_33 = arith.constant 128 : i32
    %add3A_34 = arith.addi %multiple_of3A_5, %add3A_33 : i32
    "tpu.region"() ({
      %run_scoped3A_248 = tpu.sem_alloc : memref<!tpu.dma_semaphore, #tpu.memory_space<semaphore_mem>>
      %dma_start3A_249 = arith.constant 0 : i32
      %dma_start3A_250 = tpu.memref_slice %arg17[%add3A_34, %dma_start3A_249] : memref<10112x16xf32, #tpu.memory_space<vmem_shared>> -> memref<128x16xf32, #tpu.memory_space<vmem_shared>>
      %dma_start3A_251 = arith.constant 0 : i32
      %dma_start3A_252 = tpu.memref_slice %arg17[%add3A_34, %dma_start3A_251] : memref<10112x16xf32, #tpu.memory_space<vmem_shared>> -> memref<128x16xf32, #tpu.memory_space<vmem_shared>>
      tpu.enqueue_dma source(%arg16 : memref<128x16xf32, #tpu.memory_space<vmem>>) target(%dma_start3A_252 : memref<128x16xf32, #tpu.memory_space<vmem_shared>>) target_semaphore(%run_scoped3A_248 : memref<!tpu.dma_semaphore, #tpu.memory_space<semaphore_mem>>)
      %dma_wait3A_253 = arith.constant 0 : i32
      %dma_wait3A_254 = tpu.memref_slice %arg17[%add3A_34, %dma_wait3A_253] : memref<10112x16xf32, #tpu.memory_space<vmem_shared>> -> memref<128x16xf32, #tpu.memory_space<vmem_shared>>
      %dma_wait3A_255 = arith.constant 0 : i32
      %dma_wait3A_256 = tpu.memref_slice %arg17[%add3A_34, %dma_wait3A_255] : memref<10112x16xf32, #tpu.memory_space<vmem_shared>> -> memref<128x16xf32, #tpu.memory_space<vmem_shared>>
      tpu.wait_dma2 semaphore(%run_scoped3A_248 : memref<!tpu.dma_semaphore, #tpu.memory_space<semaphore_mem>>) src(%arg16 : memref<128x16xf32, #tpu.memory_space<vmem>>) dst(%dma_wait3A_256 : memref<128x16xf32, #tpu.memory_space<vmem_shared>>)
      tpu.yield
    }) : () -> ()
    %add3A_35 = arith.constant 256 : i32
    %add3A_36 = arith.addi %multiple_of3A_5, %add3A_35 : i32
    "tpu.region"() ({
      %run_scoped3A_248 = tpu.sem_alloc : memref<!tpu.dma_semaphore, #tpu.memory_space<semaphore_mem>>
      %dma_start3A_249 = arith.constant 0 : i32
      %dma_start3A_250 = tpu.memref_slice %arg17[%add3A_36, %dma_start3A_249] : memref<10112x16xf32, #tpu.memory_space<vmem_shared>> -> memref<128x16xf32, #tpu.memory_space<vmem_shared>>
      %dma_start3A_251 = arith.constant 0 : i32
      %dma_start3A_252 = tpu.memref_slice %arg17[%add3A_36, %dma_start3A_251] : memref<10112x16xf32, #tpu.memory_space<vmem_shared>> -> memref<128x16xf32, #tpu.memory_space<vmem_shared>>
      tpu.enqueue_dma source(%arg16 : memref<128x16xf32, #tpu.memory_space<vmem>>) target(%dma_start3A_252 : memref<128x16xf32, #tpu.memory_space<vmem_shared>>) target_semaphore(%run_scoped3A_248 : memref<!tpu.dma_semaphore, #tpu.memory_space<semaphore_mem>>)
      %dma_wait3A_253 = arith.constant 0 : i32
      %dma_wait3A_254 = tpu.memref_slice %arg17[%add3A_36, %dma_wait3A_253] : memref<10112x16xf32, #tpu.memory_space<vmem_shared>> -> memref<128x16xf32, #tpu.memory_space<vmem_shared>>
      %dma_wait3A_255 = arith.constant 0 : i32
      %dma_wait3A_256 = tpu.memref_slice %arg17[%add3A_36, %dma_wait3A_255] : memref<10112x16xf32, #tpu.memory_space<vmem_shared>> -> memref<128x16xf32, #tpu.memory_space<vmem_shared>>
      tpu.wait_dma2 semaphore(%run_scoped3A_248 : memref<!tpu.dma_semaphore, #tpu.memory_space<semaphore_mem>>) src(%arg16 : memref<128x16xf32, #tpu.memory_space<vmem>>) dst(%dma_wait3A_256 : memref<128x16xf32, #tpu.memory_space<vmem_shared>>)
      tpu.yield
    }) : () -> ()
    %add3A_37 = arith.constant 384 : i32
    %add3A_38 = arith.addi %multiple_of3A_5, %add3A_37 : i32
    "tpu.region"() ({
      %run_scoped3A_248 = tpu.sem_alloc : memref<!tpu.dma_semaphore, #tpu.memory_space<semaphore_mem>>
      %dma_start3A_249 = arith.constant 0 : i32
      %dma_start3A_250 = tpu.memref_slice %arg17[%add3A_38, %dma_start3A_249] : memref<10112x16xf32, #tpu.memory_space<vmem_shared>> -> memref<128x16xf32, #tpu.memory_space<vmem_shared>>
      %dma_start3A_251 = arith.constant 0 : i32
      %dma_start3A_252 = tpu.memref_slice %arg17[%add3A_38, %dma_start3A_251] : memref<10112x16xf32, #tpu.memory_space<vmem_shared>> -> memref<128x16xf32, #tpu.memory_space<vmem_shared>>
      tpu.enqueue_dma source(%arg16 : memref<128x16xf32, #tpu.memory_space<vmem>>) target(%dma_start3A_252 : memref<128x16xf32, #tpu.memory_space<vmem_shared>>) target_semaphore(%run_scoped3A_248 : memref<!tpu.dma_semaphore, #tpu.memory_space<semaphore_mem>>)
      %dma_wait3A_253 = arith.constant 0 : i32
      %dma_wait3A_254 = tpu.memref_slice %arg17[%add3A_38, %dma_wait3A_253] : memref<10112x16xf32, #tpu.memory_space<vmem_shared>> -> memref<128x16xf32, #tpu.memory_space<vmem_shared>>
      %dma_wait3A_255 = arith.constant 0 : i32
      %dma_wait3A_256 = tpu.memref_slice %arg17[%add3A_38, %dma_wait3A_255] : memref<10112x16xf32, #tpu.memory_space<vmem_shared>> -> memref<128x16xf32, #tpu.memory_space<vmem_shared>>
      tpu.wait_dma2 semaphore(%run_scoped3A_248 : memref<!tpu.dma_semaphore, #tpu.memory_space<semaphore_mem>>) src(%arg16 : memref<128x16xf32, #tpu.memory_space<vmem>>) dst(%dma_wait3A_256 : memref<128x16xf32, #tpu.memory_space<vmem_shared>>)
      tpu.yield
    }) : () -> ()
    %add3A_39 = arith.constant 512 : i32
    %add3A_40 = arith.addi %multiple_of3A_5, %add3A_39 : i32
    "tpu.region"() ({
      %run_scoped3A_248 = tpu.sem_alloc : memref<!tpu.dma_semaphore, #tpu.memory_space<semaphore_mem>>
      %dma_start3A_249 = arith.constant 0 : i32
      %dma_start3A_250 = arith.constant 0 : i32
      %dma_start3A_251 = tpu.memref_slice %arg16[%dma_start3A_249, %dma_start3A_250] : memref<128x16xf32, #tpu.memory_space<vmem>> -> memref<120x16xf32, #tpu.memory_space<vmem>>
      %dma_start3A_252 = arith.constant 0 : i32
      %dma_start3A_253 = tpu.memref_slice %arg17[%add3A_40, %dma_start3A_252] : memref<10112x16xf32, #tpu.memory_space<vmem_shared>> -> memref<120x16xf32, #tpu.memory_space<vmem_shared>>
      %dma_start3A_254 = arith.constant 0 : i32
      %dma_start3A_255 = tpu.memref_slice %arg17[%add3A_40, %dma_start3A_254] : memref<10112x16xf32, #tpu.memory_space<vmem_shared>> -> memref<120x16xf32, #tpu.memory_space<vmem_shared>>
      %dma_start3A_256 = arith.constant 0 : i32
      %dma_start3A_257 = arith.constant 0 : i32
      %dma_start3A_258 = tpu.memref_slice %arg16[%dma_start3A_256, %dma_start3A_257] : memref<128x16xf32, #tpu.memory_space<vmem>> -> memref<120x16xf32, #tpu.memory_space<vmem>>
      tpu.enqueue_dma source(%dma_start3A_258 : memref<120x16xf32, #tpu.memory_space<vmem>>) target(%dma_start3A_255 : memref<120x16xf32, #tpu.memory_space<vmem_shared>>) target_semaphore(%run_scoped3A_248 : memref<!tpu.dma_semaphore, #tpu.memory_space<semaphore_mem>>)
      %dma_wait3A_259 = arith.constant 0 : i32
      %dma_wait3A_260 = arith.constant 0 : i32
      %dma_wait3A_261 = tpu.memref_slice %arg16[%dma_wait3A_259, %dma_wait3A_260] : memref<128x16xf32, #tpu.memory_space<vmem>> -> memref<120x16xf32, #tpu.memory_space<vmem>>
      %dma_wait3A_262 = arith.constant 0 : i32
      %dma_wait3A_263 = tpu.memref_slice %arg17[%add3A_40, %dma_wait3A_262] : memref<10112x16xf32, #tpu.memory_space<vmem_shared>> -> memref<120x16xf32, #tpu.memory_space<vmem_shared>>
      %dma_wait3A_264 = arith.constant 0 : i32
      %dma_wait3A_265 = tpu.memref_slice %arg17[%add3A_40, %dma_wait3A_264] : memref<10112x16xf32, #tpu.memory_space<vmem_shared>> -> memref<120x16xf32, #tpu.memory_space<vmem_shared>>
      %dma_wait3A_266 = arith.constant 0 : i32
      %dma_wait3A_267 = arith.constant 0 : i32
      %dma_wait3A_268 = tpu.memref_slice %arg16[%dma_wait3A_266, %dma_wait3A_267] : memref<128x16xf32, #tpu.memory_space<vmem>> -> memref<120x16xf32, #tpu.memory_space<vmem>>
      tpu.wait_dma2 semaphore(%run_scoped3A_248 : memref<!tpu.dma_semaphore, #tpu.memory_space<semaphore_mem>>) src(%dma_wait3A_268 : memref<120x16xf32, #tpu.memory_space<vmem>>) dst(%dma_wait3A_265 : memref<120x16xf32, #tpu.memory_space<vmem_shared>>)
      tpu.yield
    }) : () -> ()
    %scan3A_41 = arith.constant 0 : i32
    %scan3A_42 = arith.constant 0 : i32
    %scan3A_43 = arith.constant 128 : i32
    %scan3A_44 = arith.addi %scan3A_42, %scan3A_43 : i32
    %scan3A_45 = arith.constant 1 : i32
    scf.for %scan3A_248 = %scan3A_42 to %scan3A_44 step %scan3A_45  : i32 {
      %scan3A_249 = arith.constant 0 : i32
      %broadcast_in_dim3A = arith.constant 1.000000e+00 : f32
      %broadcast_in_dim3A_250 = vector.broadcast %broadcast_in_dim3A : f32 to vector<16xf32>
      %mul3A_251 = arith.constant 16 : i32
      %mul3A_252 = arith.muli %scan3A_249, %mul3A_251 : i32
      %swap3A = arith.index_cast %scan3A_248 : i32 to index
      %swap3A_253 = arith.index_cast %mul3A_252 : i32 to index
      %swap3A_254 = tpu.vector_load %arg16[%swap3A, %swap3A_253] {strides = array<i32>} : memref<128x16xf32, #tpu.memory_space<vmem>>, vector<1x16xf32>,
      %swap3A_255 = vector.shape_cast %swap3A_254 : vector<1x16xf32> to vector<16xf32>
      %swap3A_256 = vector.shape_cast %broadcast_in_dim3A_250 : vector<16xf32> to vector<1x16xf32>
      tpu.vector_store %arg16[%swap3A, %swap3A_253], %swap3A_256 {strides = array<i32>} : memref<128x16xf32, #tpu.memory_space<vmem>>, vector<1x16xf32>,
      %scan3A_257 = arith.constant 1 : i32
    }
    %scan3A_46 = arith.constant 128 : i32
    %barrier3A = arith.constant 0 : index
    tpu.barrier barrier_id(%barrier3A)
    %lt3A = arith.constant 0 : i32
    %lt3A_47 = arith.constant 80 : i32
    %lt3A_48 = arith.cmpi slt, %lt3A, %lt3A_47 : i32
    %add3A_49 = arith.constant 0 : i32
    %add3A_50 = arith.addi %multiple_of3A, %add3A_49 : i32
    %select_n3A = arith.select %lt3A_48, %add3A_50, %multiple_of3A : i32
    %dma_start3A = arith.constant 0 : i32
    %dma_start3A_51 = arith.constant 0 : i32
    %dma_start3A_52 = arith.constant 0 : i32
    %dma_start3A_53 = tpu.memref_slice %arg6[%dma_start3A, %dma_start3A_51, %dma_start3A_52] : memref<4x2x128xi32, #tpu.memory_space<vmem>> -> memref<1x2x128xi32, #tpu.memory_space<vmem>>
    %dma_start3A_54 = tpu.memref_squeeze %dma_start3A_53 : memref<1x2x128xi32, #tpu.memory_space<vmem>> -> memref<2x128xi32, #tpu.memory_space<vmem>>
    %dma_start3A_55 = arith.constant 0 : i32
    %dma_start3A_56 = arith.constant 0 : i32
    %dma_start3A_57 = tpu.memref_slice %arg3[%select_n3A, %dma_start3A_55, %dma_start3A_56] : memref<2560x2x128xi32, #tpu.memory_space<hbm>> -> memref<1x2x128xi32, #tpu.memory_space<hbm>>
    %dma_start3A_58 = tpu.memref_squeeze %dma_start3A_57 : memref<1x2x128xi32, #tpu.memory_space<hbm>> -> memref<2x128xi32, #tpu.memory_space<hbm>>
    %dma_start3A_59 = arith.constant 0 : i32
    %dma_start3A_60 = arith.constant 0 : i32
    %dma_start3A_61 = tpu.memref_slice %arg6[%dma_start3A, %dma_start3A_59, %dma_start3A_60] : memref<4x2x128xi32, #tpu.memory_space<vmem>> -> memref<1x2x128xi32, #tpu.memory_space<vmem>>
    %dma_start3A_62 = tpu.memref_squeeze %dma_start3A_61 : memref<1x2x128xi32, #tpu.memory_space<vmem>> -> memref<2x128xi32, #tpu.memory_space<vmem>>
    %dma_start3A_63 = arith.constant 0 : i32
    %dma_start3A_64 = arith.constant 0 : i32
    %dma_start3A_65 = tpu.memref_slice %arg3[%select_n3A, %dma_start3A_63, %dma_start3A_64] : memref<2560x2x128xi32, #tpu.memory_space<hbm>> -> memref<1x2x128xi32, #tpu.memory_space<hbm>>
    %dma_start3A_66 = tpu.memref_squeeze %dma_start3A_65 : memref<1x2x128xi32, #tpu.memory_space<hbm>> -> memref<2x128xi32, #tpu.memory_space<hbm>>
    tpu.enqueue_dma source(%dma_start3A_66 : memref<2x128xi32, #tpu.memory_space<hbm>>) target(%dma_start3A_62 : memref<2x128xi32, #tpu.memory_space<vmem>>) target_semaphore(%arg10 : memref<!tpu.dma_semaphore, #tpu.memory_space<semaphore_mem>>)
    %lt3A_67 = arith.constant 1 : i32
    %lt3A_68 = arith.constant 80 : i32
    %lt3A_69 = arith.cmpi slt, %lt3A_67, %lt3A_68 : i32
    %add3A_70 = arith.constant 1 : i32
    %add3A_71 = arith.addi %multiple_of3A, %add3A_70 : i32
    %select_n3A_72 = arith.select %lt3A_69, %add3A_71, %multiple_of3A : i32
    %dma_start3A_73 = arith.constant 1 : i32
    %dma_start3A_74 = arith.constant 0 : i32
    %dma_start3A_75 = arith.constant 0 : i32
    %dma_start3A_76 = tpu.memref_slice %arg6[%dma_start3A_73, %dma_start3A_74, %dma_start3A_75] : memref<4x2x128xi32, #tpu.memory_space<vmem>> -> memref<1x2x128xi32, #tpu.memory_space<vmem>>
    %dma_start3A_77 = tpu.memref_squeeze %dma_start3A_76 : memref<1x2x128xi32, #tpu.memory_space<vmem>> -> memref<2x128xi32, #tpu.memory_space<vmem>>
    %dma_start3A_78 = arith.constant 0 : i32
    %dma_start3A_79 = arith.constant 0 : i32
    %dma_start3A_80 = tpu.memref_slice %arg3[%select_n3A_72, %dma_start3A_78, %dma_start3A_79] : memref<2560x2x128xi32, #tpu.memory_space<hbm>> -> memref<1x2x128xi32, #tpu.memory_space<hbm>>
    %dma_start3A_81 = tpu.memref_squeeze %dma_start3A_80 : memref<1x2x128xi32, #tpu.memory_space<hbm>> -> memref<2x128xi32, #tpu.memory_space<hbm>>
    %dma_start3A_82 = arith.constant 0 : i32
    %dma_start3A_83 = arith.constant 0 : i32
    %dma_start3A_84 = tpu.memref_slice %arg6[%dma_start3A_73, %dma_start3A_82, %dma_start3A_83] : memref<4x2x128xi32, #tpu.memory_space<vmem>> -> memref<1x2x128xi32, #tpu.memory_space<vmem>>
    %dma_start3A_85 = tpu.memref_squeeze %dma_start3A_84 : memref<1x2x128xi32, #tpu.memory_space<vmem>> -> memref<2x128xi32, #tpu.memory_space<vmem>>
    %dma_start3A_86 = arith.constant 0 : i32
    %dma_start3A_87 = arith.constant 0 : i32
    %dma_start3A_88 = tpu.memref_slice %arg3[%select_n3A_72, %dma_start3A_86, %dma_start3A_87] : memref<2560x2x128xi32, #tpu.memory_space<hbm>> -> memref<1x2x128xi32, #tpu.memory_space<hbm>>
    %dma_start3A_89 = tpu.memref_squeeze %dma_start3A_88 : memref<1x2x128xi32, #tpu.memory_space<hbm>> -> memref<2x128xi32, #tpu.memory_space<hbm>>
    tpu.enqueue_dma source(%dma_start3A_89 : memref<2x128xi32, #tpu.memory_space<hbm>>) target(%dma_start3A_85 : memref<2x128xi32, #tpu.memory_space<vmem>>) target_semaphore(%arg11 : memref<!tpu.dma_semaphore, #tpu.memory_space<semaphore_mem>>)
    %lt3A_90 = arith.constant 2 : i32
    %lt3A_91 = arith.constant 80 : i32
    %lt3A_92 = arith.cmpi slt, %lt3A_90, %lt3A_91 : i32
    %add3A_93 = arith.constant 2 : i32
    %add3A_94 = arith.addi %multiple_of3A, %add3A_93 : i32
    %select_n3A_95 = arith.select %lt3A_92, %add3A_94, %multiple_of3A : i32
    %dma_start3A_96 = arith.constant 2 : i32
    %dma_start3A_97 = arith.constant 0 : i32
    %dma_start3A_98 = arith.constant 0 : i32
    %dma_start3A_99 = tpu.memref_slice %arg6[%dma_start3A_96, %dma_start3A_97, %dma_start3A_98] : memref<4x2x128xi32, #tpu.memory_space<vmem>> -> memref<1x2x128xi32, #tpu.memory_space<vmem>>
    %dma_start3A_100 = tpu.memref_squeeze %dma_start3A_99 : memref<1x2x128xi32, #tpu.memory_space<vmem>> -> memref<2x128xi32, #tpu.memory_space<vmem>>
    %dma_start3A_101 = arith.constant 0 : i32
    %dma_start3A_102 = arith.constant 0 : i32
    %dma_start3A_103 = tpu.memref_slice %arg3[%select_n3A_95, %dma_start3A_101, %dma_start3A_102] : memref<2560x2x128xi32, #tpu.memory_space<hbm>> -> memref<1x2x128xi32, #tpu.memory_space<hbm>>
    %dma_start3A_104 = tpu.memref_squeeze %dma_start3A_103 : memref<1x2x128xi32, #tpu.memory_space<hbm>> -> memref<2x128xi32, #tpu.memory_space<hbm>>
    %dma_start3A_105 = arith.constant 0 : i32
    %dma_start3A_106 = arith.constant 0 : i32
    %dma_start3A_107 = tpu.memref_slice %arg6[%dma_start3A_96, %dma_start3A_105, %dma_start3A_106] : memref<4x2x128xi32, #tpu.memory_space<vmem>> -> memref<1x2x128xi32, #tpu.memory_space<vmem>>
    %dma_start3A_108 = tpu.memref_squeeze %dma_start3A_107 : memref<1x2x128xi32, #tpu.memory_space<vmem>> -> memref<2x128xi32, #tpu.memory_space<vmem>>
    %dma_start3A_109 = arith.constant 0 : i32
    %dma_start3A_110 = arith.constant 0 : i32
    %dma_start3A_111 = tpu.memref_slice %arg3[%select_n3A_95, %dma_start3A_109, %dma_start3A_110] : memref<2560x2x128xi32, #tpu.memory_space<hbm>> -> memref<1x2x128xi32, #tpu.memory_space<hbm>>
    %dma_start3A_112 = tpu.memref_squeeze %dma_start3A_111 : memref<1x2x128xi32, #tpu.memory_space<hbm>> -> memref<2x128xi32, #tpu.memory_space<hbm>>
    tpu.enqueue_dma source(%dma_start3A_112 : memref<2x128xi32, #tpu.memory_space<hbm>>) target(%dma_start3A_108 : memref<2x128xi32, #tpu.memory_space<vmem>>) target_semaphore(%arg12 : memref<!tpu.dma_semaphore, #tpu.memory_space<semaphore_mem>>)
    %lt3A_113 = arith.constant 3 : i32
    %lt3A_114 = arith.constant 80 : i32
    %lt3A_115 = arith.cmpi slt, %lt3A_113, %lt3A_114 : i32
    %add3A_116 = arith.constant 3 : i32
    %add3A_117 = arith.addi %multiple_of3A, %add3A_116 : i32
    %select_n3A_118 = arith.select %lt3A_115, %add3A_117, %multiple_of3A : i32
    %dma_start3A_119 = arith.constant 3 : i32
    %dma_start3A_120 = arith.constant 0 : i32
    %dma_start3A_121 = arith.constant 0 : i32
    %dma_start3A_122 = tpu.memref_slice %arg6[%dma_start3A_119, %dma_start3A_120, %dma_start3A_121] : memref<4x2x128xi32, #tpu.memory_space<vmem>> -> memref<1x2x128xi32, #tpu.memory_space<vmem>>
    %dma_start3A_123 = tpu.memref_squeeze %dma_start3A_122 : memref<1x2x128xi32, #tpu.memory_space<vmem>> -> memref<2x128xi32, #tpu.memory_space<vmem>>
    %dma_start3A_124 = arith.constant 0 : i32
    %dma_start3A_125 = arith.constant 0 : i32
    %dma_start3A_126 = tpu.memref_slice %arg3[%select_n3A_118, %dma_start3A_124, %dma_start3A_125] : memref<2560x2x128xi32, #tpu.memory_space<hbm>> -> memref<1x2x128xi32, #tpu.memory_space<hbm>>
    %dma_start3A_127 = tpu.memref_squeeze %dma_start3A_126 : memref<1x2x128xi32, #tpu.memory_space<hbm>> -> memref<2x128xi32, #tpu.memory_space<hbm>>
    %dma_start3A_128 = arith.constant 0 : i32
    %dma_start3A_129 = arith.constant 0 : i32
    %dma_start3A_130 = tpu.memref_slice %arg6[%dma_start3A_119, %dma_start3A_128, %dma_start3A_129] : memref<4x2x128xi32, #tpu.memory_space<vmem>> -> memref<1x2x128xi32, #tpu.memory_space<vmem>>
    %dma_start3A_131 = tpu.memref_squeeze %dma_start3A_130 : memref<1x2x128xi32, #tpu.memory_space<vmem>> -> memref<2x128xi32, #tpu.memory_space<vmem>>
    %dma_start3A_132 = arith.constant 0 : i32
    %dma_start3A_133 = arith.constant 0 : i32
    %dma_start3A_134 = tpu.memref_slice %arg3[%select_n3A_118, %dma_start3A_132, %dma_start3A_133] : memref<2560x2x128xi32, #tpu.memory_space<hbm>> -> memref<1x2x128xi32, #tpu.memory_space<hbm>>
    %dma_start3A_135 = tpu.memref_squeeze %dma_start3A_134 : memref<1x2x128xi32, #tpu.memory_space<hbm>> -> memref<2x128xi32, #tpu.memory_space<hbm>>
    tpu.enqueue_dma source(%dma_start3A_135 : memref<2x128xi32, #tpu.memory_space<hbm>>) target(%dma_start3A_131 : memref<2x128xi32, #tpu.memory_space<vmem>>) target_semaphore(%arg13 : memref<!tpu.dma_semaphore, #tpu.memory_space<semaphore_mem>>)
    %dma_wait3A = arith.constant 0 : i32
    %dma_wait3A_136 = arith.constant 0 : i32
    %dma_wait3A_137 = arith.constant 0 : i32
    %dma_wait3A_138 = tpu.memref_slice %arg6[%dma_wait3A, %dma_wait3A_136, %dma_wait3A_137] : memref<4x2x128xi32, #tpu.memory_space<vmem>> -> memref<1x2x128xi32, #tpu.memory_space<vmem>>
    %dma_wait3A_139 = tpu.memref_squeeze %dma_wait3A_138 : memref<1x2x128xi32, #tpu.memory_space<vmem>> -> memref<2x128xi32, #tpu.memory_space<vmem>>
    %dma_wait3A_140 = arith.constant 0 : i32
    %dma_wait3A_141 = arith.constant 0 : i32
    %dma_wait3A_142 = tpu.memref_slice %arg3[%multiple_of3A, %dma_wait3A_140, %dma_wait3A_141] : memref<2560x2x128xi32, #tpu.memory_space<hbm>> -> memref<1x2x128xi32, #tpu.memory_space<hbm>>
    %dma_wait3A_143 = tpu.memref_squeeze %dma_wait3A_142 : memref<1x2x128xi32, #tpu.memory_space<hbm>> -> memref<2x128xi32, #tpu.memory_space<hbm>>
    %dma_wait3A_144 = arith.constant 0 : i32
    %dma_wait3A_145 = arith.constant 0 : i32
    %dma_wait3A_146 = tpu.memref_slice %arg6[%dma_wait3A, %dma_wait3A_144, %dma_wait3A_145] : memref<4x2x128xi32, #tpu.memory_space<vmem>> -> memref<1x2x128xi32, #tpu.memory_space<vmem>>
    %dma_wait3A_147 = tpu.memref_squeeze %dma_wait3A_146 : memref<1x2x128xi32, #tpu.memory_space<vmem>> -> memref<2x128xi32, #tpu.memory_space<vmem>>
    %dma_wait3A_148 = arith.constant 0 : i32
    %dma_wait3A_149 = arith.constant 0 : i32
    %dma_wait3A_150 = tpu.memref_slice %arg3[%multiple_of3A, %dma_wait3A_148, %dma_wait3A_149] : memref<2560x2x128xi32, #tpu.memory_space<hbm>> -> memref<1x2x128xi32, #tpu.memory_space<hbm>>
    %dma_wait3A_151 = tpu.memref_squeeze %dma_wait3A_150 : memref<1x2x128xi32, #tpu.memory_space<hbm>> -> memref<2x128xi32, #tpu.memory_space<hbm>>
    tpu.wait_dma2 semaphore(%arg10 : memref<!tpu.dma_semaphore, #tpu.memory_space<semaphore_mem>>) src(%dma_wait3A_151 : memref<2x128xi32, #tpu.memory_space<hbm>>) dst(%dma_wait3A_147 : memref<2x128xi32, #tpu.memory_space<vmem>>)
    %dma_start3A_152 = arith.constant 0 : i32
    %dma_start3A_153 = arith.constant 0 : i32
    %dma_start3A_154 = arith.constant 0 : i32
    %dma_start3A_155 = tpu.memref_slice %arg6[%dma_start3A_152, %dma_start3A_153, %dma_start3A_154] : memref<4x2x128xi32, #tpu.memory_space<vmem>> -> memref<1x1x128xi32, #tpu.memory_space<vmem>>
    %dma_start3A_156 = tpu.memref_squeeze %dma_start3A_155 : memref<1x1x128xi32, #tpu.memory_space<vmem>> -> memref<128xi32, #tpu.memory_space<vmem>>
    %dma_start3A_157 = arith.constant 0 : i32
    %dma_start3A_158 = arith.constant 0 : i32
    %dma_start3A_159 = tpu.memref_slice %arg2[%dma_start3A_157, %dma_start3A_158] : memref<10000x128xf32, #tpu.memory_space<hbm>> -> memref<10000x128xf32, #tpu.memory_space<hbm>>
    tpu.enqueue_indirect_dma source(%dma_start3A_159 : memref<10000x128xf32, #tpu.memory_space<hbm>>) target(%arg7 : memref<128x128xf32, #tpu.memory_space<vmem>>) offsets(%dma_start3A_156 : memref<128xi32, #tpu.memory_space<vmem>>) semaphore(%arg14 : memref<!tpu.dma_semaphore, #tpu.memory_space<semaphore_mem>>)
    %dma_wait3A_160 = arith.constant 1 : i32
    %dma_wait3A_161 = arith.constant 0 : i32
    %dma_wait3A_162 = arith.constant 0 : i32
    %dma_wait3A_163 = tpu.memref_slice %arg6[%dma_wait3A_160, %dma_wait3A_161, %dma_wait3A_162] : memref<4x2x128xi32, #tpu.memory_space<vmem>> -> memref<1x2x128xi32, #tpu.memory_space<vmem>>
    %dma_wait3A_164 = tpu.memref_squeeze %dma_wait3A_163 : memref<1x2x128xi32, #tpu.memory_space<vmem>> -> memref<2x128xi32, #tpu.memory_space<vmem>>
    %dma_wait3A_165 = arith.constant 0 : i32
    %dma_wait3A_166 = arith.constant 0 : i32
    %dma_wait3A_167 = tpu.memref_slice %arg3[%multiple_of3A, %dma_wait3A_165, %dma_wait3A_166] : memref<2560x2x128xi32, #tpu.memory_space<hbm>> -> memref<1x2x128xi32, #tpu.memory_space<hbm>>
    %dma_wait3A_168 = tpu.memref_squeeze %dma_wait3A_167 : memref<1x2x128xi32, #tpu.memory_space<hbm>> -> memref<2x128xi32, #tpu.memory_space<hbm>>
    %dma_wait3A_169 = arith.constant 0 : i32
    %dma_wait3A_170 = arith.constant 0 : i32
    %dma_wait3A_171 = tpu.memref_slice %arg6[%dma_wait3A_160, %dma_wait3A_169, %dma_wait3A_170] : memref<4x2x128xi32, #tpu.memory_space<vmem>> -> memref<1x2x128xi32, #tpu.memory_space<vmem>>
    %dma_wait3A_172 = tpu.memref_squeeze %dma_wait3A_171 : memref<1x2x128xi32, #tpu.memory_space<vmem>> -> memref<2x128xi32, #tpu.memory_space<vmem>>
    %dma_wait3A_173 = arith.constant 0 : i32
    %dma_wait3A_174 = arith.constant 0 : i32
    %dma_wait3A_175 = tpu.memref_slice %arg3[%multiple_of3A, %dma_wait3A_173, %dma_wait3A_174] : memref<2560x2x128xi32, #tpu.memory_space<hbm>> -> memref<1x2x128xi32, #tpu.memory_space<hbm>>
    %dma_wait3A_176 = tpu.memref_squeeze %dma_wait3A_175 : memref<1x2x128xi32, #tpu.memory_space<hbm>> -> memref<2x128xi32, #tpu.memory_space<hbm>>
    tpu.wait_dma2 semaphore(%arg11 : memref<!tpu.dma_semaphore, #tpu.memory_space<semaphore_mem>>) src(%dma_wait3A_176 : memref<2x128xi32, #tpu.memory_space<hbm>>) dst(%dma_wait3A_172 : memref<2x128xi32, #tpu.memory_space<vmem>>)
    %dma_start3A_177 = arith.constant 1 : i32
    %dma_start3A_178 = arith.constant 0 : i32
    %dma_start3A_179 = arith.constant 0 : i32
    %dma_start3A_180 = tpu.memref_slice %arg6[%dma_start3A_177, %dma_start3A_178, %dma_start3A_179] : memref<4x2x128xi32, #tpu.memory_space<vmem>> -> memref<1x1x128xi32, #tpu.memory_space<vmem>>
    %dma_start3A_181 = tpu.memref_squeeze %dma_start3A_180 : memref<1x1x128xi32, #tpu.memory_space<vmem>> -> memref<128xi32, #tpu.memory_space<vmem>>
    %dma_start3A_182 = arith.constant 0 : i32
    %dma_start3A_183 = arith.constant 0 : i32
    %dma_start3A_184 = tpu.memref_slice %arg2[%dma_start3A_182, %dma_start3A_183] : memref<10000x128xf32, #tpu.memory_space<hbm>> -> memref<10000x128xf32, #tpu.memory_space<hbm>>
    tpu.enqueue_indirect_dma source(%dma_start3A_184 : memref<10000x128xf32, #tpu.memory_space<hbm>>) target(%arg8 : memref<128x128xf32, #tpu.memory_space<vmem>>) offsets(%dma_start3A_181 : memref<128xi32, #tpu.memory_space<vmem>>) semaphore(%arg15 : memref<!tpu.dma_semaphore, #tpu.memory_space<semaphore_mem>>)
    %scan3A_185 = arith.constant 0 : i32
    %scan3A_186 = arith.constant 0 : i32
    %scan3A_187 = arith.constant 0 : i32
    %scan3A_188 = arith.constant 20 : i32
    %scan3A_189 = arith.addi %scan3A_187, %scan3A_188 : i32
    %scan3A_190 = arith.constant 1 : i32
    scf.for %scan3A_248 = %scan3A_187 to %scan3A_189 step %scan3A_190  : i32 {
      %mul3A_249 = arith.constant 4 : i32
      %mul3A_250 = arith.muli %mul3A_249, %scan3A_248 : i32
      %add3A_251 = arith.constant 0 : i32
      %add3A_252 = arith.addi %mul3A_250, %add3A_251 : i32
      %dma_wait3A_253 = arith.constant 0 : i32
      %dma_wait3A_254 = arith.constant 0 : i32
      %dma_wait3A_255 = arith.constant 0 : i32
      %dma_wait3A_256 = tpu.memref_slice %arg6[%dma_wait3A_253, %dma_wait3A_254, %dma_wait3A_255] : memref<4x2x128xi32, #tpu.memory_space<vmem>> -> memref<1x1x128xi32, #tpu.memory_space<vmem>>
      %dma_wait3A_257 = tpu.memref_squeeze %dma_wait3A_256 : memref<1x1x128xi32, #tpu.memory_space<vmem>> -> memref<128xi32, #tpu.memory_space<vmem>>
      %dma_wait3A_258 = arith.constant 0 : i32
      %dma_wait3A_259 = arith.constant 0 : i32
      %dma_wait3A_260 = tpu.memref_slice %arg2[%dma_wait3A_258, %dma_wait3A_259] : memref<10000x128xf32, #tpu.memory_space<hbm>> -> memref<10000x128xf32, #tpu.memory_space<hbm>>
      tpu.wait_indirect_dma semaphore(%arg14 : memref<!tpu.dma_semaphore, #tpu.memory_space<semaphore_mem>>) src(%dma_wait3A_260 : memref<10000x128xf32, #tpu.memory_space<hbm>>) dst(%arg7 : memref<128x128xf32, #tpu.memory_space<vmem>>)
      %run_scoped3A_261 = arith.constant 0 : i32
      %run_scoped3A_262 = arith.constant 1 : i32
      "tpu.region"() ({
        %run_scoped3A_505 = tpu.sem_alloc : memref<!tpu.dma_semaphore, #tpu.memory_space<semaphore_mem>>
        %dma_start3A_506 = arith.constant 0 : i32
        %dma_start3A_507 = tpu.memref_slice %arg6[%run_scoped3A_261, %run_scoped3A_262, %dma_start3A_506] : memref<4x2x128xi32, #tpu.memory_space<vmem>> -> memref<1x1x128xi32, #tpu.memory_space<vmem>>
        %dma_start3A_508 = tpu.memref_squeeze %dma_start3A_507 : memref<1x1x128xi32, #tpu.memory_space<vmem>> -> memref<128xi32, #tpu.memory_space<vmem>>
        %dma_start3A_509 = arith.constant 0 : i32
        %dma_start3A_510 = arith.constant 0 : i32
        %dma_start3A_511 = tpu.memref_slice %arg9[%scan3A_186, %dma_start3A_509, %dma_start3A_510] : memref<1x10112x128xf32, #tpu.memory_space<vmem_shared>> -> memref<1x10112x128xf32, #tpu.memory_space<vmem_shared>>
        %dma_start3A_512 = tpu.memref_squeeze %dma_start3A_511 : memref<1x10112x128xf32, #tpu.memory_space<vmem_shared>> -> memref<10112x128xf32, #tpu.memory_space<vmem_shared>>
        %dma_start3A_513 = arith.constant 0 : i32
        %dma_start3A_514 = arith.constant 0 : i32
        %dma_start3A_515 = tpu.memref_slice %dma_start3A_512[%dma_start3A_513, %dma_start3A_514] : memref<10112x128xf32, #tpu.memory_space<vmem_shared>> -> memref<10112x128xf32, #tpu.memory_space<vmem_shared>>
        tpu.enqueue_indirect_dma source(%arg7 : memref<128x128xf32, #tpu.memory_space<vmem>>) target(%dma_start3A_515 : memref<10112x128xf32, #tpu.memory_space<vmem_shared>>) offsets(%dma_start3A_508 : memref<128xi32, #tpu.memory_space<vmem>>) semaphore(%run_scoped3A_505 : memref<!tpu.dma_semaphore, #tpu.memory_space<semaphore_mem>>) {add = true}
        %dma_wait3A_516 = arith.constant 0 : i32
        %dma_wait3A_517 = tpu.memref_slice %arg6[%run_scoped3A_261, %run_scoped3A_262, %dma_wait3A_516] : memref<4x2x128xi32, #tpu.memory_space<vmem>> -> memref<1x1x128xi32, #tpu.memory_space<vmem>>
        %dma_wait3A_518 = tpu.memref_squeeze %dma_wait3A_517 : memref<1x1x128xi32, #tpu.memory_space<vmem>> -> memref<128xi32, #tpu.memory_space<vmem>>
        %dma_wait3A_519 = arith.constant 0 : i32
        %dma_wait3A_520 = arith.constant 0 : i32
        %dma_wait3A_521 = tpu.memref_slice %arg9[%scan3A_186, %dma_wait3A_519, %dma_wait3A_520] : memref<1x10112x128xf32, #tpu.memory_space<vmem_shared>> -> memref<1x10112x128xf32, #tpu.memory_space<vmem_shared>>
        %dma_wait3A_522 = tpu.memref_squeeze %dma_wait3A_521 : memref<1x10112x128xf32, #tpu.memory_space<vmem_shared>> -> memref<10112x128xf32, #tpu.memory_space<vmem_shared>>
        %dma_wait3A_523 = arith.constant 0 : i32
        %dma_wait3A_524 = arith.constant 0 : i32
        %dma_wait3A_525 = tpu.memref_slice %dma_wait3A_522[%dma_wait3A_523, %dma_wait3A_524] : memref<10112x128xf32, #tpu.memory_space<vmem_shared>> -> memref<10112x128xf32, #tpu.memory_space<vmem_shared>>
        tpu.wait_indirect_dma semaphore(%run_scoped3A_505 : memref<!tpu.dma_semaphore, #tpu.memory_space<semaphore_mem>>) src(%arg7 : memref<128x128xf32, #tpu.memory_space<vmem>>) dst(%dma_wait3A_525 : memref<10112x128xf32, #tpu.memory_space<vmem_shared>>)
        tpu.yield
      }) : () -> ()
      %run_scoped3A_263 = arith.constant 0 : i32
      %run_scoped3A_264 = arith.constant 1 : i32
      "tpu.region"() ({
        %run_scoped3A_505 = tpu.sem_alloc : memref<!tpu.dma_semaphore, #tpu.memory_space<semaphore_mem>>
        %dma_start3A_506 = arith.constant 0 : i32
        %dma_start3A_507 = tpu.memref_slice %arg6[%run_scoped3A_263, %run_scoped3A_264, %dma_start3A_506] : memref<4x2x128xi32, #tpu.memory_space<vmem>> -> memref<1x1x128xi32, #tpu.memory_space<vmem>>
        %dma_start3A_508 = tpu.memref_squeeze %dma_start3A_507 : memref<1x1x128xi32, #tpu.memory_space<vmem>> -> memref<128xi32, #tpu.memory_space<vmem>>
        %dma_start3A_509 = arith.constant 0 : i32
        %dma_start3A_510 = arith.constant 0 : i32
        %dma_start3A_511 = tpu.memref_slice %arg17[%dma_start3A_509, %dma_start3A_510] : memref<10112x16xf32, #tpu.memory_space<vmem_shared>> -> memref<10112x16xf32, #tpu.memory_space<vmem_shared>>
        tpu.enqueue_indirect_dma source(%arg16 : memref<128x16xf32, #tpu.memory_space<vmem>>) target(%dma_start3A_511 : memref<10112x16xf32, #tpu.memory_space<vmem_shared>>) offsets(%dma_start3A_508 : memref<128xi32, #tpu.memory_space<vmem>>) semaphore(%run_scoped3A_505 : memref<!tpu.dma_semaphore, #tpu.memory_space<semaphore_mem>>) {add = true}
        %dma_wait3A_512 = arith.constant 0 : i32
        %dma_wait3A_513 = tpu.memref_slice %arg6[%run_scoped3A_263, %run_scoped3A_264, %dma_wait3A_512] : memref<4x2x128xi32, #tpu.memory_space<vmem>> -> memref<1x1x128xi32, #tpu.memory_space<vmem>>
        %dma_wait3A_514 = tpu.memref_squeeze %dma_wait3A_513 : memref<1x1x128xi32, #tpu.memory_space<vmem>> -> memref<128xi32, #tpu.memory_space<vmem>>
        %dma_wait3A_515 = arith.constant 0 : i32
        %dma_wait3A_516 = arith.constant 0 : i32
        %dma_wait3A_517 = tpu.memref_slice %arg17[%dma_wait3A_515, %dma_wait3A_516] : memref<10112x16xf32, #tpu.memory_space<vmem_shared>> -> memref<10112x16xf32, #tpu.memory_space<vmem_shared>>
        tpu.wait_indirect_dma semaphore(%run_scoped3A_505 : memref<!tpu.dma_semaphore, #tpu.memory_space<semaphore_mem>>) src(%arg16 : memref<128x16xf32, #tpu.memory_space<vmem>>) dst(%dma_wait3A_517 : memref<10112x16xf32, #tpu.memory_space<vmem_shared>>)
        tpu.yield
      }) : () -> ()
      %add3A_265 = arith.constant 4 : i32
      %add3A_266 = arith.addi %add3A_252, %add3A_265 : i32
      %lt3A_267 = arith.constant 80 : i32
      %lt3A_268 = arith.cmpi slt, %add3A_266, %lt3A_267 : i32
      %add3A_269 = arith.addi %multiple_of3A, %add3A_266 : i32
      %select_n3A_270 = arith.select %lt3A_268, %add3A_269, %multiple_of3A : i32
      %dma_start3A_271 = arith.constant 0 : i32
      %dma_start3A_272 = arith.constant 0 : i32
      %dma_start3A_273 = arith.constant 0 : i32
      %dma_start3A_274 = tpu.memref_slice %arg6[%dma_start3A_271, %dma_start3A_272, %dma_start3A_273] : memref<4x2x128xi32, #tpu.memory_space<vmem>> -> memref<1x2x128xi32, #tpu.memory_space<vmem>>
      %dma_start3A_275 = tpu.memref_squeeze %dma_start3A_274 : memref<1x2x128xi32, #tpu.memory_space<vmem>> -> memref<2x128xi32, #tpu.memory_space<vmem>>
      %dma_start3A_276 = arith.constant 0 : i32
      %dma_start3A_277 = arith.constant 0 : i32
      %dma_start3A_278 = tpu.memref_slice %arg3[%select_n3A_270, %dma_start3A_276, %dma_start3A_277] : memref<2560x2x128xi32, #tpu.memory_space<hbm>> -> memref<1x2x128xi32, #tpu.memory_space<hbm>>
      %dma_start3A_279 = tpu.memref_squeeze %dma_start3A_278 : memref<1x2x128xi32, #tpu.memory_space<hbm>> -> memref<2x128xi32, #tpu.memory_space<hbm>>
      %dma_start3A_280 = arith.constant 0 : i32
      %dma_start3A_281 = arith.constant 0 : i32
      %dma_start3A_282 = tpu.memref_slice %arg6[%dma_start3A_271, %dma_start3A_280, %dma_start3A_281] : memref<4x2x128xi32, #tpu.memory_space<vmem>> -> memref<1x2x128xi32, #tpu.memory_space<vmem>>
      %dma_start3A_283 = tpu.memref_squeeze %dma_start3A_282 : memref<1x2x128xi32, #tpu.memory_space<vmem>> -> memref<2x128xi32, #tpu.memory_space<vmem>>
      %dma_start3A_284 = arith.constant 0 : i32
      %dma_start3A_285 = arith.constant 0 : i32
      %dma_start3A_286 = tpu.memref_slice %arg3[%select_n3A_270, %dma_start3A_284, %dma_start3A_285] : memref<2560x2x128xi32, #tpu.memory_space<hbm>> -> memref<1x2x128xi32, #tpu.memory_space<hbm>>
      %dma_start3A_287 = tpu.memref_squeeze %dma_start3A_286 : memref<1x2x128xi32, #tpu.memory_space<hbm>> -> memref<2x128xi32, #tpu.memory_space<hbm>>
      tpu.enqueue_dma source(%dma_start3A_287 : memref<2x128xi32, #tpu.memory_space<hbm>>) target(%dma_start3A_283 : memref<2x128xi32, #tpu.memory_space<vmem>>) target_semaphore(%arg10 : memref<!tpu.dma_semaphore, #tpu.memory_space<semaphore_mem>>)
      %dma_wait3A_288 = arith.constant 2 : i32
      %dma_wait3A_289 = arith.constant 0 : i32
      %dma_wait3A_290 = arith.constant 0 : i32
      %dma_wait3A_291 = tpu.memref_slice %arg6[%dma_wait3A_288, %dma_wait3A_289, %dma_wait3A_290] : memref<4x2x128xi32, #tpu.memory_space<vmem>> -> memref<1x2x128xi32, #tpu.memory_space<vmem>>
      %dma_wait3A_292 = tpu.memref_squeeze %dma_wait3A_291 : memref<1x2x128xi32, #tpu.memory_space<vmem>> -> memref<2x128xi32, #tpu.memory_space<vmem>>
      %dma_wait3A_293 = arith.constant 0 : i32
      %dma_wait3A_294 = arith.constant 0 : i32
      %dma_wait3A_295 = tpu.memref_slice %arg3[%multiple_of3A, %dma_wait3A_293, %dma_wait3A_294] : memref<2560x2x128xi32, #tpu.memory_space<hbm>> -> memref<1x2x128xi32, #tpu.memory_space<hbm>>
      %dma_wait3A_296 = tpu.memref_squeeze %dma_wait3A_295 : memref<1x2x128xi32, #tpu.memory_space<hbm>> -> memref<2x128xi32, #tpu.memory_space<hbm>>
      %dma_wait3A_297 = arith.constant 0 : i32
      %dma_wait3A_298 = arith.constant 0 : i32
      %dma_wait3A_299 = tpu.memref_slice %arg6[%dma_wait3A_288, %dma_wait3A_297, %dma_wait3A_298] : memref<4x2x128xi32, #tpu.memory_space<vmem>> -> memref<1x2x128xi32, #tpu.memory_space<vmem>>
      %dma_wait3A_300 = tpu.memref_squeeze %dma_wait3A_299 : memref<1x2x128xi32, #tpu.memory_space<vmem>> -> memref<2x128xi32, #tpu.memory_space<vmem>>
      %dma_wait3A_301 = arith.constant 0 : i32
      %dma_wait3A_302 = arith.constant 0 : i32
      %dma_wait3A_303 = tpu.memref_slice %arg3[%multiple_of3A, %dma_wait3A_301, %dma_wait3A_302] : memref<2560x2x128xi32, #tpu.memory_space<hbm>> -> memref<1x2x128xi32, #tpu.memory_space<hbm>>
      %dma_wait3A_304 = tpu.memref_squeeze %dma_wait3A_303 : memref<1x2x128xi32, #tpu.memory_space<hbm>> -> memref<2x128xi32, #tpu.memory_space<hbm>>
      tpu.wait_dma2 semaphore(%arg12 : memref<!tpu.dma_semaphore, #tpu.memory_space<semaphore_mem>>) src(%dma_wait3A_304 : memref<2x128xi32, #tpu.memory_space<hbm>>) dst(%dma_wait3A_300 : memref<2x128xi32, #tpu.memory_space<vmem>>)
      %dma_start3A_305 = arith.constant 2 : i32
      %dma_start3A_306 = arith.constant 0 : i32
      %dma_start3A_307 = arith.constant 0 : i32
      %dma_start3A_308 = tpu.memref_slice %arg6[%dma_start3A_305, %dma_start3A_306, %dma_start3A_307] : memref<4x2x128xi32, #tpu.memory_space<vmem>> -> memref<1x1x128xi32, #tpu.memory_space<vmem>>
      %dma_start3A_309 = tpu.memref_squeeze %dma_start3A_308 : memref<1x1x128xi32, #tpu.memory_space<vmem>> -> memref<128xi32, #tpu.memory_space<vmem>>
      %dma_start3A_310 = arith.constant 0 : i32
      %dma_start3A_311 = arith.constant 0 : i32
      %dma_start3A_312 = tpu.memref_slice %arg2[%dma_start3A_310, %dma_start3A_311] : memref<10000x128xf32, #tpu.memory_space<hbm>> -> memref<10000x128xf32, #tpu.memory_space<hbm>>
      tpu.enqueue_indirect_dma source(%dma_start3A_312 : memref<10000x128xf32, #tpu.memory_space<hbm>>) target(%arg7 : memref<128x128xf32, #tpu.memory_space<vmem>>) offsets(%dma_start3A_309 : memref<128xi32, #tpu.memory_space<vmem>>) semaphore(%arg14 : memref<!tpu.dma_semaphore, #tpu.memory_space<semaphore_mem>>)
      %mul3A_313 = arith.constant 4 : i32
      %mul3A_314 = arith.muli %mul3A_313, %scan3A_248 : i32
      %add3A_315 = arith.constant 1 : i32
      %add3A_316 = arith.addi %mul3A_314, %add3A_315 : i32
      %dma_wait3A_317 = arith.constant 1 : i32
      %dma_wait3A_318 = arith.constant 0 : i32
      %dma_wait3A_319 = arith.constant 0 : i32
      %dma_wait3A_320 = tpu.memref_slice %arg6[%dma_wait3A_317, %dma_wait3A_318, %dma_wait3A_319] : memref<4x2x128xi32, #tpu.memory_space<vmem>> -> memref<1x1x128xi32, #tpu.memory_space<vmem>>
      %dma_wait3A_321 = tpu.memref_squeeze %dma_wait3A_320 : memref<1x1x128xi32, #tpu.memory_space<vmem>> -> memref<128xi32, #tpu.memory_space<vmem>>
      %dma_wait3A_322 = arith.constant 0 : i32
      %dma_wait3A_323 = arith.constant 0 : i32
      %dma_wait3A_324 = tpu.memref_slice %arg2[%dma_wait3A_322, %dma_wait3A_323] : memref<10000x128xf32, #tpu.memory_space<hbm>> -> memref<10000x128xf32, #tpu.memory_space<hbm>>
      tpu.wait_indirect_dma semaphore(%arg15 : memref<!tpu.dma_semaphore, #tpu.memory_space<semaphore_mem>>) src(%dma_wait3A_324 : memref<10000x128xf32, #tpu.memory_space<hbm>>) dst(%arg8 : memref<128x128xf32, #tpu.memory_space<vmem>>)
      %run_scoped3A_325 = arith.constant 1 : i32
      %run_scoped3A_326 = arith.constant 1 : i32
      "tpu.region"() ({
        %run_scoped3A_505 = tpu.sem_alloc : memref<!tpu.dma_semaphore, #tpu.memory_space<semaphore_mem>>
        %dma_start3A_506 = arith.constant 0 : i32
        %dma_start3A_507 = tpu.memref_slice %arg6[%run_scoped3A_325, %run_scoped3A_326, %dma_start3A_506] : memref<4x2x128xi32, #tpu.memory_space<vmem>> -> memref<1x1x128xi32, #tpu.memory_space<vmem>>
        %dma_start3A_508 = tpu.memref_squeeze %dma_start3A_507 : memref<1x1x128xi32, #tpu.memory_space<vmem>> -> memref<128xi32, #tpu.memory_space<vmem>>
        %dma_start3A_509 = arith.constant 0 : i32
        %dma_start3A_510 = arith.constant 0 : i32
        %dma_start3A_511 = tpu.memref_slice %arg9[%scan3A_186, %dma_start3A_509, %dma_start3A_510] : memref<1x10112x128xf32, #tpu.memory_space<vmem_shared>> -> memref<1x10112x128xf32, #tpu.memory_space<vmem_shared>>
        %dma_start3A_512 = tpu.memref_squeeze %dma_start3A_511 : memref<1x10112x128xf32, #tpu.memory_space<vmem_shared>> -> memref<10112x128xf32, #tpu.memory_space<vmem_shared>>
        %dma_start3A_513 = arith.constant 0 : i32
        %dma_start3A_514 = arith.constant 0 : i32
        %dma_start3A_515 = tpu.memref_slice %dma_start3A_512[%dma_start3A_513, %dma_start3A_514] : memref<10112x128xf32, #tpu.memory_space<vmem_shared>> -> memref<10112x128xf32, #tpu.memory_space<vmem_shared>>
        tpu.enqueue_indirect_dma source(%arg8 : memref<128x128xf32, #tpu.memory_space<vmem>>) target(%dma_start3A_515 : memref<10112x128xf32, #tpu.memory_space<vmem_shared>>) offsets(%dma_start3A_508 : memref<128xi32, #tpu.memory_space<vmem>>) semaphore(%run_scoped3A_505 : memref<!tpu.dma_semaphore, #tpu.memory_space<semaphore_mem>>) {add = true}
        %dma_wait3A_516 = arith.constant 0 : i32
        %dma_wait3A_517 = tpu.memref_slice %arg6[%run_scoped3A_325, %run_scoped3A_326, %dma_wait3A_516] : memref<4x2x128xi32, #tpu.memory_space<vmem>> -> memref<1x1x128xi32, #tpu.memory_space<vmem>>
        %dma_wait3A_518 = tpu.memref_squeeze %dma_wait3A_517 : memref<1x1x128xi32, #tpu.memory_space<vmem>> -> memref<128xi32, #tpu.memory_space<vmem>>
        %dma_wait3A_519 = arith.constant 0 : i32
        %dma_wait3A_520 = arith.constant 0 : i32
        %dma_wait3A_521 = tpu.memref_slice %arg9[%scan3A_186, %dma_wait3A_519, %dma_wait3A_520] : memref<1x10112x128xf32, #tpu.memory_space<vmem_shared>> -> memref<1x10112x128xf32, #tpu.memory_space<vmem_shared>>
        %dma_wait3A_522 = tpu.memref_squeeze %dma_wait3A_521 : memref<1x10112x128xf32, #tpu.memory_space<vmem_shared>> -> memref<10112x128xf32, #tpu.memory_space<vmem_shared>>
        %dma_wait3A_523 = arith.constant 0 : i32
        %dma_wait3A_524 = arith.constant 0 : i32
        %dma_wait3A_525 = tpu.memref_slice %dma_wait3A_522[%dma_wait3A_523, %dma_wait3A_524] : memref<10112x128xf32, #tpu.memory_space<vmem_shared>> -> memref<10112x128xf32, #tpu.memory_space<vmem_shared>>
        tpu.wait_indirect_dma semaphore(%run_scoped3A_505 : memref<!tpu.dma_semaphore, #tpu.memory_space<semaphore_mem>>) src(%arg8 : memref<128x128xf32, #tpu.memory_space<vmem>>) dst(%dma_wait3A_525 : memref<10112x128xf32, #tpu.memory_space<vmem_shared>>)
        tpu.yield
      }) : () -> ()
      %run_scoped3A_327 = arith.constant 1 : i32
      %run_scoped3A_328 = arith.constant 1 : i32
      "tpu.region"() ({
        %run_scoped3A_505 = tpu.sem_alloc : memref<!tpu.dma_semaphore, #tpu.memory_space<semaphore_mem>>
        %dma_start3A_506 = arith.constant 0 : i32
        %dma_start3A_507 = tpu.memref_slice %arg6[%run_scoped3A_327, %run_scoped3A_328, %dma_start3A_506] : memref<4x2x128xi32, #tpu.memory_space<vmem>> -> memref<1x1x128xi32, #tpu.memory_space<vmem>>
        %dma_start3A_508 = tpu.memref_squeeze %dma_start3A_507 : memref<1x1x128xi32, #tpu.memory_space<vmem>> -> memref<128xi32, #tpu.memory_space<vmem>>
        %dma_start3A_509 = arith.constant 0 : i32
        %dma_start3A_510 = arith.constant 0 : i32
        %dma_start3A_511 = tpu.memref_slice %arg17[%dma_start3A_509, %dma_start3A_510] : memref<10112x16xf32, #tpu.memory_space<vmem_shared>> -> memref<10112x16xf32, #tpu.memory_space<vmem_shared>>
        tpu.enqueue_indirect_dma source(%arg16 : memref<128x16xf32, #tpu.memory_space<vmem>>) target(%dma_start3A_511 : memref<10112x16xf32, #tpu.memory_space<vmem_shared>>) offsets(%dma_start3A_508 : memref<128xi32, #tpu.memory_space<vmem>>) semaphore(%run_scoped3A_505 : memref<!tpu.dma_semaphore, #tpu.memory_space<semaphore_mem>>) {add = true}
        %dma_wait3A_512 = arith.constant 0 : i32
        %dma_wait3A_513 = tpu.memref_slice %arg6[%run_scoped3A_327, %run_scoped3A_328, %dma_wait3A_512] : memref<4x2x128xi32, #tpu.memory_space<vmem>> -> memref<1x1x128xi32, #tpu.memory_space<vmem>>
        %dma_wait3A_514 = tpu.memref_squeeze %dma_wait3A_513 : memref<1x1x128xi32, #tpu.memory_space<vmem>> -> memref<128xi32, #tpu.memory_space<vmem>>
        %dma_wait3A_515 = arith.constant 0 : i32
        %dma_wait3A_516 = arith.constant 0 : i32
        %dma_wait3A_517 = tpu.memref_slice %arg17[%dma_wait3A_515, %dma_wait3A_516] : memref<10112x16xf32, #tpu.memory_space<vmem_shared>> -> memref<10112x16xf32, #tpu.memory_space<vmem_shared>>
        tpu.wait_indirect_dma semaphore(%run_scoped3A_505 : memref<!tpu.dma_semaphore, #tpu.memory_space<semaphore_mem>>) src(%arg16 : memref<128x16xf32, #tpu.memory_space<vmem>>) dst(%dma_wait3A_517 : memref<10112x16xf32, #tpu.memory_space<vmem_shared>>)
        tpu.yield
      }) : () -> ()
      %add3A_329 = arith.constant 4 : i32
      %add3A_330 = arith.addi %add3A_316, %add3A_329 : i32
      %lt3A_331 = arith.constant 80 : i32
      %lt3A_332 = arith.cmpi slt, %add3A_330, %lt3A_331 : i32
      %add3A_333 = arith.addi %multiple_of3A, %add3A_330 : i32
      %select_n3A_334 = arith.select %lt3A_332, %add3A_333, %multiple_of3A : i32
      %dma_start3A_335 = arith.constant 1 : i32
      %dma_start3A_336 = arith.constant 0 : i32
      %dma_start3A_337 = arith.constant 0 : i32
      %dma_start3A_338 = tpu.memref_slice %arg6[%dma_start3A_335, %dma_start3A_336, %dma_start3A_337] : memref<4x2x128xi32, #tpu.memory_space<vmem>> -> memref<1x2x128xi32, #tpu.memory_space<vmem>>
      %dma_start3A_339 = tpu.memref_squeeze %dma_start3A_338 : memref<1x2x128xi32, #tpu.memory_space<vmem>> -> memref<2x128xi32, #tpu.memory_space<vmem>>
      %dma_start3A_340 = arith.constant 0 : i32
      %dma_start3A_341 = arith.constant 0 : i32
      %dma_start3A_342 = tpu.memref_slice %arg3[%select_n3A_334, %dma_start3A_340, %dma_start3A_341] : memref<2560x2x128xi32, #tpu.memory_space<hbm>> -> memref<1x2x128xi32, #tpu.memory_space<hbm>>
      %dma_start3A_343 = tpu.memref_squeeze %dma_start3A_342 : memref<1x2x128xi32, #tpu.memory_space<hbm>> -> memref<2x128xi32, #tpu.memory_space<hbm>>
      %dma_start3A_344 = arith.constant 0 : i32
      %dma_start3A_345 = arith.constant 0 : i32
      %dma_start3A_346 = tpu.memref_slice %arg6[%dma_start3A_335, %dma_start3A_344, %dma_start3A_345] : memref<4x2x128xi32, #tpu.memory_space<vmem>> -> memref<1x2x128xi32, #tpu.memory_space<vmem>>
      %dma_start3A_347 = tpu.memref_squeeze %dma_start3A_346 : memref<1x2x128xi32, #tpu.memory_space<vmem>> -> memref<2x128xi32, #tpu.memory_space<vmem>>
      %dma_start3A_348 = arith.constant 0 : i32
      %dma_start3A_349 = arith.constant 0 : i32
      %dma_start3A_350 = tpu.memref_slice %arg3[%select_n3A_334, %dma_start3A_348, %dma_start3A_349] : memref<2560x2x128xi32, #tpu.memory_space<hbm>> -> memref<1x2x128xi32, #tpu.memory_space<hbm>>
      %dma_start3A_351 = tpu.memref_squeeze %dma_start3A_350 : memref<1x2x128xi32, #tpu.memory_space<hbm>> -> memref<2x128xi32, #tpu.memory_space<hbm>>
      tpu.enqueue_dma source(%dma_start3A_351 : memref<2x128xi32, #tpu.memory_space<hbm>>) target(%dma_start3A_347 : memref<2x128xi32, #tpu.memory_space<vmem>>) target_semaphore(%arg11 : memref<!tpu.dma_semaphore, #tpu.memory_space<semaphore_mem>>)
      %dma_wait3A_352 = arith.constant 3 : i32
      %dma_wait3A_353 = arith.constant 0 : i32
      %dma_wait3A_354 = arith.constant 0 : i32
      %dma_wait3A_355 = tpu.memref_slice %arg6[%dma_wait3A_352, %dma_wait3A_353, %dma_wait3A_354] : memref<4x2x128xi32, #tpu.memory_space<vmem>> -> memref<1x2x128xi32, #tpu.memory_space<vmem>>
      %dma_wait3A_356 = tpu.memref_squeeze %dma_wait3A_355 : memref<1x2x128xi32, #tpu.memory_space<vmem>> -> memref<2x128xi32, #tpu.memory_space<vmem>>
      %dma_wait3A_357 = arith.constant 0 : i32
      %dma_wait3A_358 = arith.constant 0 : i32
      %dma_wait3A_359 = tpu.memref_slice %arg3[%multiple_of3A, %dma_wait3A_357, %dma_wait3A_358] : memref<2560x2x128xi32, #tpu.memory_space<hbm>> -> memref<1x2x128xi32, #tpu.memory_space<hbm>>
      %dma_wait3A_360 = tpu.memref_squeeze %dma_wait3A_359 : memref<1x2x128xi32, #tpu.memory_space<hbm>> -> memref<2x128xi32, #tpu.memory_space<hbm>>
      %dma_wait3A_361 = arith.constant 0 : i32
      %dma_wait3A_362 = arith.constant 0 : i32
      %dma_wait3A_363 = tpu.memref_slice %arg6[%dma_wait3A_352, %dma_wait3A_361, %dma_wait3A_362] : memref<4x2x128xi32, #tpu.memory_space<vmem>> -> memref<1x2x128xi32, #tpu.memory_space<vmem>>
      %dma_wait3A_364 = tpu.memref_squeeze %dma_wait3A_363 : memref<1x2x128xi32, #tpu.memory_space<vmem>> -> memref<2x128xi32, #tpu.memory_space<vmem>>
      %dma_wait3A_365 = arith.constant 0 : i32
      %dma_wait3A_366 = arith.constant 0 : i32
      %dma_wait3A_367 = tpu.memref_slice %arg3[%multiple_of3A, %dma_wait3A_365, %dma_wait3A_366] : memref<2560x2x128xi32, #tpu.memory_space<hbm>> -> memref<1x2x128xi32, #tpu.memory_space<hbm>>
      %dma_wait3A_368 = tpu.memref_squeeze %dma_wait3A_367 : memref<1x2x128xi32, #tpu.memory_space<hbm>> -> memref<2x128xi32, #tpu.memory_space<hbm>>
      tpu.wait_dma2 semaphore(%arg13 : memref<!tpu.dma_semaphore, #tpu.memory_space<semaphore_mem>>) src(%dma_wait3A_368 : memref<2x128xi32, #tpu.memory_space<hbm>>) dst(%dma_wait3A_364 : memref<2x128xi32, #tpu.memory_space<vmem>>)
      %dma_start3A_369 = arith.constant 3 : i32
      %dma_start3A_370 = arith.constant 0 : i32
      %dma_start3A_371 = arith.constant 0 : i32
      %dma_start3A_372 = tpu.memref_slice %arg6[%dma_start3A_369, %dma_start3A_370, %dma_start3A_371] : memref<4x2x128xi32, #tpu.memory_space<vmem>> -> memref<1x1x128xi32, #tpu.memory_space<vmem>>
      %dma_start3A_373 = tpu.memref_squeeze %dma_start3A_372 : memref<1x1x128xi32, #tpu.memory_space<vmem>> -> memref<128xi32, #tpu.memory_space<vmem>>
      %dma_start3A_374 = arith.constant 0 : i32
      %dma_start3A_375 = arith.constant 0 : i32
      %dma_start3A_376 = tpu.memref_slice %arg2[%dma_start3A_374, %dma_start3A_375] : memref<10000x128xf32, #tpu.memory_space<hbm>> -> memref<10000x128xf32, #tpu.memory_space<hbm>>
      tpu.enqueue_indirect_dma source(%dma_start3A_376 : memref<10000x128xf32, #tpu.memory_space<hbm>>) target(%arg8 : memref<128x128xf32, #tpu.memory_space<vmem>>) offsets(%dma_start3A_373 : memref<128xi32, #tpu.memory_space<vmem>>) semaphore(%arg15 : memref<!tpu.dma_semaphore, #tpu.memory_space<semaphore_mem>>)
      %mul3A_377 = arith.constant 4 : i32
      %mul3A_378 = arith.muli %mul3A_377, %scan3A_248 : i32
      %add3A_379 = arith.constant 2 : i32
      %add3A_380 = arith.addi %mul3A_378, %add3A_379 : i32
      %dma_wait3A_381 = arith.constant 2 : i32
      %dma_wait3A_382 = arith.constant 0 : i32
      %dma_wait3A_383 = arith.constant 0 : i32
      %dma_wait3A_384 = tpu.memref_slice %arg6[%dma_wait3A_381, %dma_wait3A_382, %dma_wait3A_383] : memref<4x2x128xi32, #tpu.memory_space<vmem>> -> memref<1x1x128xi32, #tpu.memory_space<vmem>>
      %dma_wait3A_385 = tpu.memref_squeeze %dma_wait3A_384 : memref<1x1x128xi32, #tpu.memory_space<vmem>> -> memref<128xi32, #tpu.memory_space<vmem>>
      %dma_wait3A_386 = arith.constant 0 : i32
      %dma_wait3A_387 = arith.constant 0 : i32
      %dma_wait3A_388 = tpu.memref_slice %arg2[%dma_wait3A_386, %dma_wait3A_387] : memref<10000x128xf32, #tpu.memory_space<hbm>> -> memref<10000x128xf32, #tpu.memory_space<hbm>>
      tpu.wait_indirect_dma semaphore(%arg14 : memref<!tpu.dma_semaphore, #tpu.memory_space<semaphore_mem>>) src(%dma_wait3A_388 : memref<10000x128xf32, #tpu.memory_space<hbm>>) dst(%arg7 : memref<128x128xf32, #tpu.memory_space<vmem>>)
      %run_scoped3A_389 = arith.constant 2 : i32
      %run_scoped3A_390 = arith.constant 1 : i32
      "tpu.region"() ({
        %run_scoped3A_505 = tpu.sem_alloc : memref<!tpu.dma_semaphore, #tpu.memory_space<semaphore_mem>>
        %dma_start3A_506 = arith.constant 0 : i32
        %dma_start3A_507 = tpu.memref_slice %arg6[%run_scoped3A_389, %run_scoped3A_390, %dma_start3A_506] : memref<4x2x128xi32, #tpu.memory_space<vmem>> -> memref<1x1x128xi32, #tpu.memory_space<vmem>>
        %dma_start3A_508 = tpu.memref_squeeze %dma_start3A_507 : memref<1x1x128xi32, #tpu.memory_space<vmem>> -> memref<128xi32, #tpu.memory_space<vmem>>
        %dma_start3A_509 = arith.constant 0 : i32
        %dma_start3A_510 = arith.constant 0 : i32
        %dma_start3A_511 = tpu.memref_slice %arg9[%scan3A_186, %dma_start3A_509, %dma_start3A_510] : memref<1x10112x128xf32, #tpu.memory_space<vmem_shared>> -> memref<1x10112x128xf32, #tpu.memory_space<vmem_shared>>
        %dma_start3A_512 = tpu.memref_squeeze %dma_start3A_511 : memref<1x10112x128xf32, #tpu.memory_space<vmem_shared>> -> memref<10112x128xf32, #tpu.memory_space<vmem_shared>>
        %dma_start3A_513 = arith.constant 0 : i32
        %dma_start3A_514 = arith.constant 0 : i32
        %dma_start3A_515 = tpu.memref_slice %dma_start3A_512[%dma_start3A_513, %dma_start3A_514] : memref<10112x128xf32, #tpu.memory_space<vmem_shared>> -> memref<10112x128xf32, #tpu.memory_space<vmem_shared>>
        tpu.enqueue_indirect_dma source(%arg7 : memref<128x128xf32, #tpu.memory_space<vmem>>) target(%dma_start3A_515 : memref<10112x128xf32, #tpu.memory_space<vmem_shared>>) offsets(%dma_start3A_508 : memref<128xi32, #tpu.memory_space<vmem>>) semaphore(%run_scoped3A_505 : memref<!tpu.dma_semaphore, #tpu.memory_space<semaphore_mem>>) {add = true}
        %dma_wait3A_516 = arith.constant 0 : i32
        %dma_wait3A_517 = tpu.memref_slice %arg6[%run_scoped3A_389, %run_scoped3A_390, %dma_wait3A_516] : memref<4x2x128xi32, #tpu.memory_space<vmem>> -> memref<1x1x128xi32, #tpu.memory_space<vmem>>
        %dma_wait3A_518 = tpu.memref_squeeze %dma_wait3A_517 : memref<1x1x128xi32, #tpu.memory_space<vmem>> -> memref<128xi32, #tpu.memory_space<vmem>>
        %dma_wait3A_519 = arith.constant 0 : i32
        %dma_wait3A_520 = arith.constant 0 : i32
        %dma_wait3A_521 = tpu.memref_slice %arg9[%scan3A_186, %dma_wait3A_519, %dma_wait3A_520] : memref<1x10112x128xf32, #tpu.memory_space<vmem_shared>> -> memref<1x10112x128xf32, #tpu.memory_space<vmem_shared>>
        %dma_wait3A_522 = tpu.memref_squeeze %dma_wait3A_521 : memref<1x10112x128xf32, #tpu.memory_space<vmem_shared>> -> memref<10112x128xf32, #tpu.memory_space<vmem_shared>>
        %dma_wait3A_523 = arith.constant 0 : i32
        %dma_wait3A_524 = arith.constant 0 : i32
        %dma_wait3A_525 = tpu.memref_slice %dma_wait3A_522[%dma_wait3A_523, %dma_wait3A_524] : memref<10112x128xf32, #tpu.memory_space<vmem_shared>> -> memref<10112x128xf32, #tpu.memory_space<vmem_shared>>
        tpu.wait_indirect_dma semaphore(%run_scoped3A_505 : memref<!tpu.dma_semaphore, #tpu.memory_space<semaphore_mem>>) src(%arg7 : memref<128x128xf32, #tpu.memory_space<vmem>>) dst(%dma_wait3A_525 : memref<10112x128xf32, #tpu.memory_space<vmem_shared>>)
        tpu.yield
      }) : () -> ()
      %run_scoped3A_391 = arith.constant 2 : i32
      %run_scoped3A_392 = arith.constant 1 : i32
      "tpu.region"() ({
        %run_scoped3A_505 = tpu.sem_alloc : memref<!tpu.dma_semaphore, #tpu.memory_space<semaphore_mem>>
        %dma_start3A_506 = arith.constant 0 : i32
        %dma_start3A_507 = tpu.memref_slice %arg6[%run_scoped3A_391, %run_scoped3A_392, %dma_start3A_506] : memref<4x2x128xi32, #tpu.memory_space<vmem>> -> memref<1x1x128xi32, #tpu.memory_space<vmem>>
        %dma_start3A_508 = tpu.memref_squeeze %dma_start3A_507 : memref<1x1x128xi32, #tpu.memory_space<vmem>> -> memref<128xi32, #tpu.memory_space<vmem>>
        %dma_start3A_509 = arith.constant 0 : i32
        %dma_start3A_510 = arith.constant 0 : i32
        %dma_start3A_511 = tpu.memref_slice %arg17[%dma_start3A_509, %dma_start3A_510] : memref<10112x16xf32, #tpu.memory_space<vmem_shared>> -> memref<10112x16xf32, #tpu.memory_space<vmem_shared>>
        tpu.enqueue_indirect_dma source(%arg16 : memref<128x16xf32, #tpu.memory_space<vmem>>) target(%dma_start3A_511 : memref<10112x16xf32, #tpu.memory_space<vmem_shared>>) offsets(%dma_start3A_508 : memref<128xi32, #tpu.memory_space<vmem>>) semaphore(%run_scoped3A_505 : memref<!tpu.dma_semaphore, #tpu.memory_space<semaphore_mem>>) {add = true}
        %dma_wait3A_512 = arith.constant 0 : i32
        %dma_wait3A_513 = tpu.memref_slice %arg6[%run_scoped3A_391, %run_scoped3A_392, %dma_wait3A_512] : memref<4x2x128xi32, #tpu.memory_space<vmem>> -> memref<1x1x128xi32, #tpu.memory_space<vmem>>
        %dma_wait3A_514 = tpu.memref_squeeze %dma_wait3A_513 : memref<1x1x128xi32, #tpu.memory_space<vmem>> -> memref<128xi32, #tpu.memory_space<vmem>>
        %dma_wait3A_515 = arith.constant 0 : i32
        %dma_wait3A_516 = arith.constant 0 : i32
        %dma_wait3A_517 = tpu.memref_slice %arg17[%dma_wait3A_515, %dma_wait3A_516] : memref<10112x16xf32, #tpu.memory_space<vmem_shared>> -> memref<10112x16xf32, #tpu.memory_space<vmem_shared>>
        tpu.wait_indirect_dma semaphore(%run_scoped3A_505 : memref<!tpu.dma_semaphore, #tpu.memory_space<semaphore_mem>>) src(%arg16 : memref<128x16xf32, #tpu.memory_space<vmem>>) dst(%dma_wait3A_517 : memref<10112x16xf32, #tpu.memory_space<vmem_shared>>)
        tpu.yield
      }) : () -> ()
      %add3A_393 = arith.constant 4 : i32
      %add3A_394 = arith.addi %add3A_380, %add3A_393 : i32
      %lt3A_395 = arith.constant 80 : i32
      %lt3A_396 = arith.cmpi slt, %add3A_394, %lt3A_395 : i32
      %add3A_397 = arith.addi %multiple_of3A, %add3A_394 : i32
      %select_n3A_398 = arith.select %lt3A_396, %add3A_397, %multiple_of3A : i32
      %dma_start3A_399 = arith.constant 2 : i32
      %dma_start3A_400 = arith.constant 0 : i32
      %dma_start3A_401 = arith.constant 0 : i32
      %dma_start3A_402 = tpu.memref_slice %arg6[%dma_start3A_399, %dma_start3A_400, %dma_start3A_401] : memref<4x2x128xi32, #tpu.memory_space<vmem>> -> memref<1x2x128xi32, #tpu.memory_space<vmem>>
      %dma_start3A_403 = tpu.memref_squeeze %dma_start3A_402 : memref<1x2x128xi32, #tpu.memory_space<vmem>> -> memref<2x128xi32, #tpu.memory_space<vmem>>
      %dma_start3A_404 = arith.constant 0 : i32
      %dma_start3A_405 = arith.constant 0 : i32
      %dma_start3A_406 = tpu.memref_slice %arg3[%select_n3A_398, %dma_start3A_404, %dma_start3A_405] : memref<2560x2x128xi32, #tpu.memory_space<hbm>> -> memref<1x2x128xi32, #tpu.memory_space<hbm>>
      %dma_start3A_407 = tpu.memref_squeeze %dma_start3A_406 : memref<1x2x128xi32, #tpu.memory_space<hbm>> -> memref<2x128xi32, #tpu.memory_space<hbm>>
      %dma_start3A_408 = arith.constant 0 : i32
      %dma_start3A_409 = arith.constant 0 : i32
      %dma_start3A_410 = tpu.memref_slice %arg6[%dma_start3A_399, %dma_start3A_408, %dma_start3A_409] : memref<4x2x128xi32, #tpu.memory_space<vmem>> -> memref<1x2x128xi32, #tpu.memory_space<vmem>>
      %dma_start3A_411 = tpu.memref_squeeze %dma_start3A_410 : memref<1x2x128xi32, #tpu.memory_space<vmem>> -> memref<2x128xi32, #tpu.memory_space<vmem>>
      %dma_start3A_412 = arith.constant 0 : i32
      %dma_start3A_413 = arith.constant 0 : i32
      %dma_start3A_414 = tpu.memref_slice %arg3[%select_n3A_398, %dma_start3A_412, %dma_start3A_413] : memref<2560x2x128xi32, #tpu.memory_space<hbm>> -> memref<1x2x128xi32, #tpu.memory_space<hbm>>
      %dma_start3A_415 = tpu.memref_squeeze %dma_start3A_414 : memref<1x2x128xi32, #tpu.memory_space<hbm>> -> memref<2x128xi32, #tpu.memory_space<hbm>>
      tpu.enqueue_dma source(%dma_start3A_415 : memref<2x128xi32, #tpu.memory_space<hbm>>) target(%dma_start3A_411 : memref<2x128xi32, #tpu.memory_space<vmem>>) target_semaphore(%arg12 : memref<!tpu.dma_semaphore, #tpu.memory_space<semaphore_mem>>)
      %dma_wait3A_416 = arith.constant 0 : i32
      %dma_wait3A_417 = arith.constant 0 : i32
      %dma_wait3A_418 = arith.constant 0 : i32
      %dma_wait3A_419 = tpu.memref_slice %arg6[%dma_wait3A_416, %dma_wait3A_417, %dma_wait3A_418] : memref<4x2x128xi32, #tpu.memory_space<vmem>> -> memref<1x2x128xi32, #tpu.memory_space<vmem>>
      %dma_wait3A_420 = tpu.memref_squeeze %dma_wait3A_419 : memref<1x2x128xi32, #tpu.memory_space<vmem>> -> memref<2x128xi32, #tpu.memory_space<vmem>>
      %dma_wait3A_421 = arith.constant 0 : i32
      %dma_wait3A_422 = arith.constant 0 : i32
      %dma_wait3A_423 = tpu.memref_slice %arg3[%multiple_of3A, %dma_wait3A_421, %dma_wait3A_422] : memref<2560x2x128xi32, #tpu.memory_space<hbm>> -> memref<1x2x128xi32, #tpu.memory_space<hbm>>
      %dma_wait3A_424 = tpu.memref_squeeze %dma_wait3A_423 : memref<1x2x128xi32, #tpu.memory_space<hbm>> -> memref<2x128xi32, #tpu.memory_space<hbm>>
      %dma_wait3A_425 = arith.constant 0 : i32
      %dma_wait3A_426 = arith.constant 0 : i32
      %dma_wait3A_427 = tpu.memref_slice %arg6[%dma_wait3A_416, %dma_wait3A_425, %dma_wait3A_426] : memref<4x2x128xi32, #tpu.memory_space<vmem>> -> memref<1x2x128xi32, #tpu.memory_space<vmem>>
      %dma_wait3A_428 = tpu.memref_squeeze %dma_wait3A_427 : memref<1x2x128xi32, #tpu.memory_space<vmem>> -> memref<2x128xi32, #tpu.memory_space<vmem>>
      %dma_wait3A_429 = arith.constant 0 : i32
      %dma_wait3A_430 = arith.constant 0 : i32
      %dma_wait3A_431 = tpu.memref_slice %arg3[%multiple_of3A, %dma_wait3A_429, %dma_wait3A_430] : memref<2560x2x128xi32, #tpu.memory_space<hbm>> -> memref<1x2x128xi32, #tpu.memory_space<hbm>>
      %dma_wait3A_432 = tpu.memref_squeeze %dma_wait3A_431 : memref<1x2x128xi32, #tpu.memory_space<hbm>> -> memref<2x128xi32, #tpu.memory_space<hbm>>
      tpu.wait_dma2 semaphore(%arg10 : memref<!tpu.dma_semaphore, #tpu.memory_space<semaphore_mem>>) src(%dma_wait3A_432 : memref<2x128xi32, #tpu.memory_space<hbm>>) dst(%dma_wait3A_428 : memref<2x128xi32, #tpu.memory_space<vmem>>)
      %dma_start3A_433 = arith.constant 0 : i32
      %dma_start3A_434 = arith.constant 0 : i32
      %dma_start3A_435 = arith.constant 0 : i32
      %dma_start3A_436 = tpu.memref_slice %arg6[%dma_start3A_433, %dma_start3A_434, %dma_start3A_435] : memref<4x2x128xi32, #tpu.memory_space<vmem>> -> memref<1x1x128xi32, #tpu.memory_space<vmem>>
      %dma_start3A_437 = tpu.memref_squeeze %dma_start3A_436 : memref<1x1x128xi32, #tpu.memory_space<vmem>> -> memref<128xi32, #tpu.memory_space<vmem>>
      %dma_start3A_438 = arith.constant 0 : i32
      %dma_start3A_439 = arith.constant 0 : i32
      %dma_start3A_440 = tpu.memref_slice %arg2[%dma_start3A_438, %dma_start3A_439] : memref<10000x128xf32, #tpu.memory_space<hbm>> -> memref<10000x128xf32, #tpu.memory_space<hbm>>
      tpu.enqueue_indirect_dma source(%dma_start3A_440 : memref<10000x128xf32, #tpu.memory_space<hbm>>) target(%arg7 : memref<128x128xf32, #tpu.memory_space<vmem>>) offsets(%dma_start3A_437 : memref<128xi32, #tpu.memory_space<vmem>>) semaphore(%arg14 : memref<!tpu.dma_semaphore, #tpu.memory_space<semaphore_mem>>)
      %mul3A_441 = arith.constant 4 : i32
      %mul3A_442 = arith.muli %mul3A_441, %scan3A_248 : i32
      %add3A_443 = arith.constant 3 : i32
      %add3A_444 = arith.addi %mul3A_442, %add3A_443 : i32
      %dma_wait3A_445 = arith.constant 3 : i32
      %dma_wait3A_446 = arith.constant 0 : i32
      %dma_wait3A_447 = arith.constant 0 : i32
      %dma_wait3A_448 = tpu.memref_slice %arg6[%dma_wait3A_445, %dma_wait3A_446, %dma_wait3A_447] : memref<4x2x128xi32, #tpu.memory_space<vmem>> -> memref<1x1x128xi32, #tpu.memory_space<vmem>>
      %dma_wait3A_449 = tpu.memref_squeeze %dma_wait3A_448 : memref<1x1x128xi32, #tpu.memory_space<vmem>> -> memref<128xi32, #tpu.memory_space<vmem>>
      %dma_wait3A_450 = arith.constant 0 : i32
      %dma_wait3A_451 = arith.constant 0 : i32
      %dma_wait3A_452 = tpu.memref_slice %arg2[%dma_wait3A_450, %dma_wait3A_451] : memref<10000x128xf32, #tpu.memory_space<hbm>> -> memref<10000x128xf32, #tpu.memory_space<hbm>>
      tpu.wait_indirect_dma semaphore(%arg15 : memref<!tpu.dma_semaphore, #tpu.memory_space<semaphore_mem>>) src(%dma_wait3A_452 : memref<10000x128xf32, #tpu.memory_space<hbm>>) dst(%arg8 : memref<128x128xf32, #tpu.memory_space<vmem>>)
      %run_scoped3A_453 = arith.constant 3 : i32
      %run_scoped3A_454 = arith.constant 1 : i32
      "tpu.region"() ({
        %run_scoped3A_505 = tpu.sem_alloc : memref<!tpu.dma_semaphore, #tpu.memory_space<semaphore_mem>>
        %dma_start3A_506 = arith.constant 0 : i32
        %dma_start3A_507 = tpu.memref_slice %arg6[%run_scoped3A_453, %run_scoped3A_454, %dma_start3A_506] : memref<4x2x128xi32, #tpu.memory_space<vmem>> -> memref<1x1x128xi32, #tpu.memory_space<vmem>>
        %dma_start3A_508 = tpu.memref_squeeze %dma_start3A_507 : memref<1x1x128xi32, #tpu.memory_space<vmem>> -> memref<128xi32, #tpu.memory_space<vmem>>
        %dma_start3A_509 = arith.constant 0 : i32
        %dma_start3A_510 = arith.constant 0 : i32
        %dma_start3A_511 = tpu.memref_slice %arg9[%scan3A_186, %dma_start3A_509, %dma_start3A_510] : memref<1x10112x128xf32, #tpu.memory_space<vmem_shared>> -> memref<1x10112x128xf32, #tpu.memory_space<vmem_shared>>
        %dma_start3A_512 = tpu.memref_squeeze %dma_start3A_511 : memref<1x10112x128xf32, #tpu.memory_space<vmem_shared>> -> memref<10112x128xf32, #tpu.memory_space<vmem_shared>>
        %dma_start3A_513 = arith.constant 0 : i32
        %dma_start3A_514 = arith.constant 0 : i32
        %dma_start3A_515 = tpu.memref_slice %dma_start3A_512[%dma_start3A_513, %dma_start3A_514] : memref<10112x128xf32, #tpu.memory_space<vmem_shared>> -> memref<10112x128xf32, #tpu.memory_space<vmem_shared>>
        tpu.enqueue_indirect_dma source(%arg8 : memref<128x128xf32, #tpu.memory_space<vmem>>) target(%dma_start3A_515 : memref<10112x128xf32, #tpu.memory_space<vmem_shared>>) offsets(%dma_start3A_508 : memref<128xi32, #tpu.memory_space<vmem>>) semaphore(%run_scoped3A_505 : memref<!tpu.dma_semaphore, #tpu.memory_space<semaphore_mem>>) {add = true}
        %dma_wait3A_516 = arith.constant 0 : i32
        %dma_wait3A_517 = tpu.memref_slice %arg6[%run_scoped3A_453, %run_scoped3A_454, %dma_wait3A_516] : memref<4x2x128xi32, #tpu.memory_space<vmem>> -> memref<1x1x128xi32, #tpu.memory_space<vmem>>
        %dma_wait3A_518 = tpu.memref_squeeze %dma_wait3A_517 : memref<1x1x128xi32, #tpu.memory_space<vmem>> -> memref<128xi32, #tpu.memory_space<vmem>>
        %dma_wait3A_519 = arith.constant 0 : i32
        %dma_wait3A_520 = arith.constant 0 : i32
        %dma_wait3A_521 = tpu.memref_slice %arg9[%scan3A_186, %dma_wait3A_519, %dma_wait3A_520] : memref<1x10112x128xf32, #tpu.memory_space<vmem_shared>> -> memref<1x10112x128xf32, #tpu.memory_space<vmem_shared>>
        %dma_wait3A_522 = tpu.memref_squeeze %dma_wait3A_521 : memref<1x10112x128xf32, #tpu.memory_space<vmem_shared>> -> memref<10112x128xf32, #tpu.memory_space<vmem_shared>>
        %dma_wait3A_523 = arith.constant 0 : i32
        %dma_wait3A_524 = arith.constant 0 : i32
        %dma_wait3A_525 = tpu.memref_slice %dma_wait3A_522[%dma_wait3A_523, %dma_wait3A_524] : memref<10112x128xf32, #tpu.memory_space<vmem_shared>> -> memref<10112x128xf32, #tpu.memory_space<vmem_shared>>
        tpu.wait_indirect_dma semaphore(%run_scoped3A_505 : memref<!tpu.dma_semaphore, #tpu.memory_space<semaphore_mem>>) src(%arg8 : memref<128x128xf32, #tpu.memory_space<vmem>>) dst(%dma_wait3A_525 : memref<10112x128xf32, #tpu.memory_space<vmem_shared>>)
        tpu.yield
      }) : () -> ()
      %run_scoped3A_455 = arith.constant 3 : i32
      %run_scoped3A_456 = arith.constant 1 : i32
      "tpu.region"() ({
        %run_scoped3A_505 = tpu.sem_alloc : memref<!tpu.dma_semaphore, #tpu.memory_space<semaphore_mem>>
        %dma_start3A_506 = arith.constant 0 : i32
        %dma_start3A_507 = tpu.memref_slice %arg6[%run_scoped3A_455, %run_scoped3A_456, %dma_start3A_506] : memref<4x2x128xi32, #tpu.memory_space<vmem>> -> memref<1x1x128xi32, #tpu.memory_space<vmem>>
        %dma_start3A_508 = tpu.memref_squeeze %dma_start3A_507 : memref<1x1x128xi32, #tpu.memory_space<vmem>> -> memref<128xi32, #tpu.memory_space<vmem>>
        %dma_start3A_509 = arith.constant 0 : i32
        %dma_start3A_510 = arith.constant 0 : i32
        %dma_start3A_511 = tpu.memref_slice %arg17[%dma_start3A_509, %dma_start3A_510] : memref<10112x16xf32, #tpu.memory_space<vmem_shared>> -> memref<10112x16xf32, #tpu.memory_space<vmem_shared>>
        tpu.enqueue_indirect_dma source(%arg16 : memref<128x16xf32, #tpu.memory_space<vmem>>) target(%dma_start3A_511 : memref<10112x16xf32, #tpu.memory_space<vmem_shared>>) offsets(%dma_start3A_508 : memref<128xi32, #tpu.memory_space<vmem>>) semaphore(%run_scoped3A_505 : memref<!tpu.dma_semaphore, #tpu.memory_space<semaphore_mem>>) {add = true}
        %dma_wait3A_512 = arith.constant 0 : i32
        %dma_wait3A_513 = tpu.memref_slice %arg6[%run_scoped3A_455, %run_scoped3A_456, %dma_wait3A_512] : memref<4x2x128xi32, #tpu.memory_space<vmem>> -> memref<1x1x128xi32, #tpu.memory_space<vmem>>
        %dma_wait3A_514 = tpu.memref_squeeze %dma_wait3A_513 : memref<1x1x128xi32, #tpu.memory_space<vmem>> -> memref<128xi32, #tpu.memory_space<vmem>>
        %dma_wait3A_515 = arith.constant 0 : i32
        %dma_wait3A_516 = arith.constant 0 : i32
        %dma_wait3A_517 = tpu.memref_slice %arg17[%dma_wait3A_515, %dma_wait3A_516] : memref<10112x16xf32, #tpu.memory_space<vmem_shared>> -> memref<10112x16xf32, #tpu.memory_space<vmem_shared>>
        tpu.wait_indirect_dma semaphore(%run_scoped3A_505 : memref<!tpu.dma_semaphore, #tpu.memory_space<semaphore_mem>>) src(%arg16 : memref<128x16xf32, #tpu.memory_space<vmem>>) dst(%dma_wait3A_517 : memref<10112x16xf32, #tpu.memory_space<vmem_shared>>)
        tpu.yield
      }) : () -> ()
      %add3A_457 = arith.constant 4 : i32
      %add3A_458 = arith.addi %add3A_444, %add3A_457 : i32
      %lt3A_459 = arith.constant 80 : i32
      %lt3A_460 = arith.cmpi slt, %add3A_458, %lt3A_459 : i32
      %add3A_461 = arith.addi %multiple_of3A, %add3A_458 : i32
      %select_n3A_462 = arith.select %lt3A_460, %add3A_461, %multiple_of3A : i32
      %dma_start3A_463 = arith.constant 3 : i32
      %dma_start3A_464 = arith.constant 0 : i32
      %dma_start3A_465 = arith.constant 0 : i32
      %dma_start3A_466 = tpu.memref_slice %arg6[%dma_start3A_463, %dma_start3A_464, %dma_start3A_465] : memref<4x2x128xi32, #tpu.memory_space<vmem>> -> memref<1x2x128xi32, #tpu.memory_space<vmem>>
      %dma_start3A_467 = tpu.memref_squeeze %dma_start3A_466 : memref<1x2x128xi32, #tpu.memory_space<vmem>> -> memref<2x128xi32, #tpu.memory_space<vmem>>
      %dma_start3A_468 = arith.constant 0 : i32
      %dma_start3A_469 = arith.constant 0 : i32
      %dma_start3A_470 = tpu.memref_slice %arg3[%select_n3A_462, %dma_start3A_468, %dma_start3A_469] : memref<2560x2x128xi32, #tpu.memory_space<hbm>> -> memref<1x2x128xi32, #tpu.memory_space<hbm>>
      %dma_start3A_471 = tpu.memref_squeeze %dma_start3A_470 : memref<1x2x128xi32, #tpu.memory_space<hbm>> -> memref<2x128xi32, #tpu.memory_space<hbm>>
      %dma_start3A_472 = arith.constant 0 : i32
      %dma_start3A_473 = arith.constant 0 : i32
      %dma_start3A_474 = tpu.memref_slice %arg6[%dma_start3A_463, %dma_start3A_472, %dma_start3A_473] : memref<4x2x128xi32, #tpu.memory_space<vmem>> -> memref<1x2x128xi32, #tpu.memory_space<vmem>>
      %dma_start3A_475 = tpu.memref_squeeze %dma_start3A_474 : memref<1x2x128xi32, #tpu.memory_space<vmem>> -> memref<2x128xi32, #tpu.memory_space<vmem>>
      %dma_start3A_476 = arith.constant 0 : i32
      %dma_start3A_477 = arith.constant 0 : i32
      %dma_start3A_478 = tpu.memref_slice %arg3[%select_n3A_462, %dma_start3A_476, %dma_start3A_477] : memref<2560x2x128xi32, #tpu.memory_space<hbm>> -> memref<1x2x128xi32, #tpu.memory_space<hbm>>
      %dma_start3A_479 = tpu.memref_squeeze %dma_start3A_478 : memref<1x2x128xi32, #tpu.memory_space<hbm>> -> memref<2x128xi32, #tpu.memory_space<hbm>>
      tpu.enqueue_dma source(%dma_start3A_479 : memref<2x128xi32, #tpu.memory_space<hbm>>) target(%dma_start3A_475 : memref<2x128xi32, #tpu.memory_space<vmem>>) target_semaphore(%arg13 : memref<!tpu.dma_semaphore, #tpu.memory_space<semaphore_mem>>)
      %dma_wait3A_480 = arith.constant 1 : i32
      %dma_wait3A_481 = arith.constant 0 : i32
      %dma_wait3A_482 = arith.constant 0 : i32
      %dma_wait3A_483 = tpu.memref_slice %arg6[%dma_wait3A_480, %dma_wait3A_481, %dma_wait3A_482] : memref<4x2x128xi32, #tpu.memory_space<vmem>> -> memref<1x2x128xi32, #tpu.memory_space<vmem>>
      %dma_wait3A_484 = tpu.memref_squeeze %dma_wait3A_483 : memref<1x2x128xi32, #tpu.memory_space<vmem>> -> memref<2x128xi32, #tpu.memory_space<vmem>>
      %dma_wait3A_485 = arith.constant 0 : i32
      %dma_wait3A_486 = arith.constant 0 : i32
      %dma_wait3A_487 = tpu.memref_slice %arg3[%multiple_of3A, %dma_wait3A_485, %dma_wait3A_486] : memref<2560x2x128xi32, #tpu.memory_space<hbm>> -> memref<1x2x128xi32, #tpu.memory_space<hbm>>
      %dma_wait3A_488 = tpu.memref_squeeze %dma_wait3A_487 : memref<1x2x128xi32, #tpu.memory_space<hbm>> -> memref<2x128xi32, #tpu.memory_space<hbm>>
      %dma_wait3A_489 = arith.constant 0 : i32
      %dma_wait3A_490 = arith.constant 0 : i32
      %dma_wait3A_491 = tpu.memref_slice %arg6[%dma_wait3A_480, %dma_wait3A_489, %dma_wait3A_490] : memref<4x2x128xi32, #tpu.memory_space<vmem>> -> memref<1x2x128xi32, #tpu.memory_space<vmem>>
      %dma_wait3A_492 = tpu.memref_squeeze %dma_wait3A_491 : memref<1x2x128xi32, #tpu.memory_space<vmem>> -> memref<2x128xi32, #tpu.memory_space<vmem>>
      %dma_wait3A_493 = arith.constant 0 : i32
      %dma_wait3A_494 = arith.constant 0 : i32
      %dma_wait3A_495 = tpu.memref_slice %arg3[%multiple_of3A, %dma_wait3A_493, %dma_wait3A_494] : memref<2560x2x128xi32, #tpu.memory_space<hbm>> -> memref<1x2x128xi32, #tpu.memory_space<hbm>>
      %dma_wait3A_496 = tpu.memref_squeeze %dma_wait3A_495 : memref<1x2x128xi32, #tpu.memory_space<hbm>> -> memref<2x128xi32, #tpu.memory_space<hbm>>
      tpu.wait_dma2 semaphore(%arg11 : memref<!tpu.dma_semaphore, #tpu.memory_space<semaphore_mem>>) src(%dma_wait3A_496 : memref<2x128xi32, #tpu.memory_space<hbm>>) dst(%dma_wait3A_492 : memref<2x128xi32, #tpu.memory_space<vmem>>)
      %dma_start3A_497 = arith.constant 1 : i32
      %dma_start3A_498 = arith.constant 0 : i32
      %dma_start3A_499 = arith.constant 0 : i32
      %dma_start3A_500 = tpu.memref_slice %arg6[%dma_start3A_497, %dma_start3A_498, %dma_start3A_499] : memref<4x2x128xi32, #tpu.memory_space<vmem>> -> memref<1x1x128xi32, #tpu.memory_space<vmem>>
      %dma_start3A_501 = tpu.memref_squeeze %dma_start3A_500 : memref<1x1x128xi32, #tpu.memory_space<vmem>> -> memref<128xi32, #tpu.memory_space<vmem>>
      %dma_start3A_502 = arith.constant 0 : i32
      %dma_start3A_503 = arith.constant 0 : i32
      %dma_start3A_504 = tpu.memref_slice %arg2[%dma_start3A_502, %dma_start3A_503] : memref<10000x128xf32, #tpu.memory_space<hbm>> -> memref<10000x128xf32, #tpu.memory_space<hbm>>
      tpu.enqueue_indirect_dma source(%dma_start3A_504 : memref<10000x128xf32, #tpu.memory_space<hbm>>) target(%arg8 : memref<128x128xf32, #tpu.memory_space<vmem>>) offsets(%dma_start3A_501 : memref<128xi32, #tpu.memory_space<vmem>>) semaphore(%arg15 : memref<!tpu.dma_semaphore, #tpu.memory_space<semaphore_mem>>)
    }
    %scan3A_191 = arith.constant 20 : i32
    %dma_wait3A_192 = arith.constant 0 : i32
    %dma_wait3A_193 = arith.constant 0 : i32
    %dma_wait3A_194 = arith.constant 0 : i32
    %dma_wait3A_195 = tpu.memref_slice %arg6[%dma_wait3A_192, %dma_wait3A_193, %dma_wait3A_194] : memref<4x2x128xi32, #tpu.memory_space<vmem>> -> memref<1x1x128xi32, #tpu.memory_space<vmem>>
    %dma_wait3A_196 = tpu.memref_squeeze %dma_wait3A_195 : memref<1x1x128xi32, #tpu.memory_space<vmem>> -> memref<128xi32, #tpu.memory_space<vmem>>
    %dma_wait3A_197 = arith.constant 0 : i32
    %dma_wait3A_198 = arith.constant 0 : i32
    %dma_wait3A_199 = tpu.memref_slice %arg2[%dma_wait3A_197, %dma_wait3A_198] : memref<10000x128xf32, #tpu.memory_space<hbm>> -> memref<10000x128xf32, #tpu.memory_space<hbm>>
    tpu.wait_indirect_dma semaphore(%arg14 : memref<!tpu.dma_semaphore, #tpu.memory_space<semaphore_mem>>) src(%dma_wait3A_199 : memref<10000x128xf32, #tpu.memory_space<hbm>>) dst(%arg7 : memref<128x128xf32, #tpu.memory_space<vmem>>)
    %dma_wait3A_200 = arith.constant 1 : i32
    %dma_wait3A_201 = arith.constant 0 : i32
    %dma_wait3A_202 = arith.constant 0 : i32
    %dma_wait3A_203 = tpu.memref_slice %arg6[%dma_wait3A_200, %dma_wait3A_201, %dma_wait3A_202] : memref<4x2x128xi32, #tpu.memory_space<vmem>> -> memref<1x1x128xi32, #tpu.memory_space<vmem>>
    %dma_wait3A_204 = tpu.memref_squeeze %dma_wait3A_203 : memref<1x1x128xi32, #tpu.memory_space<vmem>> -> memref<128xi32, #tpu.memory_space<vmem>>
    %dma_wait3A_205 = arith.constant 0 : i32
    %dma_wait3A_206 = arith.constant 0 : i32
    %dma_wait3A_207 = tpu.memref_slice %arg2[%dma_wait3A_205, %dma_wait3A_206] : memref<10000x128xf32, #tpu.memory_space<hbm>> -> memref<10000x128xf32, #tpu.memory_space<hbm>>
    tpu.wait_indirect_dma semaphore(%arg15 : memref<!tpu.dma_semaphore, #tpu.memory_space<semaphore_mem>>) src(%dma_wait3A_207 : memref<10000x128xf32, #tpu.memory_space<hbm>>) dst(%arg8 : memref<128x128xf32, #tpu.memory_space<vmem>>)
    %dma_wait3A_208 = arith.constant 2 : i32
    %dma_wait3A_209 = arith.constant 0 : i32
    %dma_wait3A_210 = arith.constant 0 : i32
    %dma_wait3A_211 = tpu.memref_slice %arg6[%dma_wait3A_208, %dma_wait3A_209, %dma_wait3A_210] : memref<4x2x128xi32, #tpu.memory_space<vmem>> -> memref<1x2x128xi32, #tpu.memory_space<vmem>>
    %dma_wait3A_212 = tpu.memref_squeeze %dma_wait3A_211 : memref<1x2x128xi32, #tpu.memory_space<vmem>> -> memref<2x128xi32, #tpu.memory_space<vmem>>
    %dma_wait3A_213 = arith.constant 0 : i32
    %dma_wait3A_214 = arith.constant 0 : i32
    %dma_wait3A_215 = tpu.memref_slice %arg3[%multiple_of3A, %dma_wait3A_213, %dma_wait3A_214] : memref<2560x2x128xi32, #tpu.memory_space<hbm>> -> memref<1x2x128xi32, #tpu.memory_space<hbm>>
    %dma_wait3A_216 = tpu.memref_squeeze %dma_wait3A_215 : memref<1x2x128xi32, #tpu.memory_space<hbm>> -> memref<2x128xi32, #tpu.memory_space<hbm>>
    %dma_wait3A_217 = arith.constant 0 : i32
    %dma_wait3A_218 = arith.constant 0 : i32
    %dma_wait3A_219 = tpu.memref_slice %arg6[%dma_wait3A_208, %dma_wait3A_217, %dma_wait3A_218] : memref<4x2x128xi32, #tpu.memory_space<vmem>> -> memref<1x2x128xi32, #tpu.memory_space<vmem>>
    %dma_wait3A_220 = tpu.memref_squeeze %dma_wait3A_219 : memref<1x2x128xi32, #tpu.memory_space<vmem>> -> memref<2x128xi32, #tpu.memory_space<vmem>>
    %dma_wait3A_221 = arith.constant 0 : i32
    %dma_wait3A_222 = arith.constant 0 : i32
    %dma_wait3A_223 = tpu.memref_slice %arg3[%multiple_of3A, %dma_wait3A_221, %dma_wait3A_222] : memref<2560x2x128xi32, #tpu.memory_space<hbm>> -> memref<1x2x128xi32, #tpu.memory_space<hbm>>
    %dma_wait3A_224 = tpu.memref_squeeze %dma_wait3A_223 : memref<1x2x128xi32, #tpu.memory_space<hbm>> -> memref<2x128xi32, #tpu.memory_space<hbm>>
    tpu.wait_dma2 semaphore(%arg12 : memref<!tpu.dma_semaphore, #tpu.memory_space<semaphore_mem>>) src(%dma_wait3A_224 : memref<2x128xi32, #tpu.memory_space<hbm>>) dst(%dma_wait3A_220 : memref<2x128xi32, #tpu.memory_space<vmem>>)
    %dma_wait3A_225 = arith.constant 3 : i32
    %dma_wait3A_226 = arith.constant 0 : i32
    %dma_wait3A_227 = arith.constant 0 : i32
    %dma_wait3A_228 = tpu.memref_slice %arg6[%dma_wait3A_225, %dma_wait3A_226, %dma_wait3A_227] : memref<4x2x128xi32, #tpu.memory_space<vmem>> -> memref<1x2x128xi32, #tpu.memory_space<vmem>>
    %dma_wait3A_229 = tpu.memref_squeeze %dma_wait3A_228 : memref<1x2x128xi32, #tpu.memory_space<vmem>> -> memref<2x128xi32, #tpu.memory_space<vmem>>
    %dma_wait3A_230 = arith.constant 0 : i32
    %dma_wait3A_231 = arith.constant 0 : i32
    %dma_wait3A_232 = tpu.memref_slice %arg3[%multiple_of3A, %dma_wait3A_230, %dma_wait3A_231] : memref<2560x2x128xi32, #tpu.memory_space<hbm>> -> memref<1x2x128xi32, #tpu.memory_space<hbm>>
    %dma_wait3A_233 = tpu.memref_squeeze %dma_wait3A_232 : memref<1x2x128xi32, #tpu.memory_space<hbm>> -> memref<2x128xi32, #tpu.memory_space<hbm>>
    %dma_wait3A_234 = arith.constant 0 : i32
    %dma_wait3A_235 = arith.constant 0 : i32
    %dma_wait3A_236 = tpu.memref_slice %arg6[%dma_wait3A_225, %dma_wait3A_234, %dma_wait3A_235] : memref<4x2x128xi32, #tpu.memory_space<vmem>> -> memref<1x2x128xi32, #tpu.memory_space<vmem>>
    %dma_wait3A_237 = tpu.memref_squeeze %dma_wait3A_236 : memref<1x2x128xi32, #tpu.memory_space<vmem>> -> memref<2x128xi32, #tpu.memory_space<vmem>>
    %dma_wait3A_238 = arith.constant 0 : i32
    %dma_wait3A_239 = arith.constant 0 : i32
    %dma_wait3A_240 = tpu.memref_slice %arg3[%multiple_of3A, %dma_wait3A_238, %dma_wait3A_239] : memref<2560x2x128xi32, #tpu.memory_space<hbm>> -> memref<1x2x128xi32, #tpu.memory_space<hbm>>
    %dma_wait3A_241 = tpu.memref_squeeze %dma_wait3A_240 : memref<1x2x128xi32, #tpu.memory_space<hbm>> -> memref<2x128xi32, #tpu.memory_space<hbm>>
    tpu.wait_dma2 semaphore(%arg13 : memref<!tpu.dma_semaphore, #tpu.memory_space<semaphore_mem>>) src(%dma_wait3A_241 : memref<2x128xi32, #tpu.memory_space<hbm>>) dst(%dma_wait3A_237 : memref<2x128xi32, #tpu.memory_space<vmem>>)
    %barrier3A_242 = arith.constant 0 : index
    tpu.barrier barrier_id(%barrier3A_242)
    %mul3A_243 = arith.constant 1 : i32
    %mul3A_244 = arith.muli %mul3A_243, %arg0 : i32
    %add3A_245 = arith.constant 0 : i32
    %add3A_246 = arith.addi %mul3A_244, %add3A_245 : i32
    %run_scoped3A_247 = arith.constant 0 : i32
    "tpu.region"() ({
      %run_scoped3A_248 = tpu.sem_alloc : memref<!tpu.dma_semaphore, #tpu.memory_space<semaphore_mem>>
      %dma_start3A_249 = arith.constant 0 : i32
      %dma_start3A_250 = tpu.memref_slice %arg4[%add3A_246, %multiple_of3A_5, %dma_start3A_249] : memref<2x10112x128xf32, #tpu.memory_space<hbm>> -> memref<1x632x128xf32, #tpu.memory_space<hbm>>
      %dma_start3A_251 = tpu.memref_squeeze %dma_start3A_250 : memref<1x632x128xf32, #tpu.memory_space<hbm>> -> memref<632x128xf32, #tpu.memory_space<hbm>>
      %dma_start3A_252 = arith.constant 0 : i32
      %dma_start3A_253 = arith.constant 0 : i32
      %dma_start3A_254 = tpu.memref_slice %arg9[%run_scoped3A_247, %dma_start3A_252, %dma_start3A_253] : memref<1x10112x128xf32, #tpu.memory_space<vmem_shared>> -> memref<1x10112x128xf32, #tpu.memory_space<vmem_shared>>
      %dma_start3A_255 = tpu.memref_squeeze %dma_start3A_254 : memref<1x10112x128xf32, #tpu.memory_space<vmem_shared>> -> memref<10112x128xf32, #tpu.memory_space<vmem_shared>>
      %dma_start3A_256 = arith.constant 0 : i32
      %dma_start3A_257 = tpu.memref_slice %dma_start3A_255[%multiple_of3A_5, %dma_start3A_256] : memref<10112x128xf32, #tpu.memory_space<vmem_shared>> -> memref<632x128xf32, #tpu.memory_space<vmem_shared>>
      tpu.enqueue_dma source(%dma_start3A_257 : memref<632x128xf32, #tpu.memory_space<vmem_shared>>) target(%dma_start3A_251 : memref<632x128xf32, #tpu.memory_space<hbm>>) target_semaphore(%run_scoped3A_248 : memref<!tpu.dma_semaphore, #tpu.memory_space<semaphore_mem>>)
      %dma_wait3A_258 = arith.constant 0 : i32
      %dma_wait3A_259 = tpu.memref_slice %arg4[%add3A_246, %multiple_of3A_5, %dma_wait3A_258] : memref<2x10112x128xf32, #tpu.memory_space<hbm>> -> memref<1x632x128xf32, #tpu.memory_space<hbm>>
      %dma_wait3A_260 = tpu.memref_squeeze %dma_wait3A_259 : memref<1x632x128xf32, #tpu.memory_space<hbm>> -> memref<632x128xf32, #tpu.memory_space<hbm>>
      %dma_wait3A_261 = arith.constant 0 : i32
      %dma_wait3A_262 = arith.constant 0 : i32
      %dma_wait3A_263 = tpu.memref_slice %arg9[%run_scoped3A_247, %dma_wait3A_261, %dma_wait3A_262] : memref<1x10112x128xf32, #tpu.memory_space<vmem_shared>> -> memref<1x10112x128xf32, #tpu.memory_space<vmem_shared>>
      %dma_wait3A_264 = tpu.memref_squeeze %dma_wait3A_263 : memref<1x10112x128xf32, #tpu.memory_space<vmem_shared>> -> memref<10112x128xf32, #tpu.memory_space<vmem_shared>>
      %dma_wait3A_265 = arith.constant 0 : i32
      %dma_wait3A_266 = tpu.memref_slice %dma_wait3A_264[%multiple_of3A_5, %dma_wait3A_265] : memref<10112x128xf32, #tpu.memory_space<vmem_shared>> -> memref<632x128xf32, #tpu.memory_space<vmem_shared>>
      tpu.wait_dma2 semaphore(%run_scoped3A_248 : memref<!tpu.dma_semaphore, #tpu.memory_space<semaphore_mem>>) src(%dma_wait3A_266 : memref<632x128xf32, #tpu.memory_space<vmem_shared>>) dst(%dma_wait3A_260 : memref<632x128xf32, #tpu.memory_space<hbm>>)
      tpu.yield
    }) : () -> ()
    "tpu.region"() ({
      %run_scoped3A_248 = tpu.sem_alloc : memref<!tpu.dma_semaphore, #tpu.memory_space<semaphore_mem>>
      %dma_start3A_249 = arith.constant 0 : i32
      %dma_start3A_250 = tpu.memref_slice %arg5[%arg0, %multiple_of3A_5, %dma_start3A_249] : memref<2x10112x16xf32, #tpu.memory_space<hbm>> -> memref<1x632x16xf32, #tpu.memory_space<hbm>>
      %dma_start3A_251 = tpu.memref_squeeze %dma_start3A_250 : memref<1x632x16xf32, #tpu.memory_space<hbm>> -> memref<632x16xf32, #tpu.memory_space<hbm>>
      %dma_start3A_252 = arith.constant 0 : i32
      %dma_start3A_253 = tpu.memref_slice %arg17[%multiple_of3A_5, %dma_start3A_252] : memref<10112x16xf32, #tpu.memory_space<vmem_shared>> -> memref<632x16xf32, #tpu.memory_space<vmem_shared>>
      tpu.enqueue_dma source(%dma_start3A_253 : memref<632x16xf32, #tpu.memory_space<vmem_shared>>) target(%dma_start3A_251 : memref<632x16xf32, #tpu.memory_space<hbm>>) target_semaphore(%run_scoped3A_248 : memref<!tpu.dma_semaphore, #tpu.memory_space<semaphore_mem>>)
      %dma_wait3A_254 = arith.constant 0 : i32
      %dma_wait3A_255 = tpu.memref_slice %arg5[%arg0, %multiple_of3A_5, %dma_wait3A_254] : memref<2x10112x16xf32, #tpu.memory_space<hbm>> -> memref<1x632x16xf32, #tpu.memory_space<hbm>>
      %dma_wait3A_256 = tpu.memref_squeeze %dma_wait3A_255 : memref<1x632x16xf32, #tpu.memory_space<hbm>> -> memref<632x16xf32, #tpu.memory_space<hbm>>
      %dma_wait3A_257 = arith.constant 0 : i32
      %dma_wait3A_258 = tpu.memref_slice %arg17[%multiple_of3A_5, %dma_wait3A_257] : memref<10112x16xf32, #tpu.memory_space<vmem_shared>> -> memref<632x16xf32, #tpu.memory_space<vmem_shared>>
      tpu.wait_dma2 semaphore(%run_scoped3A_248 : memref<!tpu.dma_semaphore, #tpu.memory_space<semaphore_mem>>) src(%dma_wait3A_258 : memref<632x16xf32, #tpu.memory_space<vmem_shared>>) dst(%dma_wait3A_256 : memref<632x16xf32, #tpu.memory_space<hbm>>)
      tpu.yield
    }) : () -> ()
    return
  }
}

#map = affine_map<(d0, d1) -> (0, 0)>
#map1 = affine_map<(d0, d1) -> (0, 0, 0)>
module attributes {stable_mosaic.version = 14 : i64} {
  func.func @seg_sum(%arg0: i32, %arg1: i32, %arg2: memref<10000x48xf32, #tpu.memory_space<hbm>>, %arg3: memref<2560x2x128xi32, #tpu.memory_space<hbm>>, %arg4: memref<2x10112x48xf32, #tpu.memory_space<hbm>>, %arg5: memref<4x2x128xi32, #tpu.memory_space<vmem>>, %arg6: memref<128x48xf32, #tpu.memory_space<vmem>>, %arg7: memref<128x48xf32, #tpu.memory_space<vmem>>, %arg8: memref<1x10112x48xf32, #tpu.memory_space<vmem_shared>>, %arg9: memref<!tpu.dma_semaphore, #tpu.memory_space<semaphore_mem>>, %arg10: memref<!tpu.dma_semaphore, #tpu.memory_space<semaphore_mem>>, %arg11: memref<!tpu.dma_semaphore, #tpu.memory_space<semaphore_mem>>, %arg12: memref<!tpu.dma_semaphore, #tpu.memory_space<semaphore_mem>>, %arg13: memref<!tpu.dma_semaphore, #tpu.memory_space<semaphore_mem>>, %arg14: memref<!tpu.dma_semaphore, #tpu.memory_space<semaphore_mem>>) attributes {dimension_semantics = [#tpu.dimension_semantics<core_parallel>, #tpu.dimension_semantics<subcore_parallel>], iteration_bounds = array<i64: 2, 16>, scalar_prefetch = 0 : i64, scratch_operands = 10 : i64, tpu.core_type = #tpu.core_type<sc_vector_subcore>, window_params = [{transform_indices = #map}, {transform_indices = #map1}, {transform_indices = #map1}]} {
    %mul3A = arith.constant 2 : i32
    %mul3A_0 = arith.muli %arg1, %mul3A : i32
    %add3A = arith.addi %mul3A_0, %arg0 : i32
    %mul3A_1 = arith.constant 80 : i32
    %mul3A_2 = arith.muli %add3A, %mul3A_1 : i32
    %multiple_of3A = tpu.assume_multiple %mul3A_2, 8 : i32
    %mul3A_3 = arith.constant 632 : i32
    %mul3A_4 = arith.muli %arg1, %mul3A_3 : i32
    %multiple_of3A_5 = tpu.assume_multiple %mul3A_4, 8 : i32
    %scan3A = arith.constant 0 : i32
    %scan3A_6 = arith.constant 0 : i32
    %scan3A_7 = arith.constant 128 : i32
    %scan3A_8 = arith.addi %scan3A_6, %scan3A_7 : i32
    %scan3A_9 = arith.constant 1 : i32
    scf.for %scan3A_226 = %scan3A_6 to %scan3A_8 step %scan3A_9  : i32 {
      %scan3A_227 = arith.constant 0 : i32
      %scan3A_228 = arith.constant 3 : i32
      %scan3A_229 = arith.addi %scan3A_227, %scan3A_228 : i32
      %scan3A_230 = arith.constant 1 : i32
      scf.for %scan3A_232 = %scan3A_227 to %scan3A_229 step %scan3A_230  : i32 {
        %broadcast_in_dim3A = arith.constant 0.000000e+00 : f32
        %broadcast_in_dim3A_233 = vector.broadcast %broadcast_in_dim3A : f32 to vector<16xf32>
        %mul3A_234 = arith.constant 16 : i32
        %mul3A_235 = arith.muli %scan3A_232, %mul3A_234 : i32
        %swap3A = arith.index_cast %scan3A_226 : i32 to index
        %swap3A_236 = arith.index_cast %mul3A_235 : i32 to index
        %swap3A_237 = tpu.vector_load %arg6[%swap3A, %swap3A_236] {strides = array<i32>} : memref<128x48xf32, #tpu.memory_space<vmem>>, vector<1x16xf32>,
        %swap3A_238 = vector.shape_cast %swap3A_237 : vector<1x16xf32> to vector<16xf32>
        %swap3A_239 = vector.shape_cast %broadcast_in_dim3A_233 : vector<16xf32> to vector<1x16xf32>
        tpu.vector_store %arg6[%swap3A, %swap3A_236], %swap3A_239 {strides = array<i32>} : memref<128x48xf32, #tpu.memory_space<vmem>>, vector<1x16xf32>,
      }
      %scan3A_231 = arith.constant 3 : i32
    }
    %scan3A_10 = arith.constant 128 : i32
    %add3A_11 = arith.constant 0 : i32
    %add3A_12 = arith.addi %multiple_of3A_5, %add3A_11 : i32
    %run_scoped3A = arith.constant 0 : i32
    "tpu.region"() ({
      %run_scoped3A_226 = tpu.sem_alloc : memref<!tpu.dma_semaphore, #tpu.memory_space<semaphore_mem>>
      %dma_start3A_227 = arith.constant 0 : i32
      %dma_start3A_228 = arith.constant 0 : i32
      %dma_start3A_229 = tpu.memref_slice %arg8[%run_scoped3A, %dma_start3A_227, %dma_start3A_228] : memref<1x10112x48xf32, #tpu.memory_space<vmem_shared>> -> memref<1x10112x48xf32, #tpu.memory_space<vmem_shared>>
      %dma_start3A_230 = tpu.memref_squeeze %dma_start3A_229 : memref<1x10112x48xf32, #tpu.memory_space<vmem_shared>> -> memref<10112x48xf32, #tpu.memory_space<vmem_shared>>
      %dma_start3A_231 = arith.constant 0 : i32
      %dma_start3A_232 = tpu.memref_slice %dma_start3A_230[%add3A_12, %dma_start3A_231] : memref<10112x48xf32, #tpu.memory_space<vmem_shared>> -> memref<128x48xf32, #tpu.memory_space<vmem_shared>>
      %dma_start3A_233 = arith.constant 0 : i32
      %dma_start3A_234 = arith.constant 0 : i32
      %dma_start3A_235 = tpu.memref_slice %arg8[%run_scoped3A, %dma_start3A_233, %dma_start3A_234] : memref<1x10112x48xf32, #tpu.memory_space<vmem_shared>> -> memref<1x10112x48xf32, #tpu.memory_space<vmem_shared>>
      %dma_start3A_236 = tpu.memref_squeeze %dma_start3A_235 : memref<1x10112x48xf32, #tpu.memory_space<vmem_shared>> -> memref<10112x48xf32, #tpu.memory_space<vmem_shared>>
      %dma_start3A_237 = arith.constant 0 : i32
      %dma_start3A_238 = tpu.memref_slice %dma_start3A_236[%add3A_12, %dma_start3A_237] : memref<10112x48xf32, #tpu.memory_space<vmem_shared>> -> memref<128x48xf32, #tpu.memory_space<vmem_shared>>
      tpu.enqueue_dma source(%arg6 : memref<128x48xf32, #tpu.memory_space<vmem>>) target(%dma_start3A_238 : memref<128x48xf32, #tpu.memory_space<vmem_shared>>) target_semaphore(%run_scoped3A_226 : memref<!tpu.dma_semaphore, #tpu.memory_space<semaphore_mem>>)
      %dma_wait3A_239 = arith.constant 0 : i32
      %dma_wait3A_240 = arith.constant 0 : i32
      %dma_wait3A_241 = tpu.memref_slice %arg8[%run_scoped3A, %dma_wait3A_239, %dma_wait3A_240] : memref<1x10112x48xf32, #tpu.memory_space<vmem_shared>> -> memref<1x10112x48xf32, #tpu.memory_space<vmem_shared>>
      %dma_wait3A_242 = tpu.memref_squeeze %dma_wait3A_241 : memref<1x10112x48xf32, #tpu.memory_space<vmem_shared>> -> memref<10112x48xf32, #tpu.memory_space<vmem_shared>>
      %dma_wait3A_243 = arith.constant 0 : i32
      %dma_wait3A_244 = tpu.memref_slice %dma_wait3A_242[%add3A_12, %dma_wait3A_243] : memref<10112x48xf32, #tpu.memory_space<vmem_shared>> -> memref<128x48xf32, #tpu.memory_space<vmem_shared>>
      %dma_wait3A_245 = arith.constant 0 : i32
      %dma_wait3A_246 = arith.constant 0 : i32
      %dma_wait3A_247 = tpu.memref_slice %arg8[%run_scoped3A, %dma_wait3A_245, %dma_wait3A_246] : memref<1x10112x48xf32, #tpu.memory_space<vmem_shared>> -> memref<1x10112x48xf32, #tpu.memory_space<vmem_shared>>
      %dma_wait3A_248 = tpu.memref_squeeze %dma_wait3A_247 : memref<1x10112x48xf32, #tpu.memory_space<vmem_shared>> -> memref<10112x48xf32, #tpu.memory_space<vmem_shared>>
      %dma_wait3A_249 = arith.constant 0 : i32
      %dma_wait3A_250 = tpu.memref_slice %dma_wait3A_248[%add3A_12, %dma_wait3A_249] : memref<10112x48xf32, #tpu.memory_space<vmem_shared>> -> memref<128x48xf32, #tpu.memory_space<vmem_shared>>
      tpu.wait_dma2 semaphore(%run_scoped3A_226 : memref<!tpu.dma_semaphore, #tpu.memory_space<semaphore_mem>>) src(%arg6 : memref<128x48xf32, #tpu.memory_space<vmem>>) dst(%dma_wait3A_250 : memref<128x48xf32, #tpu.memory_space<vmem_shared>>)
      tpu.yield
    }) : () -> ()
    %add3A_13 = arith.constant 128 : i32
    %add3A_14 = arith.addi %multiple_of3A_5, %add3A_13 : i32
    %run_scoped3A_15 = arith.constant 0 : i32
    "tpu.region"() ({
      %run_scoped3A_226 = tpu.sem_alloc : memref<!tpu.dma_semaphore, #tpu.memory_space<semaphore_mem>>
      %dma_start3A_227 = arith.constant 0 : i32
      %dma_start3A_228 = arith.constant 0 : i32
      %dma_start3A_229 = tpu.memref_slice %arg8[%run_scoped3A_15, %dma_start3A_227, %dma_start3A_228] : memref<1x10112x48xf32, #tpu.memory_space<vmem_shared>> -> memref<1x10112x48xf32, #tpu.memory_space<vmem_shared>>
      %dma_start3A_230 = tpu.memref_squeeze %dma_start3A_229 : memref<1x10112x48xf32, #tpu.memory_space<vmem_shared>> -> memref<10112x48xf32, #tpu.memory_space<vmem_shared>>
      %dma_start3A_231 = arith.constant 0 : i32
      %dma_start3A_232 = tpu.memref_slice %dma_start3A_230[%add3A_14, %dma_start3A_231] : memref<10112x48xf32, #tpu.memory_space<vmem_shared>> -> memref<128x48xf32, #tpu.memory_space<vmem_shared>>
      %dma_start3A_233 = arith.constant 0 : i32
      %dma_start3A_234 = arith.constant 0 : i32
      %dma_start3A_235 = tpu.memref_slice %arg8[%run_scoped3A_15, %dma_start3A_233, %dma_start3A_234] : memref<1x10112x48xf32, #tpu.memory_space<vmem_shared>> -> memref<1x10112x48xf32, #tpu.memory_space<vmem_shared>>
      %dma_start3A_236 = tpu.memref_squeeze %dma_start3A_235 : memref<1x10112x48xf32, #tpu.memory_space<vmem_shared>> -> memref<10112x48xf32, #tpu.memory_space<vmem_shared>>
      %dma_start3A_237 = arith.constant 0 : i32
      %dma_start3A_238 = tpu.memref_slice %dma_start3A_236[%add3A_14, %dma_start3A_237] : memref<10112x48xf32, #tpu.memory_space<vmem_shared>> -> memref<128x48xf32, #tpu.memory_space<vmem_shared>>
      tpu.enqueue_dma source(%arg6 : memref<128x48xf32, #tpu.memory_space<vmem>>) target(%dma_start3A_238 : memref<128x48xf32, #tpu.memory_space<vmem_shared>>) target_semaphore(%run_scoped3A_226 : memref<!tpu.dma_semaphore, #tpu.memory_space<semaphore_mem>>)
      %dma_wait3A_239 = arith.constant 0 : i32
      %dma_wait3A_240 = arith.constant 0 : i32
      %dma_wait3A_241 = tpu.memref_slice %arg8[%run_scoped3A_15, %dma_wait3A_239, %dma_wait3A_240] : memref<1x10112x48xf32, #tpu.memory_space<vmem_shared>> -> memref<1x10112x48xf32, #tpu.memory_space<vmem_shared>>
      %dma_wait3A_242 = tpu.memref_squeeze %dma_wait3A_241 : memref<1x10112x48xf32, #tpu.memory_space<vmem_shared>> -> memref<10112x48xf32, #tpu.memory_space<vmem_shared>>
      %dma_wait3A_243 = arith.constant 0 : i32
      %dma_wait3A_244 = tpu.memref_slice %dma_wait3A_242[%add3A_14, %dma_wait3A_243] : memref<10112x48xf32, #tpu.memory_space<vmem_shared>> -> memref<128x48xf32, #tpu.memory_space<vmem_shared>>
      %dma_wait3A_245 = arith.constant 0 : i32
      %dma_wait3A_246 = arith.constant 0 : i32
      %dma_wait3A_247 = tpu.memref_slice %arg8[%run_scoped3A_15, %dma_wait3A_245, %dma_wait3A_246] : memref<1x10112x48xf32, #tpu.memory_space<vmem_shared>> -> memref<1x10112x48xf32, #tpu.memory_space<vmem_shared>>
      %dma_wait3A_248 = tpu.memref_squeeze %dma_wait3A_247 : memref<1x10112x48xf32, #tpu.memory_space<vmem_shared>> -> memref<10112x48xf32, #tpu.memory_space<vmem_shared>>
      %dma_wait3A_249 = arith.constant 0 : i32
      %dma_wait3A_250 = tpu.memref_slice %dma_wait3A_248[%add3A_14, %dma_wait3A_249] : memref<10112x48xf32, #tpu.memory_space<vmem_shared>> -> memref<128x48xf32, #tpu.memory_space<vmem_shared>>
      tpu.wait_dma2 semaphore(%run_scoped3A_226 : memref<!tpu.dma_semaphore, #tpu.memory_space<semaphore_mem>>) src(%arg6 : memref<128x48xf32, #tpu.memory_space<vmem>>) dst(%dma_wait3A_250 : memref<128x48xf32, #tpu.memory_space<vmem_shared>>)
      tpu.yield
    }) : () -> ()
    %add3A_16 = arith.constant 256 : i32
    %add3A_17 = arith.addi %multiple_of3A_5, %add3A_16 : i32
    %run_scoped3A_18 = arith.constant 0 : i32
    "tpu.region"() ({
      %run_scoped3A_226 = tpu.sem_alloc : memref<!tpu.dma_semaphore, #tpu.memory_space<semaphore_mem>>
      %dma_start3A_227 = arith.constant 0 : i32
      %dma_start3A_228 = arith.constant 0 : i32
      %dma_start3A_229 = tpu.memref_slice %arg8[%run_scoped3A_18, %dma_start3A_227, %dma_start3A_228] : memref<1x10112x48xf32, #tpu.memory_space<vmem_shared>> -> memref<1x10112x48xf32, #tpu.memory_space<vmem_shared>>
      %dma_start3A_230 = tpu.memref_squeeze %dma_start3A_229 : memref<1x10112x48xf32, #tpu.memory_space<vmem_shared>> -> memref<10112x48xf32, #tpu.memory_space<vmem_shared>>
      %dma_start3A_231 = arith.constant 0 : i32
      %dma_start3A_232 = tpu.memref_slice %dma_start3A_230[%add3A_17, %dma_start3A_231] : memref<10112x48xf32, #tpu.memory_space<vmem_shared>> -> memref<128x48xf32, #tpu.memory_space<vmem_shared>>
      %dma_start3A_233 = arith.constant 0 : i32
      %dma_start3A_234 = arith.constant 0 : i32
      %dma_start3A_235 = tpu.memref_slice %arg8[%run_scoped3A_18, %dma_start3A_233, %dma_start3A_234] : memref<1x10112x48xf32, #tpu.memory_space<vmem_shared>> -> memref<1x10112x48xf32, #tpu.memory_space<vmem_shared>>
      %dma_start3A_236 = tpu.memref_squeeze %dma_start3A_235 : memref<1x10112x48xf32, #tpu.memory_space<vmem_shared>> -> memref<10112x48xf32, #tpu.memory_space<vmem_shared>>
      %dma_start3A_237 = arith.constant 0 : i32
      %dma_start3A_238 = tpu.memref_slice %dma_start3A_236[%add3A_17, %dma_start3A_237] : memref<10112x48xf32, #tpu.memory_space<vmem_shared>> -> memref<128x48xf32, #tpu.memory_space<vmem_shared>>
      tpu.enqueue_dma source(%arg6 : memref<128x48xf32, #tpu.memory_space<vmem>>) target(%dma_start3A_238 : memref<128x48xf32, #tpu.memory_space<vmem_shared>>) target_semaphore(%run_scoped3A_226 : memref<!tpu.dma_semaphore, #tpu.memory_space<semaphore_mem>>)
      %dma_wait3A_239 = arith.constant 0 : i32
      %dma_wait3A_240 = arith.constant 0 : i32
      %dma_wait3A_241 = tpu.memref_slice %arg8[%run_scoped3A_18, %dma_wait3A_239, %dma_wait3A_240] : memref<1x10112x48xf32, #tpu.memory_space<vmem_shared>> -> memref<1x10112x48xf32, #tpu.memory_space<vmem_shared>>
      %dma_wait3A_242 = tpu.memref_squeeze %dma_wait3A_241 : memref<1x10112x48xf32, #tpu.memory_space<vmem_shared>> -> memref<10112x48xf32, #tpu.memory_space<vmem_shared>>
      %dma_wait3A_243 = arith.constant 0 : i32
      %dma_wait3A_244 = tpu.memref_slice %dma_wait3A_242[%add3A_17, %dma_wait3A_243] : memref<10112x48xf32, #tpu.memory_space<vmem_shared>> -> memref<128x48xf32, #tpu.memory_space<vmem_shared>>
      %dma_wait3A_245 = arith.constant 0 : i32
      %dma_wait3A_246 = arith.constant 0 : i32
      %dma_wait3A_247 = tpu.memref_slice %arg8[%run_scoped3A_18, %dma_wait3A_245, %dma_wait3A_246] : memref<1x10112x48xf32, #tpu.memory_space<vmem_shared>> -> memref<1x10112x48xf32, #tpu.memory_space<vmem_shared>>
      %dma_wait3A_248 = tpu.memref_squeeze %dma_wait3A_247 : memref<1x10112x48xf32, #tpu.memory_space<vmem_shared>> -> memref<10112x48xf32, #tpu.memory_space<vmem_shared>>
      %dma_wait3A_249 = arith.constant 0 : i32
      %dma_wait3A_250 = tpu.memref_slice %dma_wait3A_248[%add3A_17, %dma_wait3A_249] : memref<10112x48xf32, #tpu.memory_space<vmem_shared>> -> memref<128x48xf32, #tpu.memory_space<vmem_shared>>
      tpu.wait_dma2 semaphore(%run_scoped3A_226 : memref<!tpu.dma_semaphore, #tpu.memory_space<semaphore_mem>>) src(%arg6 : memref<128x48xf32, #tpu.memory_space<vmem>>) dst(%dma_wait3A_250 : memref<128x48xf32, #tpu.memory_space<vmem_shared>>)
      tpu.yield
    }) : () -> ()
    %add3A_19 = arith.constant 384 : i32
    %add3A_20 = arith.addi %multiple_of3A_5, %add3A_19 : i32
    %run_scoped3A_21 = arith.constant 0 : i32
    "tpu.region"() ({
      %run_scoped3A_226 = tpu.sem_alloc : memref<!tpu.dma_semaphore, #tpu.memory_space<semaphore_mem>>
      %dma_start3A_227 = arith.constant 0 : i32
      %dma_start3A_228 = arith.constant 0 : i32
      %dma_start3A_229 = tpu.memref_slice %arg8[%run_scoped3A_21, %dma_start3A_227, %dma_start3A_228] : memref<1x10112x48xf32, #tpu.memory_space<vmem_shared>> -> memref<1x10112x48xf32, #tpu.memory_space<vmem_shared>>
      %dma_start3A_230 = tpu.memref_squeeze %dma_start3A_229 : memref<1x10112x48xf32, #tpu.memory_space<vmem_shared>> -> memref<10112x48xf32, #tpu.memory_space<vmem_shared>>
      %dma_start3A_231 = arith.constant 0 : i32
      %dma_start3A_232 = tpu.memref_slice %dma_start3A_230[%add3A_20, %dma_start3A_231] : memref<10112x48xf32, #tpu.memory_space<vmem_shared>> -> memref<128x48xf32, #tpu.memory_space<vmem_shared>>
      %dma_start3A_233 = arith.constant 0 : i32
      %dma_start3A_234 = arith.constant 0 : i32
      %dma_start3A_235 = tpu.memref_slice %arg8[%run_scoped3A_21, %dma_start3A_233, %dma_start3A_234] : memref<1x10112x48xf32, #tpu.memory_space<vmem_shared>> -> memref<1x10112x48xf32, #tpu.memory_space<vmem_shared>>
      %dma_start3A_236 = tpu.memref_squeeze %dma_start3A_235 : memref<1x10112x48xf32, #tpu.memory_space<vmem_shared>> -> memref<10112x48xf32, #tpu.memory_space<vmem_shared>>
      %dma_start3A_237 = arith.constant 0 : i32
      %dma_start3A_238 = tpu.memref_slice %dma_start3A_236[%add3A_20, %dma_start3A_237] : memref<10112x48xf32, #tpu.memory_space<vmem_shared>> -> memref<128x48xf32, #tpu.memory_space<vmem_shared>>
      tpu.enqueue_dma source(%arg6 : memref<128x48xf32, #tpu.memory_space<vmem>>) target(%dma_start3A_238 : memref<128x48xf32, #tpu.memory_space<vmem_shared>>) target_semaphore(%run_scoped3A_226 : memref<!tpu.dma_semaphore, #tpu.memory_space<semaphore_mem>>)
      %dma_wait3A_239 = arith.constant 0 : i32
      %dma_wait3A_240 = arith.constant 0 : i32
      %dma_wait3A_241 = tpu.memref_slice %arg8[%run_scoped3A_21, %dma_wait3A_239, %dma_wait3A_240] : memref<1x10112x48xf32, #tpu.memory_space<vmem_shared>> -> memref<1x10112x48xf32, #tpu.memory_space<vmem_shared>>
      %dma_wait3A_242 = tpu.memref_squeeze %dma_wait3A_241 : memref<1x10112x48xf32, #tpu.memory_space<vmem_shared>> -> memref<10112x48xf32, #tpu.memory_space<vmem_shared>>
      %dma_wait3A_243 = arith.constant 0 : i32
      %dma_wait3A_244 = tpu.memref_slice %dma_wait3A_242[%add3A_20, %dma_wait3A_243] : memref<10112x48xf32, #tpu.memory_space<vmem_shared>> -> memref<128x48xf32, #tpu.memory_space<vmem_shared>>
      %dma_wait3A_245 = arith.constant 0 : i32
      %dma_wait3A_246 = arith.constant 0 : i32
      %dma_wait3A_247 = tpu.memref_slice %arg8[%run_scoped3A_21, %dma_wait3A_245, %dma_wait3A_246] : memref<1x10112x48xf32, #tpu.memory_space<vmem_shared>> -> memref<1x10112x48xf32, #tpu.memory_space<vmem_shared>>
      %dma_wait3A_248 = tpu.memref_squeeze %dma_wait3A_247 : memref<1x10112x48xf32, #tpu.memory_space<vmem_shared>> -> memref<10112x48xf32, #tpu.memory_space<vmem_shared>>
      %dma_wait3A_249 = arith.constant 0 : i32
      %dma_wait3A_250 = tpu.memref_slice %dma_wait3A_248[%add3A_20, %dma_wait3A_249] : memref<10112x48xf32, #tpu.memory_space<vmem_shared>> -> memref<128x48xf32, #tpu.memory_space<vmem_shared>>
      tpu.wait_dma2 semaphore(%run_scoped3A_226 : memref<!tpu.dma_semaphore, #tpu.memory_space<semaphore_mem>>) src(%arg6 : memref<128x48xf32, #tpu.memory_space<vmem>>) dst(%dma_wait3A_250 : memref<128x48xf32, #tpu.memory_space<vmem_shared>>)
      tpu.yield
    }) : () -> ()
    %add3A_22 = arith.constant 512 : i32
    %add3A_23 = arith.addi %multiple_of3A_5, %add3A_22 : i32
    %run_scoped3A_24 = arith.constant 0 : i32
    "tpu.region"() ({
      %run_scoped3A_226 = tpu.sem_alloc : memref<!tpu.dma_semaphore, #tpu.memory_space<semaphore_mem>>
      %dma_start3A_227 = arith.constant 0 : i32
      %dma_start3A_228 = arith.constant 0 : i32
      %dma_start3A_229 = tpu.memref_slice %arg6[%dma_start3A_227, %dma_start3A_228] : memref<128x48xf32, #tpu.memory_space<vmem>> -> memref<120x48xf32, #tpu.memory_space<vmem>>
      %dma_start3A_230 = arith.constant 0 : i32
      %dma_start3A_231 = arith.constant 0 : i32
      %dma_start3A_232 = tpu.memref_slice %arg8[%run_scoped3A_24, %dma_start3A_230, %dma_start3A_231] : memref<1x10112x48xf32, #tpu.memory_space<vmem_shared>> -> memref<1x10112x48xf32, #tpu.memory_space<vmem_shared>>
      %dma_start3A_233 = tpu.memref_squeeze %dma_start3A_232 : memref<1x10112x48xf32, #tpu.memory_space<vmem_shared>> -> memref<10112x48xf32, #tpu.memory_space<vmem_shared>>
      %dma_start3A_234 = arith.constant 0 : i32
      %dma_start3A_235 = tpu.memref_slice %dma_start3A_233[%add3A_23, %dma_start3A_234] : memref<10112x48xf32, #tpu.memory_space<vmem_shared>> -> memref<120x48xf32, #tpu.memory_space<vmem_shared>>
      %dma_start3A_236 = arith.constant 0 : i32
      %dma_start3A_237 = arith.constant 0 : i32
      %dma_start3A_238 = tpu.memref_slice %arg8[%run_scoped3A_24, %dma_start3A_236, %dma_start3A_237] : memref<1x10112x48xf32, #tpu.memory_space<vmem_shared>> -> memref<1x10112x48xf32, #tpu.memory_space<vmem_shared>>
      %dma_start3A_239 = tpu.memref_squeeze %dma_start3A_238 : memref<1x10112x48xf32, #tpu.memory_space<vmem_shared>> -> memref<10112x48xf32, #tpu.memory_space<vmem_shared>>
      %dma_start3A_240 = arith.constant 0 : i32
      %dma_start3A_241 = tpu.memref_slice %dma_start3A_239[%add3A_23, %dma_start3A_240] : memref<10112x48xf32, #tpu.memory_space<vmem_shared>> -> memref<120x48xf32, #tpu.memory_space<vmem_shared>>
      %dma_start3A_242 = arith.constant 0 : i32
      %dma_start3A_243 = arith.constant 0 : i32
      %dma_start3A_244 = tpu.memref_slice %arg6[%dma_start3A_242, %dma_start3A_243] : memref<128x48xf32, #tpu.memory_space<vmem>> -> memref<120x48xf32, #tpu.memory_space<vmem>>
      tpu.enqueue_dma source(%dma_start3A_244 : memref<120x48xf32, #tpu.memory_space<vmem>>) target(%dma_start3A_241 : memref<120x48xf32, #tpu.memory_space<vmem_shared>>) target_semaphore(%run_scoped3A_226 : memref<!tpu.dma_semaphore, #tpu.memory_space<semaphore_mem>>)
      %dma_wait3A_245 = arith.constant 0 : i32
      %dma_wait3A_246 = arith.constant 0 : i32
      %dma_wait3A_247 = tpu.memref_slice %arg6[%dma_wait3A_245, %dma_wait3A_246] : memref<128x48xf32, #tpu.memory_space<vmem>> -> memref<120x48xf32, #tpu.memory_space<vmem>>
      %dma_wait3A_248 = arith.constant 0 : i32
      %dma_wait3A_249 = arith.constant 0 : i32
      %dma_wait3A_250 = tpu.memref_slice %arg8[%run_scoped3A_24, %dma_wait3A_248, %dma_wait3A_249] : memref<1x10112x48xf32, #tpu.memory_space<vmem_shared>> -> memref<1x10112x48xf32, #tpu.memory_space<vmem_shared>>
      %dma_wait3A_251 = tpu.memref_squeeze %dma_wait3A_250 : memref<1x10112x48xf32, #tpu.memory_space<vmem_shared>> -> memref<10112x48xf32, #tpu.memory_space<vmem_shared>>
      %dma_wait3A_252 = arith.constant 0 : i32
      %dma_wait3A_253 = tpu.memref_slice %dma_wait3A_251[%add3A_23, %dma_wait3A_252] : memref<10112x48xf32, #tpu.memory_space<vmem_shared>> -> memref<120x48xf32, #tpu.memory_space<vmem_shared>>
      %dma_wait3A_254 = arith.constant 0 : i32
      %dma_wait3A_255 = arith.constant 0 : i32
      %dma_wait3A_256 = tpu.memref_slice %arg8[%run_scoped3A_24, %dma_wait3A_254, %dma_wait3A_255] : memref<1x10112x48xf32, #tpu.memory_space<vmem_shared>> -> memref<1x10112x48xf32, #tpu.memory_space<vmem_shared>>
      %dma_wait3A_257 = tpu.memref_squeeze %dma_wait3A_256 : memref<1x10112x48xf32, #tpu.memory_space<vmem_shared>> -> memref<10112x48xf32, #tpu.memory_space<vmem_shared>>
      %dma_wait3A_258 = arith.constant 0 : i32
      %dma_wait3A_259 = tpu.memref_slice %dma_wait3A_257[%add3A_23, %dma_wait3A_258] : memref<10112x48xf32, #tpu.memory_space<vmem_shared>> -> memref<120x48xf32, #tpu.memory_space<vmem_shared>>
      %dma_wait3A_260 = arith.constant 0 : i32
      %dma_wait3A_261 = arith.constant 0 : i32
      %dma_wait3A_262 = tpu.memref_slice %arg6[%dma_wait3A_260, %dma_wait3A_261] : memref<128x48xf32, #tpu.memory_space<vmem>> -> memref<120x48xf32, #tpu.memory_space<vmem>>
      tpu.wait_dma2 semaphore(%run_scoped3A_226 : memref<!tpu.dma_semaphore, #tpu.memory_space<semaphore_mem>>) src(%dma_wait3A_262 : memref<120x48xf32, #tpu.memory_space<vmem>>) dst(%dma_wait3A_259 : memref<120x48xf32, #tpu.memory_space<vmem_shared>>)
      tpu.yield
    }) : () -> ()
    %barrier3A = arith.constant 0 : index
    tpu.barrier barrier_id(%barrier3A)
    %lt3A = arith.constant 0 : i32
    %lt3A_25 = arith.constant 80 : i32
    %lt3A_26 = arith.cmpi slt, %lt3A, %lt3A_25 : i32
    %add3A_27 = arith.constant 0 : i32
    %add3A_28 = arith.addi %multiple_of3A, %add3A_27 : i32
    %select_n3A = arith.select %lt3A_26, %add3A_28, %multiple_of3A : i32
    %dma_start3A = arith.constant 0 : i32
    %dma_start3A_29 = arith.constant 0 : i32
    %dma_start3A_30 = arith.constant 0 : i32
    %dma_start3A_31 = tpu.memref_slice %arg5[%dma_start3A, %dma_start3A_29, %dma_start3A_30] : memref<4x2x128xi32, #tpu.memory_space<vmem>> -> memref<1x2x128xi32, #tpu.memory_space<vmem>>
    %dma_start3A_32 = tpu.memref_squeeze %dma_start3A_31 : memref<1x2x128xi32, #tpu.memory_space<vmem>> -> memref<2x128xi32, #tpu.memory_space<vmem>>
    %dma_start3A_33 = arith.constant 0 : i32
    %dma_start3A_34 = arith.constant 0 : i32
    %dma_start3A_35 = tpu.memref_slice %arg3[%select_n3A, %dma_start3A_33, %dma_start3A_34] : memref<2560x2x128xi32, #tpu.memory_space<hbm>> -> memref<1x2x128xi32, #tpu.memory_space<hbm>>
    %dma_start3A_36 = tpu.memref_squeeze %dma_start3A_35 : memref<1x2x128xi32, #tpu.memory_space<hbm>> -> memref<2x128xi32, #tpu.memory_space<hbm>>
    %dma_start3A_37 = arith.constant 0 : i32
    %dma_start3A_38 = arith.constant 0 : i32
    %dma_start3A_39 = tpu.memref_slice %arg5[%dma_start3A, %dma_start3A_37, %dma_start3A_38] : memref<4x2x128xi32, #tpu.memory_space<vmem>> -> memref<1x2x128xi32, #tpu.memory_space<vmem>>
    %dma_start3A_40 = tpu.memref_squeeze %dma_start3A_39 : memref<1x2x128xi32, #tpu.memory_space<vmem>> -> memref<2x128xi32, #tpu.memory_space<vmem>>
    %dma_start3A_41 = arith.constant 0 : i32
    %dma_start3A_42 = arith.constant 0 : i32
    %dma_start3A_43 = tpu.memref_slice %arg3[%select_n3A, %dma_start3A_41, %dma_start3A_42] : memref<2560x2x128xi32, #tpu.memory_space<hbm>> -> memref<1x2x128xi32, #tpu.memory_space<hbm>>
    %dma_start3A_44 = tpu.memref_squeeze %dma_start3A_43 : memref<1x2x128xi32, #tpu.memory_space<hbm>> -> memref<2x128xi32, #tpu.memory_space<hbm>>
    tpu.enqueue_dma source(%dma_start3A_44 : memref<2x128xi32, #tpu.memory_space<hbm>>) target(%dma_start3A_40 : memref<2x128xi32, #tpu.memory_space<vmem>>) target_semaphore(%arg9 : memref<!tpu.dma_semaphore, #tpu.memory_space<semaphore_mem>>)
    %lt3A_45 = arith.constant 1 : i32
    %lt3A_46 = arith.constant 80 : i32
    %lt3A_47 = arith.cmpi slt, %lt3A_45, %lt3A_46 : i32
    %add3A_48 = arith.constant 1 : i32
    %add3A_49 = arith.addi %multiple_of3A, %add3A_48 : i32
    %select_n3A_50 = arith.select %lt3A_47, %add3A_49, %multiple_of3A : i32
    %dma_start3A_51 = arith.constant 1 : i32
    %dma_start3A_52 = arith.constant 0 : i32
    %dma_start3A_53 = arith.constant 0 : i32
    %dma_start3A_54 = tpu.memref_slice %arg5[%dma_start3A_51, %dma_start3A_52, %dma_start3A_53] : memref<4x2x128xi32, #tpu.memory_space<vmem>> -> memref<1x2x128xi32, #tpu.memory_space<vmem>>
    %dma_start3A_55 = tpu.memref_squeeze %dma_start3A_54 : memref<1x2x128xi32, #tpu.memory_space<vmem>> -> memref<2x128xi32, #tpu.memory_space<vmem>>
    %dma_start3A_56 = arith.constant 0 : i32
    %dma_start3A_57 = arith.constant 0 : i32
    %dma_start3A_58 = tpu.memref_slice %arg3[%select_n3A_50, %dma_start3A_56, %dma_start3A_57] : memref<2560x2x128xi32, #tpu.memory_space<hbm>> -> memref<1x2x128xi32, #tpu.memory_space<hbm>>
    %dma_start3A_59 = tpu.memref_squeeze %dma_start3A_58 : memref<1x2x128xi32, #tpu.memory_space<hbm>> -> memref<2x128xi32, #tpu.memory_space<hbm>>
    %dma_start3A_60 = arith.constant 0 : i32
    %dma_start3A_61 = arith.constant 0 : i32
    %dma_start3A_62 = tpu.memref_slice %arg5[%dma_start3A_51, %dma_start3A_60, %dma_start3A_61] : memref<4x2x128xi32, #tpu.memory_space<vmem>> -> memref<1x2x128xi32, #tpu.memory_space<vmem>>
    %dma_start3A_63 = tpu.memref_squeeze %dma_start3A_62 : memref<1x2x128xi32, #tpu.memory_space<vmem>> -> memref<2x128xi32, #tpu.memory_space<vmem>>
    %dma_start3A_64 = arith.constant 0 : i32
    %dma_start3A_65 = arith.constant 0 : i32
    %dma_start3A_66 = tpu.memref_slice %arg3[%select_n3A_50, %dma_start3A_64, %dma_start3A_65] : memref<2560x2x128xi32, #tpu.memory_space<hbm>> -> memref<1x2x128xi32, #tpu.memory_space<hbm>>
    %dma_start3A_67 = tpu.memref_squeeze %dma_start3A_66 : memref<1x2x128xi32, #tpu.memory_space<hbm>> -> memref<2x128xi32, #tpu.memory_space<hbm>>
    tpu.enqueue_dma source(%dma_start3A_67 : memref<2x128xi32, #tpu.memory_space<hbm>>) target(%dma_start3A_63 : memref<2x128xi32, #tpu.memory_space<vmem>>) target_semaphore(%arg10 : memref<!tpu.dma_semaphore, #tpu.memory_space<semaphore_mem>>)
    %lt3A_68 = arith.constant 2 : i32
    %lt3A_69 = arith.constant 80 : i32
    %lt3A_70 = arith.cmpi slt, %lt3A_68, %lt3A_69 : i32
    %add3A_71 = arith.constant 2 : i32
    %add3A_72 = arith.addi %multiple_of3A, %add3A_71 : i32
    %select_n3A_73 = arith.select %lt3A_70, %add3A_72, %multiple_of3A : i32
    %dma_start3A_74 = arith.constant 2 : i32
    %dma_start3A_75 = arith.constant 0 : i32
    %dma_start3A_76 = arith.constant 0 : i32
    %dma_start3A_77 = tpu.memref_slice %arg5[%dma_start3A_74, %dma_start3A_75, %dma_start3A_76] : memref<4x2x128xi32, #tpu.memory_space<vmem>> -> memref<1x2x128xi32, #tpu.memory_space<vmem>>
    %dma_start3A_78 = tpu.memref_squeeze %dma_start3A_77 : memref<1x2x128xi32, #tpu.memory_space<vmem>> -> memref<2x128xi32, #tpu.memory_space<vmem>>
    %dma_start3A_79 = arith.constant 0 : i32
    %dma_start3A_80 = arith.constant 0 : i32
    %dma_start3A_81 = tpu.memref_slice %arg3[%select_n3A_73, %dma_start3A_79, %dma_start3A_80] : memref<2560x2x128xi32, #tpu.memory_space<hbm>> -> memref<1x2x128xi32, #tpu.memory_space<hbm>>
    %dma_start3A_82 = tpu.memref_squeeze %dma_start3A_81 : memref<1x2x128xi32, #tpu.memory_space<hbm>> -> memref<2x128xi32, #tpu.memory_space<hbm>>
    %dma_start3A_83 = arith.constant 0 : i32
    %dma_start3A_84 = arith.constant 0 : i32
    %dma_start3A_85 = tpu.memref_slice %arg5[%dma_start3A_74, %dma_start3A_83, %dma_start3A_84] : memref<4x2x128xi32, #tpu.memory_space<vmem>> -> memref<1x2x128xi32, #tpu.memory_space<vmem>>
    %dma_start3A_86 = tpu.memref_squeeze %dma_start3A_85 : memref<1x2x128xi32, #tpu.memory_space<vmem>> -> memref<2x128xi32, #tpu.memory_space<vmem>>
    %dma_start3A_87 = arith.constant 0 : i32
    %dma_start3A_88 = arith.constant 0 : i32
    %dma_start3A_89 = tpu.memref_slice %arg3[%select_n3A_73, %dma_start3A_87, %dma_start3A_88] : memref<2560x2x128xi32, #tpu.memory_space<hbm>> -> memref<1x2x128xi32, #tpu.memory_space<hbm>>
    %dma_start3A_90 = tpu.memref_squeeze %dma_start3A_89 : memref<1x2x128xi32, #tpu.memory_space<hbm>> -> memref<2x128xi32, #tpu.memory_space<hbm>>
    tpu.enqueue_dma source(%dma_start3A_90 : memref<2x128xi32, #tpu.memory_space<hbm>>) target(%dma_start3A_86 : memref<2x128xi32, #tpu.memory_space<vmem>>) target_semaphore(%arg11 : memref<!tpu.dma_semaphore, #tpu.memory_space<semaphore_mem>>)
    %lt3A_91 = arith.constant 3 : i32
    %lt3A_92 = arith.constant 80 : i32
    %lt3A_93 = arith.cmpi slt, %lt3A_91, %lt3A_92 : i32
    %add3A_94 = arith.constant 3 : i32
    %add3A_95 = arith.addi %multiple_of3A, %add3A_94 : i32
    %select_n3A_96 = arith.select %lt3A_93, %add3A_95, %multiple_of3A : i32
    %dma_start3A_97 = arith.constant 3 : i32
    %dma_start3A_98 = arith.constant 0 : i32
    %dma_start3A_99 = arith.constant 0 : i32
    %dma_start3A_100 = tpu.memref_slice %arg5[%dma_start3A_97, %dma_start3A_98, %dma_start3A_99] : memref<4x2x128xi32, #tpu.memory_space<vmem>> -> memref<1x2x128xi32, #tpu.memory_space<vmem>>
    %dma_start3A_101 = tpu.memref_squeeze %dma_start3A_100 : memref<1x2x128xi32, #tpu.memory_space<vmem>> -> memref<2x128xi32, #tpu.memory_space<vmem>>
    %dma_start3A_102 = arith.constant 0 : i32
    %dma_start3A_103 = arith.constant 0 : i32
    %dma_start3A_104 = tpu.memref_slice %arg3[%select_n3A_96, %dma_start3A_102, %dma_start3A_103] : memref<2560x2x128xi32, #tpu.memory_space<hbm>> -> memref<1x2x128xi32, #tpu.memory_space<hbm>>
    %dma_start3A_105 = tpu.memref_squeeze %dma_start3A_104 : memref<1x2x128xi32, #tpu.memory_space<hbm>> -> memref<2x128xi32, #tpu.memory_space<hbm>>
    %dma_start3A_106 = arith.constant 0 : i32
    %dma_start3A_107 = arith.constant 0 : i32
    %dma_start3A_108 = tpu.memref_slice %arg5[%dma_start3A_97, %dma_start3A_106, %dma_start3A_107] : memref<4x2x128xi32, #tpu.memory_space<vmem>> -> memref<1x2x128xi32, #tpu.memory_space<vmem>>
    %dma_start3A_109 = tpu.memref_squeeze %dma_start3A_108 : memref<1x2x128xi32, #tpu.memory_space<vmem>> -> memref<2x128xi32, #tpu.memory_space<vmem>>
    %dma_start3A_110 = arith.constant 0 : i32
    %dma_start3A_111 = arith.constant 0 : i32
    %dma_start3A_112 = tpu.memref_slice %arg3[%select_n3A_96, %dma_start3A_110, %dma_start3A_111] : memref<2560x2x128xi32, #tpu.memory_space<hbm>> -> memref<1x2x128xi32, #tpu.memory_space<hbm>>
    %dma_start3A_113 = tpu.memref_squeeze %dma_start3A_112 : memref<1x2x128xi32, #tpu.memory_space<hbm>> -> memref<2x128xi32, #tpu.memory_space<hbm>>
    tpu.enqueue_dma source(%dma_start3A_113 : memref<2x128xi32, #tpu.memory_space<hbm>>) target(%dma_start3A_109 : memref<2x128xi32, #tpu.memory_space<vmem>>) target_semaphore(%arg12 : memref<!tpu.dma_semaphore, #tpu.memory_space<semaphore_mem>>)
    %dma_wait3A = arith.constant 0 : i32
    %dma_wait3A_114 = arith.constant 0 : i32
    %dma_wait3A_115 = arith.constant 0 : i32
    %dma_wait3A_116 = tpu.memref_slice %arg5[%dma_wait3A, %dma_wait3A_114, %dma_wait3A_115] : memref<4x2x128xi32, #tpu.memory_space<vmem>> -> memref<1x2x128xi32, #tpu.memory_space<vmem>>
    %dma_wait3A_117 = tpu.memref_squeeze %dma_wait3A_116 : memref<1x2x128xi32, #tpu.memory_space<vmem>> -> memref<2x128xi32, #tpu.memory_space<vmem>>
    %dma_wait3A_118 = arith.constant 0 : i32
    %dma_wait3A_119 = arith.constant 0 : i32
    %dma_wait3A_120 = tpu.memref_slice %arg3[%multiple_of3A, %dma_wait3A_118, %dma_wait3A_119] : memref<2560x2x128xi32, #tpu.memory_space<hbm>> -> memref<1x2x128xi32, #tpu.memory_space<hbm>>
    %dma_wait3A_121 = tpu.memref_squeeze %dma_wait3A_120 : memref<1x2x128xi32, #tpu.memory_space<hbm>> -> memref<2x128xi32, #tpu.memory_space<hbm>>
    %dma_wait3A_122 = arith.constant 0 : i32
    %dma_wait3A_123 = arith.constant 0 : i32
    %dma_wait3A_124 = tpu.memref_slice %arg5[%dma_wait3A, %dma_wait3A_122, %dma_wait3A_123] : memref<4x2x128xi32, #tpu.memory_space<vmem>> -> memref<1x2x128xi32, #tpu.memory_space<vmem>>
    %dma_wait3A_125 = tpu.memref_squeeze %dma_wait3A_124 : memref<1x2x128xi32, #tpu.memory_space<vmem>> -> memref<2x128xi32, #tpu.memory_space<vmem>>
    %dma_wait3A_126 = arith.constant 0 : i32
    %dma_wait3A_127 = arith.constant 0 : i32
    %dma_wait3A_128 = tpu.memref_slice %arg3[%multiple_of3A, %dma_wait3A_126, %dma_wait3A_127] : memref<2560x2x128xi32, #tpu.memory_space<hbm>> -> memref<1x2x128xi32, #tpu.memory_space<hbm>>
    %dma_wait3A_129 = tpu.memref_squeeze %dma_wait3A_128 : memref<1x2x128xi32, #tpu.memory_space<hbm>> -> memref<2x128xi32, #tpu.memory_space<hbm>>
    tpu.wait_dma2 semaphore(%arg9 : memref<!tpu.dma_semaphore, #tpu.memory_space<semaphore_mem>>) src(%dma_wait3A_129 : memref<2x128xi32, #tpu.memory_space<hbm>>) dst(%dma_wait3A_125 : memref<2x128xi32, #tpu.memory_space<vmem>>)
    %dma_start3A_130 = arith.constant 0 : i32
    %dma_start3A_131 = arith.constant 0 : i32
    %dma_start3A_132 = arith.constant 0 : i32
    %dma_start3A_133 = tpu.memref_slice %arg5[%dma_start3A_130, %dma_start3A_131, %dma_start3A_132] : memref<4x2x128xi32, #tpu.memory_space<vmem>> -> memref<1x1x128xi32, #tpu.memory_space<vmem>>
    %dma_start3A_134 = tpu.memref_squeeze %dma_start3A_133 : memref<1x1x128xi32, #tpu.memory_space<vmem>> -> memref<128xi32, #tpu.memory_space<vmem>>
    %dma_start3A_135 = arith.constant 0 : i32
    %dma_start3A_136 = arith.constant 0 : i32
    %dma_start3A_137 = tpu.memref_slice %arg2[%dma_start3A_135, %dma_start3A_136] : memref<10000x48xf32, #tpu.memory_space<hbm>> -> memref<10000x48xf32, #tpu.memory_space<hbm>>
    tpu.enqueue_indirect_dma source(%dma_start3A_137 : memref<10000x48xf32, #tpu.memory_space<hbm>>) target(%arg6 : memref<128x48xf32, #tpu.memory_space<vmem>>) offsets(%dma_start3A_134 : memref<128xi32, #tpu.memory_space<vmem>>) semaphore(%arg13 : memref<!tpu.dma_semaphore, #tpu.memory_space<semaphore_mem>>)
    %dma_wait3A_138 = arith.constant 1 : i32
    %dma_wait3A_139 = arith.constant 0 : i32
    %dma_wait3A_140 = arith.constant 0 : i32
    %dma_wait3A_141 = tpu.memref_slice %arg5[%dma_wait3A_138, %dma_wait3A_139, %dma_wait3A_140] : memref<4x2x128xi32, #tpu.memory_space<vmem>> -> memref<1x2x128xi32, #tpu.memory_space<vmem>>
    %dma_wait3A_142 = tpu.memref_squeeze %dma_wait3A_141 : memref<1x2x128xi32, #tpu.memory_space<vmem>> -> memref<2x128xi32, #tpu.memory_space<vmem>>
    %dma_wait3A_143 = arith.constant 0 : i32
    %dma_wait3A_144 = arith.constant 0 : i32
    %dma_wait3A_145 = tpu.memref_slice %arg3[%multiple_of3A, %dma_wait3A_143, %dma_wait3A_144] : memref<2560x2x128xi32, #tpu.memory_space<hbm>> -> memref<1x2x128xi32, #tpu.memory_space<hbm>>
    %dma_wait3A_146 = tpu.memref_squeeze %dma_wait3A_145 : memref<1x2x128xi32, #tpu.memory_space<hbm>> -> memref<2x128xi32, #tpu.memory_space<hbm>>
    %dma_wait3A_147 = arith.constant 0 : i32
    %dma_wait3A_148 = arith.constant 0 : i32
    %dma_wait3A_149 = tpu.memref_slice %arg5[%dma_wait3A_138, %dma_wait3A_147, %dma_wait3A_148] : memref<4x2x128xi32, #tpu.memory_space<vmem>> -> memref<1x2x128xi32, #tpu.memory_space<vmem>>
    %dma_wait3A_150 = tpu.memref_squeeze %dma_wait3A_149 : memref<1x2x128xi32, #tpu.memory_space<vmem>> -> memref<2x128xi32, #tpu.memory_space<vmem>>
    %dma_wait3A_151 = arith.constant 0 : i32
    %dma_wait3A_152 = arith.constant 0 : i32
    %dma_wait3A_153 = tpu.memref_slice %arg3[%multiple_of3A, %dma_wait3A_151, %dma_wait3A_152] : memref<2560x2x128xi32, #tpu.memory_space<hbm>> -> memref<1x2x128xi32, #tpu.memory_space<hbm>>
    %dma_wait3A_154 = tpu.memref_squeeze %dma_wait3A_153 : memref<1x2x128xi32, #tpu.memory_space<hbm>> -> memref<2x128xi32, #tpu.memory_space<hbm>>
    tpu.wait_dma2 semaphore(%arg10 : memref<!tpu.dma_semaphore, #tpu.memory_space<semaphore_mem>>) src(%dma_wait3A_154 : memref<2x128xi32, #tpu.memory_space<hbm>>) dst(%dma_wait3A_150 : memref<2x128xi32, #tpu.memory_space<vmem>>)
    %dma_start3A_155 = arith.constant 1 : i32
    %dma_start3A_156 = arith.constant 0 : i32
    %dma_start3A_157 = arith.constant 0 : i32
    %dma_start3A_158 = tpu.memref_slice %arg5[%dma_start3A_155, %dma_start3A_156, %dma_start3A_157] : memref<4x2x128xi32, #tpu.memory_space<vmem>> -> memref<1x1x128xi32, #tpu.memory_space<vmem>>
    %dma_start3A_159 = tpu.memref_squeeze %dma_start3A_158 : memref<1x1x128xi32, #tpu.memory_space<vmem>> -> memref<128xi32, #tpu.memory_space<vmem>>
    %dma_start3A_160 = arith.constant 0 : i32
    %dma_start3A_161 = arith.constant 0 : i32
    %dma_start3A_162 = tpu.memref_slice %arg2[%dma_start3A_160, %dma_start3A_161] : memref<10000x48xf32, #tpu.memory_space<hbm>> -> memref<10000x48xf32, #tpu.memory_space<hbm>>
    tpu.enqueue_indirect_dma source(%dma_start3A_162 : memref<10000x48xf32, #tpu.memory_space<hbm>>) target(%arg7 : memref<128x48xf32, #tpu.memory_space<vmem>>) offsets(%dma_start3A_159 : memref<128xi32, #tpu.memory_space<vmem>>) semaphore(%arg14 : memref<!tpu.dma_semaphore, #tpu.memory_space<semaphore_mem>>)
    %scan3A_163 = arith.constant 0 : i32
    %scan3A_164 = arith.constant 0 : i32
    %scan3A_165 = arith.constant 0 : i32
    %scan3A_166 = arith.constant 20 : i32
    %scan3A_167 = arith.addi %scan3A_165, %scan3A_166 : i32
    %scan3A_168 = arith.constant 1 : i32
    scf.for %scan3A_226 = %scan3A_165 to %scan3A_167 step %scan3A_168  : i32 {
      %mul3A_227 = arith.constant 4 : i32
      %mul3A_228 = arith.muli %mul3A_227, %scan3A_226 : i32
      %add3A_229 = arith.constant 0 : i32
      %add3A_230 = arith.addi %mul3A_228, %add3A_229 : i32
      %dma_wait3A_231 = arith.constant 0 : i32
      %dma_wait3A_232 = arith.constant 0 : i32
      %dma_wait3A_233 = arith.constant 0 : i32
      %dma_wait3A_234 = tpu.memref_slice %arg5[%dma_wait3A_231, %dma_wait3A_232, %dma_wait3A_233] : memref<4x2x128xi32, #tpu.memory_space<vmem>> -> memref<1x1x128xi32, #tpu.memory_space<vmem>>
      %dma_wait3A_235 = tpu.memref_squeeze %dma_wait3A_234 : memref<1x1x128xi32, #tpu.memory_space<vmem>> -> memref<128xi32, #tpu.memory_space<vmem>>
      %dma_wait3A_236 = arith.constant 0 : i32
      %dma_wait3A_237 = arith.constant 0 : i32
      %dma_wait3A_238 = tpu.memref_slice %arg2[%dma_wait3A_236, %dma_wait3A_237] : memref<10000x48xf32, #tpu.memory_space<hbm>> -> memref<10000x48xf32, #tpu.memory_space<hbm>>
      tpu.wait_indirect_dma semaphore(%arg13 : memref<!tpu.dma_semaphore, #tpu.memory_space<semaphore_mem>>) src(%dma_wait3A_238 : memref<10000x48xf32, #tpu.memory_space<hbm>>) dst(%arg6 : memref<128x48xf32, #tpu.memory_space<vmem>>)
      %run_scoped3A_239 = arith.constant 0 : i32
      %run_scoped3A_240 = arith.constant 1 : i32
      "tpu.region"() ({
        %run_scoped3A_475 = tpu.sem_alloc : memref<!tpu.dma_semaphore, #tpu.memory_space<semaphore_mem>>
        %dma_start3A_476 = arith.constant 0 : i32
        %dma_start3A_477 = tpu.memref_slice %arg5[%run_scoped3A_239, %run_scoped3A_240, %dma_start3A_476] : memref<4x2x128xi32, #tpu.memory_space<vmem>> -> memref<1x1x128xi32, #tpu.memory_space<vmem>>
        %dma_start3A_478 = tpu.memref_squeeze %dma_start3A_477 : memref<1x1x128xi32, #tpu.memory_space<vmem>> -> memref<128xi32, #tpu.memory_space<vmem>>
        %dma_start3A_479 = arith.constant 0 : i32
        %dma_start3A_480 = arith.constant 0 : i32
        %dma_start3A_481 = tpu.memref_slice %arg8[%scan3A_164, %dma_start3A_479, %dma_start3A_480] : memref<1x10112x48xf32, #tpu.memory_space<vmem_shared>> -> memref<1x10112x48xf32, #tpu.memory_space<vmem_shared>>
        %dma_start3A_482 = tpu.memref_squeeze %dma_start3A_481 : memref<1x10112x48xf32, #tpu.memory_space<vmem_shared>> -> memref<10112x48xf32, #tpu.memory_space<vmem_shared>>
        %dma_start3A_483 = arith.constant 0 : i32
        %dma_start3A_484 = arith.constant 0 : i32
        %dma_start3A_485 = tpu.memref_slice %dma_start3A_482[%dma_start3A_483, %dma_start3A_484] : memref<10112x48xf32, #tpu.memory_space<vmem_shared>> -> memref<10112x48xf32, #tpu.memory_space<vmem_shared>>
        tpu.enqueue_indirect_dma source(%arg6 : memref<128x48xf32, #tpu.memory_space<vmem>>) target(%dma_start3A_485 : memref<10112x48xf32, #tpu.memory_space<vmem_shared>>) offsets(%dma_start3A_478 : memref<128xi32, #tpu.memory_space<vmem>>) semaphore(%run_scoped3A_475 : memref<!tpu.dma_semaphore, #tpu.memory_space<semaphore_mem>>) {add = true}
        %dma_wait3A_486 = arith.constant 0 : i32
        %dma_wait3A_487 = tpu.memref_slice %arg5[%run_scoped3A_239, %run_scoped3A_240, %dma_wait3A_486] : memref<4x2x128xi32, #tpu.memory_space<vmem>> -> memref<1x1x128xi32, #tpu.memory_space<vmem>>
        %dma_wait3A_488 = tpu.memref_squeeze %dma_wait3A_487 : memref<1x1x128xi32, #tpu.memory_space<vmem>> -> memref<128xi32, #tpu.memory_space<vmem>>
        %dma_wait3A_489 = arith.constant 0 : i32
        %dma_wait3A_490 = arith.constant 0 : i32
        %dma_wait3A_491 = tpu.memref_slice %arg8[%scan3A_164, %dma_wait3A_489, %dma_wait3A_490] : memref<1x10112x48xf32, #tpu.memory_space<vmem_shared>> -> memref<1x10112x48xf32, #tpu.memory_space<vmem_shared>>
        %dma_wait3A_492 = tpu.memref_squeeze %dma_wait3A_491 : memref<1x10112x48xf32, #tpu.memory_space<vmem_shared>> -> memref<10112x48xf32, #tpu.memory_space<vmem_shared>>
        %dma_wait3A_493 = arith.constant 0 : i32
        %dma_wait3A_494 = arith.constant 0 : i32
        %dma_wait3A_495 = tpu.memref_slice %dma_wait3A_492[%dma_wait3A_493, %dma_wait3A_494] : memref<10112x48xf32, #tpu.memory_space<vmem_shared>> -> memref<10112x48xf32, #tpu.memory_space<vmem_shared>>
        tpu.wait_indirect_dma semaphore(%run_scoped3A_475 : memref<!tpu.dma_semaphore, #tpu.memory_space<semaphore_mem>>) src(%arg6 : memref<128x48xf32, #tpu.memory_space<vmem>>) dst(%dma_wait3A_495 : memref<10112x48xf32, #tpu.memory_space<vmem_shared>>)
        tpu.yield
      }) : () -> ()
      %add3A_241 = arith.constant 4 : i32
      %add3A_242 = arith.addi %add3A_230, %add3A_241 : i32
      %lt3A_243 = arith.constant 80 : i32
      %lt3A_244 = arith.cmpi slt, %add3A_242, %lt3A_243 : i32
      %add3A_245 = arith.addi %multiple_of3A, %add3A_242 : i32
      %select_n3A_246 = arith.select %lt3A_244, %add3A_245, %multiple_of3A : i32
      %dma_start3A_247 = arith.constant 0 : i32
      %dma_start3A_248 = arith.constant 0 : i32
      %dma_start3A_249 = arith.constant 0 : i32
      %dma_start3A_250 = tpu.memref_slice %arg5[%dma_start3A_247, %dma_start3A_248, %dma_start3A_249] : memref<4x2x128xi32, #tpu.memory_space<vmem>> -> memref<1x2x128xi32, #tpu.memory_space<vmem>>
      %dma_start3A_251 = tpu.memref_squeeze %dma_start3A_250 : memref<1x2x128xi32, #tpu.memory_space<vmem>> -> memref<2x128xi32, #tpu.memory_space<vmem>>
      %dma_start3A_252 = arith.constant 0 : i32
      %dma_start3A_253 = arith.constant 0 : i32
      %dma_start3A_254 = tpu.memref_slice %arg3[%select_n3A_246, %dma_start3A_252, %dma_start3A_253] : memref<2560x2x128xi32, #tpu.memory_space<hbm>> -> memref<1x2x128xi32, #tpu.memory_space<hbm>>
      %dma_start3A_255 = tpu.memref_squeeze %dma_start3A_254 : memref<1x2x128xi32, #tpu.memory_space<hbm>> -> memref<2x128xi32, #tpu.memory_space<hbm>>
      %dma_start3A_256 = arith.constant 0 : i32
      %dma_start3A_257 = arith.constant 0 : i32
      %dma_start3A_258 = tpu.memref_slice %arg5[%dma_start3A_247, %dma_start3A_256, %dma_start3A_257] : memref<4x2x128xi32, #tpu.memory_space<vmem>> -> memref<1x2x128xi32, #tpu.memory_space<vmem>>
      %dma_start3A_259 = tpu.memref_squeeze %dma_start3A_258 : memref<1x2x128xi32, #tpu.memory_space<vmem>> -> memref<2x128xi32, #tpu.memory_space<vmem>>
      %dma_start3A_260 = arith.constant 0 : i32
      %dma_start3A_261 = arith.constant 0 : i32
      %dma_start3A_262 = tpu.memref_slice %arg3[%select_n3A_246, %dma_start3A_260, %dma_start3A_261] : memref<2560x2x128xi32, #tpu.memory_space<hbm>> -> memref<1x2x128xi32, #tpu.memory_space<hbm>>
      %dma_start3A_263 = tpu.memref_squeeze %dma_start3A_262 : memref<1x2x128xi32, #tpu.memory_space<hbm>> -> memref<2x128xi32, #tpu.memory_space<hbm>>
      tpu.enqueue_dma source(%dma_start3A_263 : memref<2x128xi32, #tpu.memory_space<hbm>>) target(%dma_start3A_259 : memref<2x128xi32, #tpu.memory_space<vmem>>) target_semaphore(%arg9 : memref<!tpu.dma_semaphore, #tpu.memory_space<semaphore_mem>>)
      %dma_wait3A_264 = arith.constant 2 : i32
      %dma_wait3A_265 = arith.constant 0 : i32
      %dma_wait3A_266 = arith.constant 0 : i32
      %dma_wait3A_267 = tpu.memref_slice %arg5[%dma_wait3A_264, %dma_wait3A_265, %dma_wait3A_266] : memref<4x2x128xi32, #tpu.memory_space<vmem>> -> memref<1x2x128xi32, #tpu.memory_space<vmem>>
      %dma_wait3A_268 = tpu.memref_squeeze %dma_wait3A_267 : memref<1x2x128xi32, #tpu.memory_space<vmem>> -> memref<2x128xi32, #tpu.memory_space<vmem>>
      %dma_wait3A_269 = arith.constant 0 : i32
      %dma_wait3A_270 = arith.constant 0 : i32
      %dma_wait3A_271 = tpu.memref_slice %arg3[%multiple_of3A, %dma_wait3A_269, %dma_wait3A_270] : memref<2560x2x128xi32, #tpu.memory_space<hbm>> -> memref<1x2x128xi32, #tpu.memory_space<hbm>>
      %dma_wait3A_272 = tpu.memref_squeeze %dma_wait3A_271 : memref<1x2x128xi32, #tpu.memory_space<hbm>> -> memref<2x128xi32, #tpu.memory_space<hbm>>
      %dma_wait3A_273 = arith.constant 0 : i32
      %dma_wait3A_274 = arith.constant 0 : i32
      %dma_wait3A_275 = tpu.memref_slice %arg5[%dma_wait3A_264, %dma_wait3A_273, %dma_wait3A_274] : memref<4x2x128xi32, #tpu.memory_space<vmem>> -> memref<1x2x128xi32, #tpu.memory_space<vmem>>
      %dma_wait3A_276 = tpu.memref_squeeze %dma_wait3A_275 : memref<1x2x128xi32, #tpu.memory_space<vmem>> -> memref<2x128xi32, #tpu.memory_space<vmem>>
      %dma_wait3A_277 = arith.constant 0 : i32
      %dma_wait3A_278 = arith.constant 0 : i32
      %dma_wait3A_279 = tpu.memref_slice %arg3[%multiple_of3A, %dma_wait3A_277, %dma_wait3A_278] : memref<2560x2x128xi32, #tpu.memory_space<hbm>> -> memref<1x2x128xi32, #tpu.memory_space<hbm>>
      %dma_wait3A_280 = tpu.memref_squeeze %dma_wait3A_279 : memref<1x2x128xi32, #tpu.memory_space<hbm>> -> memref<2x128xi32, #tpu.memory_space<hbm>>
      tpu.wait_dma2 semaphore(%arg11 : memref<!tpu.dma_semaphore, #tpu.memory_space<semaphore_mem>>) src(%dma_wait3A_280 : memref<2x128xi32, #tpu.memory_space<hbm>>) dst(%dma_wait3A_276 : memref<2x128xi32, #tpu.memory_space<vmem>>)
      %dma_start3A_281 = arith.constant 2 : i32
      %dma_start3A_282 = arith.constant 0 : i32
      %dma_start3A_283 = arith.constant 0 : i32
      %dma_start3A_284 = tpu.memref_slice %arg5[%dma_start3A_281, %dma_start3A_282, %dma_start3A_283] : memref<4x2x128xi32, #tpu.memory_space<vmem>> -> memref<1x1x128xi32, #tpu.memory_space<vmem>>
      %dma_start3A_285 = tpu.memref_squeeze %dma_start3A_284 : memref<1x1x128xi32, #tpu.memory_space<vmem>> -> memref<128xi32, #tpu.memory_space<vmem>>
      %dma_start3A_286 = arith.constant 0 : i32
      %dma_start3A_287 = arith.constant 0 : i32
      %dma_start3A_288 = tpu.memref_slice %arg2[%dma_start3A_286, %dma_start3A_287] : memref<10000x48xf32, #tpu.memory_space<hbm>> -> memref<10000x48xf32, #tpu.memory_space<hbm>>
      tpu.enqueue_indirect_dma source(%dma_start3A_288 : memref<10000x48xf32, #tpu.memory_space<hbm>>) target(%arg6 : memref<128x48xf32, #tpu.memory_space<vmem>>) offsets(%dma_start3A_285 : memref<128xi32, #tpu.memory_space<vmem>>) semaphore(%arg13 : memref<!tpu.dma_semaphore, #tpu.memory_space<semaphore_mem>>)
      %mul3A_289 = arith.constant 4 : i32
      %mul3A_290 = arith.muli %mul3A_289, %scan3A_226 : i32
      %add3A_291 = arith.constant 1 : i32
      %add3A_292 = arith.addi %mul3A_290, %add3A_291 : i32
      %dma_wait3A_293 = arith.constant 1 : i32
      %dma_wait3A_294 = arith.constant 0 : i32
      %dma_wait3A_295 = arith.constant 0 : i32
      %dma_wait3A_296 = tpu.memref_slice %arg5[%dma_wait3A_293, %dma_wait3A_294, %dma_wait3A_295] : memref<4x2x128xi32, #tpu.memory_space<vmem>> -> memref<1x1x128xi32, #tpu.memory_space<vmem>>
      %dma_wait3A_297 = tpu.memref_squeeze %dma_wait3A_296 : memref<1x1x128xi32, #tpu.memory_space<vmem>> -> memref<128xi32, #tpu.memory_space<vmem>>
      %dma_wait3A_298 = arith.constant 0 : i32
      %dma_wait3A_299 = arith.constant 0 : i32
      %dma_wait3A_300 = tpu.memref_slice %arg2[%dma_wait3A_298, %dma_wait3A_299] : memref<10000x48xf32, #tpu.memory_space<hbm>> -> memref<10000x48xf32, #tpu.memory_space<hbm>>
      tpu.wait_indirect_dma semaphore(%arg14 : memref<!tpu.dma_semaphore, #tpu.memory_space<semaphore_mem>>) src(%dma_wait3A_300 : memref<10000x48xf32, #tpu.memory_space<hbm>>) dst(%arg7 : memref<128x48xf32, #tpu.memory_space<vmem>>)
      %run_scoped3A_301 = arith.constant 1 : i32
      %run_scoped3A_302 = arith.constant 1 : i32
      "tpu.region"() ({
        %run_scoped3A_475 = tpu.sem_alloc : memref<!tpu.dma_semaphore, #tpu.memory_space<semaphore_mem>>
        %dma_start3A_476 = arith.constant 0 : i32
        %dma_start3A_477 = tpu.memref_slice %arg5[%run_scoped3A_301, %run_scoped3A_302, %dma_start3A_476] : memref<4x2x128xi32, #tpu.memory_space<vmem>> -> memref<1x1x128xi32, #tpu.memory_space<vmem>>
        %dma_start3A_478 = tpu.memref_squeeze %dma_start3A_477 : memref<1x1x128xi32, #tpu.memory_space<vmem>> -> memref<128xi32, #tpu.memory_space<vmem>>
        %dma_start3A_479 = arith.constant 0 : i32
        %dma_start3A_480 = arith.constant 0 : i32
        %dma_start3A_481 = tpu.memref_slice %arg8[%scan3A_164, %dma_start3A_479, %dma_start3A_480] : memref<1x10112x48xf32, #tpu.memory_space<vmem_shared>> -> memref<1x10112x48xf32, #tpu.memory_space<vmem_shared>>
        %dma_start3A_482 = tpu.memref_squeeze %dma_start3A_481 : memref<1x10112x48xf32, #tpu.memory_space<vmem_shared>> -> memref<10112x48xf32, #tpu.memory_space<vmem_shared>>
        %dma_start3A_483 = arith.constant 0 : i32
        %dma_start3A_484 = arith.constant 0 : i32
        %dma_start3A_485 = tpu.memref_slice %dma_start3A_482[%dma_start3A_483, %dma_start3A_484] : memref<10112x48xf32, #tpu.memory_space<vmem_shared>> -> memref<10112x48xf32, #tpu.memory_space<vmem_shared>>
        tpu.enqueue_indirect_dma source(%arg7 : memref<128x48xf32, #tpu.memory_space<vmem>>) target(%dma_start3A_485 : memref<10112x48xf32, #tpu.memory_space<vmem_shared>>) offsets(%dma_start3A_478 : memref<128xi32, #tpu.memory_space<vmem>>) semaphore(%run_scoped3A_475 : memref<!tpu.dma_semaphore, #tpu.memory_space<semaphore_mem>>) {add = true}
        %dma_wait3A_486 = arith.constant 0 : i32
        %dma_wait3A_487 = tpu.memref_slice %arg5[%run_scoped3A_301, %run_scoped3A_302, %dma_wait3A_486] : memref<4x2x128xi32, #tpu.memory_space<vmem>> -> memref<1x1x128xi32, #tpu.memory_space<vmem>>
        %dma_wait3A_488 = tpu.memref_squeeze %dma_wait3A_487 : memref<1x1x128xi32, #tpu.memory_space<vmem>> -> memref<128xi32, #tpu.memory_space<vmem>>
        %dma_wait3A_489 = arith.constant 0 : i32
        %dma_wait3A_490 = arith.constant 0 : i32
        %dma_wait3A_491 = tpu.memref_slice %arg8[%scan3A_164, %dma_wait3A_489, %dma_wait3A_490] : memref<1x10112x48xf32, #tpu.memory_space<vmem_shared>> -> memref<1x10112x48xf32, #tpu.memory_space<vmem_shared>>
        %dma_wait3A_492 = tpu.memref_squeeze %dma_wait3A_491 : memref<1x10112x48xf32, #tpu.memory_space<vmem_shared>> -> memref<10112x48xf32, #tpu.memory_space<vmem_shared>>
        %dma_wait3A_493 = arith.constant 0 : i32
        %dma_wait3A_494 = arith.constant 0 : i32
        %dma_wait3A_495 = tpu.memref_slice %dma_wait3A_492[%dma_wait3A_493, %dma_wait3A_494] : memref<10112x48xf32, #tpu.memory_space<vmem_shared>> -> memref<10112x48xf32, #tpu.memory_space<vmem_shared>>
        tpu.wait_indirect_dma semaphore(%run_scoped3A_475 : memref<!tpu.dma_semaphore, #tpu.memory_space<semaphore_mem>>) src(%arg7 : memref<128x48xf32, #tpu.memory_space<vmem>>) dst(%dma_wait3A_495 : memref<10112x48xf32, #tpu.memory_space<vmem_shared>>)
        tpu.yield
      }) : () -> ()
      %add3A_303 = arith.constant 4 : i32
      %add3A_304 = arith.addi %add3A_292, %add3A_303 : i32
      %lt3A_305 = arith.constant 80 : i32
      %lt3A_306 = arith.cmpi slt, %add3A_304, %lt3A_305 : i32
      %add3A_307 = arith.addi %multiple_of3A, %add3A_304 : i32
      %select_n3A_308 = arith.select %lt3A_306, %add3A_307, %multiple_of3A : i32
      %dma_start3A_309 = arith.constant 1 : i32
      %dma_start3A_310 = arith.constant 0 : i32
      %dma_start3A_311 = arith.constant 0 : i32
      %dma_start3A_312 = tpu.memref_slice %arg5[%dma_start3A_309, %dma_start3A_310, %dma_start3A_311] : memref<4x2x128xi32, #tpu.memory_space<vmem>> -> memref<1x2x128xi32, #tpu.memory_space<vmem>>
      %dma_start3A_313 = tpu.memref_squeeze %dma_start3A_312 : memref<1x2x128xi32, #tpu.memory_space<vmem>> -> memref<2x128xi32, #tpu.memory_space<vmem>>
      %dma_start3A_314 = arith.constant 0 : i32
      %dma_start3A_315 = arith.constant 0 : i32
      %dma_start3A_316 = tpu.memref_slice %arg3[%select_n3A_308, %dma_start3A_314, %dma_start3A_315] : memref<2560x2x128xi32, #tpu.memory_space<hbm>> -> memref<1x2x128xi32, #tpu.memory_space<hbm>>
      %dma_start3A_317 = tpu.memref_squeeze %dma_start3A_316 : memref<1x2x128xi32, #tpu.memory_space<hbm>> -> memref<2x128xi32, #tpu.memory_space<hbm>>
      %dma_start3A_318 = arith.constant 0 : i32
      %dma_start3A_319 = arith.constant 0 : i32
      %dma_start3A_320 = tpu.memref_slice %arg5[%dma_start3A_309, %dma_start3A_318, %dma_start3A_319] : memref<4x2x128xi32, #tpu.memory_space<vmem>> -> memref<1x2x128xi32, #tpu.memory_space<vmem>>
      %dma_start3A_321 = tpu.memref_squeeze %dma_start3A_320 : memref<1x2x128xi32, #tpu.memory_space<vmem>> -> memref<2x128xi32, #tpu.memory_space<vmem>>
      %dma_start3A_322 = arith.constant 0 : i32
      %dma_start3A_323 = arith.constant 0 : i32
      %dma_start3A_324 = tpu.memref_slice %arg3[%select_n3A_308, %dma_start3A_322, %dma_start3A_323] : memref<2560x2x128xi32, #tpu.memory_space<hbm>> -> memref<1x2x128xi32, #tpu.memory_space<hbm>>
      %dma_start3A_325 = tpu.memref_squeeze %dma_start3A_324 : memref<1x2x128xi32, #tpu.memory_space<hbm>> -> memref<2x128xi32, #tpu.memory_space<hbm>>
      tpu.enqueue_dma source(%dma_start3A_325 : memref<2x128xi32, #tpu.memory_space<hbm>>) target(%dma_start3A_321 : memref<2x128xi32, #tpu.memory_space<vmem>>) target_semaphore(%arg10 : memref<!tpu.dma_semaphore, #tpu.memory_space<semaphore_mem>>)
      %dma_wait3A_326 = arith.constant 3 : i32
      %dma_wait3A_327 = arith.constant 0 : i32
      %dma_wait3A_328 = arith.constant 0 : i32
      %dma_wait3A_329 = tpu.memref_slice %arg5[%dma_wait3A_326, %dma_wait3A_327, %dma_wait3A_328] : memref<4x2x128xi32, #tpu.memory_space<vmem>> -> memref<1x2x128xi32, #tpu.memory_space<vmem>>
      %dma_wait3A_330 = tpu.memref_squeeze %dma_wait3A_329 : memref<1x2x128xi32, #tpu.memory_space<vmem>> -> memref<2x128xi32, #tpu.memory_space<vmem>>
      %dma_wait3A_331 = arith.constant 0 : i32
      %dma_wait3A_332 = arith.constant 0 : i32
      %dma_wait3A_333 = tpu.memref_slice %arg3[%multiple_of3A, %dma_wait3A_331, %dma_wait3A_332] : memref<2560x2x128xi32, #tpu.memory_space<hbm>> -> memref<1x2x128xi32, #tpu.memory_space<hbm>>
      %dma_wait3A_334 = tpu.memref_squeeze %dma_wait3A_333 : memref<1x2x128xi32, #tpu.memory_space<hbm>> -> memref<2x128xi32, #tpu.memory_space<hbm>>
      %dma_wait3A_335 = arith.constant 0 : i32
      %dma_wait3A_336 = arith.constant 0 : i32
      %dma_wait3A_337 = tpu.memref_slice %arg5[%dma_wait3A_326, %dma_wait3A_335, %dma_wait3A_336] : memref<4x2x128xi32, #tpu.memory_space<vmem>> -> memref<1x2x128xi32, #tpu.memory_space<vmem>>
      %dma_wait3A_338 = tpu.memref_squeeze %dma_wait3A_337 : memref<1x2x128xi32, #tpu.memory_space<vmem>> -> memref<2x128xi32, #tpu.memory_space<vmem>>
      %dma_wait3A_339 = arith.constant 0 : i32
      %dma_wait3A_340 = arith.constant 0 : i32
      %dma_wait3A_341 = tpu.memref_slice %arg3[%multiple_of3A, %dma_wait3A_339, %dma_wait3A_340] : memref<2560x2x128xi32, #tpu.memory_space<hbm>> -> memref<1x2x128xi32, #tpu.memory_space<hbm>>
      %dma_wait3A_342 = tpu.memref_squeeze %dma_wait3A_341 : memref<1x2x128xi32, #tpu.memory_space<hbm>> -> memref<2x128xi32, #tpu.memory_space<hbm>>
      tpu.wait_dma2 semaphore(%arg12 : memref<!tpu.dma_semaphore, #tpu.memory_space<semaphore_mem>>) src(%dma_wait3A_342 : memref<2x128xi32, #tpu.memory_space<hbm>>) dst(%dma_wait3A_338 : memref<2x128xi32, #tpu.memory_space<vmem>>)
      %dma_start3A_343 = arith.constant 3 : i32
      %dma_start3A_344 = arith.constant 0 : i32
      %dma_start3A_345 = arith.constant 0 : i32
      %dma_start3A_346 = tpu.memref_slice %arg5[%dma_start3A_343, %dma_start3A_344, %dma_start3A_345] : memref<4x2x128xi32, #tpu.memory_space<vmem>> -> memref<1x1x128xi32, #tpu.memory_space<vmem>>
      %dma_start3A_347 = tpu.memref_squeeze %dma_start3A_346 : memref<1x1x128xi32, #tpu.memory_space<vmem>> -> memref<128xi32, #tpu.memory_space<vmem>>
      %dma_start3A_348 = arith.constant 0 : i32
      %dma_start3A_349 = arith.constant 0 : i32
      %dma_start3A_350 = tpu.memref_slice %arg2[%dma_start3A_348, %dma_start3A_349] : memref<10000x48xf32, #tpu.memory_space<hbm>> -> memref<10000x48xf32, #tpu.memory_space<hbm>>
      tpu.enqueue_indirect_dma source(%dma_start3A_350 : memref<10000x48xf32, #tpu.memory_space<hbm>>) target(%arg7 : memref<128x48xf32, #tpu.memory_space<vmem>>) offsets(%dma_start3A_347 : memref<128xi32, #tpu.memory_space<vmem>>) semaphore(%arg14 : memref<!tpu.dma_semaphore, #tpu.memory_space<semaphore_mem>>)
      %mul3A_351 = arith.constant 4 : i32
      %mul3A_352 = arith.muli %mul3A_351, %scan3A_226 : i32
      %add3A_353 = arith.constant 2 : i32
      %add3A_354 = arith.addi %mul3A_352, %add3A_353 : i32
      %dma_wait3A_355 = arith.constant 2 : i32
      %dma_wait3A_356 = arith.constant 0 : i32
      %dma_wait3A_357 = arith.constant 0 : i32
      %dma_wait3A_358 = tpu.memref_slice %arg5[%dma_wait3A_355, %dma_wait3A_356, %dma_wait3A_357] : memref<4x2x128xi32, #tpu.memory_space<vmem>> -> memref<1x1x128xi32, #tpu.memory_space<vmem>>
      %dma_wait3A_359 = tpu.memref_squeeze %dma_wait3A_358 : memref<1x1x128xi32, #tpu.memory_space<vmem>> -> memref<128xi32, #tpu.memory_space<vmem>>
      %dma_wait3A_360 = arith.constant 0 : i32
      %dma_wait3A_361 = arith.constant 0 : i32
      %dma_wait3A_362 = tpu.memref_slice %arg2[%dma_wait3A_360, %dma_wait3A_361] : memref<10000x48xf32, #tpu.memory_space<hbm>> -> memref<10000x48xf32, #tpu.memory_space<hbm>>
      tpu.wait_indirect_dma semaphore(%arg13 : memref<!tpu.dma_semaphore, #tpu.memory_space<semaphore_mem>>) src(%dma_wait3A_362 : memref<10000x48xf32, #tpu.memory_space<hbm>>) dst(%arg6 : memref<128x48xf32, #tpu.memory_space<vmem>>)
      %run_scoped3A_363 = arith.constant 2 : i32
      %run_scoped3A_364 = arith.constant 1 : i32
      "tpu.region"() ({
        %run_scoped3A_475 = tpu.sem_alloc : memref<!tpu.dma_semaphore, #tpu.memory_space<semaphore_mem>>
        %dma_start3A_476 = arith.constant 0 : i32
        %dma_start3A_477 = tpu.memref_slice %arg5[%run_scoped3A_363, %run_scoped3A_364, %dma_start3A_476] : memref<4x2x128xi32, #tpu.memory_space<vmem>> -> memref<1x1x128xi32, #tpu.memory_space<vmem>>
        %dma_start3A_478 = tpu.memref_squeeze %dma_start3A_477 : memref<1x1x128xi32, #tpu.memory_space<vmem>> -> memref<128xi32, #tpu.memory_space<vmem>>
        %dma_start3A_479 = arith.constant 0 : i32
        %dma_start3A_480 = arith.constant 0 : i32
        %dma_start3A_481 = tpu.memref_slice %arg8[%scan3A_164, %dma_start3A_479, %dma_start3A_480] : memref<1x10112x48xf32, #tpu.memory_space<vmem_shared>> -> memref<1x10112x48xf32, #tpu.memory_space<vmem_shared>>
        %dma_start3A_482 = tpu.memref_squeeze %dma_start3A_481 : memref<1x10112x48xf32, #tpu.memory_space<vmem_shared>> -> memref<10112x48xf32, #tpu.memory_space<vmem_shared>>
        %dma_start3A_483 = arith.constant 0 : i32
        %dma_start3A_484 = arith.constant 0 : i32
        %dma_start3A_485 = tpu.memref_slice %dma_start3A_482[%dma_start3A_483, %dma_start3A_484] : memref<10112x48xf32, #tpu.memory_space<vmem_shared>> -> memref<10112x48xf32, #tpu.memory_space<vmem_shared>>
        tpu.enqueue_indirect_dma source(%arg6 : memref<128x48xf32, #tpu.memory_space<vmem>>) target(%dma_start3A_485 : memref<10112x48xf32, #tpu.memory_space<vmem_shared>>) offsets(%dma_start3A_478 : memref<128xi32, #tpu.memory_space<vmem>>) semaphore(%run_scoped3A_475 : memref<!tpu.dma_semaphore, #tpu.memory_space<semaphore_mem>>) {add = true}
        %dma_wait3A_486 = arith.constant 0 : i32
        %dma_wait3A_487 = tpu.memref_slice %arg5[%run_scoped3A_363, %run_scoped3A_364, %dma_wait3A_486] : memref<4x2x128xi32, #tpu.memory_space<vmem>> -> memref<1x1x128xi32, #tpu.memory_space<vmem>>
        %dma_wait3A_488 = tpu.memref_squeeze %dma_wait3A_487 : memref<1x1x128xi32, #tpu.memory_space<vmem>> -> memref<128xi32, #tpu.memory_space<vmem>>
        %dma_wait3A_489 = arith.constant 0 : i32
        %dma_wait3A_490 = arith.constant 0 : i32
        %dma_wait3A_491 = tpu.memref_slice %arg8[%scan3A_164, %dma_wait3A_489, %dma_wait3A_490] : memref<1x10112x48xf32, #tpu.memory_space<vmem_shared>> -> memref<1x10112x48xf32, #tpu.memory_space<vmem_shared>>
        %dma_wait3A_492 = tpu.memref_squeeze %dma_wait3A_491 : memref<1x10112x48xf32, #tpu.memory_space<vmem_shared>> -> memref<10112x48xf32, #tpu.memory_space<vmem_shared>>
        %dma_wait3A_493 = arith.constant 0 : i32
        %dma_wait3A_494 = arith.constant 0 : i32
        %dma_wait3A_495 = tpu.memref_slice %dma_wait3A_492[%dma_wait3A_493, %dma_wait3A_494] : memref<10112x48xf32, #tpu.memory_space<vmem_shared>> -> memref<10112x48xf32, #tpu.memory_space<vmem_shared>>
        tpu.wait_indirect_dma semaphore(%run_scoped3A_475 : memref<!tpu.dma_semaphore, #tpu.memory_space<semaphore_mem>>) src(%arg6 : memref<128x48xf32, #tpu.memory_space<vmem>>) dst(%dma_wait3A_495 : memref<10112x48xf32, #tpu.memory_space<vmem_shared>>)
        tpu.yield
      }) : () -> ()
      %add3A_365 = arith.constant 4 : i32
      %add3A_366 = arith.addi %add3A_354, %add3A_365 : i32
      %lt3A_367 = arith.constant 80 : i32
      %lt3A_368 = arith.cmpi slt, %add3A_366, %lt3A_367 : i32
      %add3A_369 = arith.addi %multiple_of3A, %add3A_366 : i32
      %select_n3A_370 = arith.select %lt3A_368, %add3A_369, %multiple_of3A : i32
      %dma_start3A_371 = arith.constant 2 : i32
      %dma_start3A_372 = arith.constant 0 : i32
      %dma_start3A_373 = arith.constant 0 : i32
      %dma_start3A_374 = tpu.memref_slice %arg5[%dma_start3A_371, %dma_start3A_372, %dma_start3A_373] : memref<4x2x128xi32, #tpu.memory_space<vmem>> -> memref<1x2x128xi32, #tpu.memory_space<vmem>>
      %dma_start3A_375 = tpu.memref_squeeze %dma_start3A_374 : memref<1x2x128xi32, #tpu.memory_space<vmem>> -> memref<2x128xi32, #tpu.memory_space<vmem>>
      %dma_start3A_376 = arith.constant 0 : i32
      %dma_start3A_377 = arith.constant 0 : i32
      %dma_start3A_378 = tpu.memref_slice %arg3[%select_n3A_370, %dma_start3A_376, %dma_start3A_377] : memref<2560x2x128xi32, #tpu.memory_space<hbm>> -> memref<1x2x128xi32, #tpu.memory_space<hbm>>
      %dma_start3A_379 = tpu.memref_squeeze %dma_start3A_378 : memref<1x2x128xi32, #tpu.memory_space<hbm>> -> memref<2x128xi32, #tpu.memory_space<hbm>>
      %dma_start3A_380 = arith.constant 0 : i32
      %dma_start3A_381 = arith.constant 0 : i32
      %dma_start3A_382 = tpu.memref_slice %arg5[%dma_start3A_371, %dma_start3A_380, %dma_start3A_381] : memref<4x2x128xi32, #tpu.memory_space<vmem>> -> memref<1x2x128xi32, #tpu.memory_space<vmem>>
      %dma_start3A_383 = tpu.memref_squeeze %dma_start3A_382 : memref<1x2x128xi32, #tpu.memory_space<vmem>> -> memref<2x128xi32, #tpu.memory_space<vmem>>
      %dma_start3A_384 = arith.constant 0 : i32
      %dma_start3A_385 = arith.constant 0 : i32
      %dma_start3A_386 = tpu.memref_slice %arg3[%select_n3A_370, %dma_start3A_384, %dma_start3A_385] : memref<2560x2x128xi32, #tpu.memory_space<hbm>> -> memref<1x2x128xi32, #tpu.memory_space<hbm>>
      %dma_start3A_387 = tpu.memref_squeeze %dma_start3A_386 : memref<1x2x128xi32, #tpu.memory_space<hbm>> -> memref<2x128xi32, #tpu.memory_space<hbm>>
      tpu.enqueue_dma source(%dma_start3A_387 : memref<2x128xi32, #tpu.memory_space<hbm>>) target(%dma_start3A_383 : memref<2x128xi32, #tpu.memory_space<vmem>>) target_semaphore(%arg11 : memref<!tpu.dma_semaphore, #tpu.memory_space<semaphore_mem>>)
      %dma_wait3A_388 = arith.constant 0 : i32
      %dma_wait3A_389 = arith.constant 0 : i32
      %dma_wait3A_390 = arith.constant 0 : i32
      %dma_wait3A_391 = tpu.memref_slice %arg5[%dma_wait3A_388, %dma_wait3A_389, %dma_wait3A_390] : memref<4x2x128xi32, #tpu.memory_space<vmem>> -> memref<1x2x128xi32, #tpu.memory_space<vmem>>
      %dma_wait3A_392 = tpu.memref_squeeze %dma_wait3A_391 : memref<1x2x128xi32, #tpu.memory_space<vmem>> -> memref<2x128xi32, #tpu.memory_space<vmem>>
      %dma_wait3A_393 = arith.constant 0 : i32
      %dma_wait3A_394 = arith.constant 0 : i32
      %dma_wait3A_395 = tpu.memref_slice %arg3[%multiple_of3A, %dma_wait3A_393, %dma_wait3A_394] : memref<2560x2x128xi32, #tpu.memory_space<hbm>> -> memref<1x2x128xi32, #tpu.memory_space<hbm>>
      %dma_wait3A_396 = tpu.memref_squeeze %dma_wait3A_395 : memref<1x2x128xi32, #tpu.memory_space<hbm>> -> memref<2x128xi32, #tpu.memory_space<hbm>>
      %dma_wait3A_397 = arith.constant 0 : i32
      %dma_wait3A_398 = arith.constant 0 : i32
      %dma_wait3A_399 = tpu.memref_slice %arg5[%dma_wait3A_388, %dma_wait3A_397, %dma_wait3A_398] : memref<4x2x128xi32, #tpu.memory_space<vmem>> -> memref<1x2x128xi32, #tpu.memory_space<vmem>>
      %dma_wait3A_400 = tpu.memref_squeeze %dma_wait3A_399 : memref<1x2x128xi32, #tpu.memory_space<vmem>> -> memref<2x128xi32, #tpu.memory_space<vmem>>
      %dma_wait3A_401 = arith.constant 0 : i32
      %dma_wait3A_402 = arith.constant 0 : i32
      %dma_wait3A_403 = tpu.memref_slice %arg3[%multiple_of3A, %dma_wait3A_401, %dma_wait3A_402] : memref<2560x2x128xi32, #tpu.memory_space<hbm>> -> memref<1x2x128xi32, #tpu.memory_space<hbm>>
      %dma_wait3A_404 = tpu.memref_squeeze %dma_wait3A_403 : memref<1x2x128xi32, #tpu.memory_space<hbm>> -> memref<2x128xi32, #tpu.memory_space<hbm>>
      tpu.wait_dma2 semaphore(%arg9 : memref<!tpu.dma_semaphore, #tpu.memory_space<semaphore_mem>>) src(%dma_wait3A_404 : memref<2x128xi32, #tpu.memory_space<hbm>>) dst(%dma_wait3A_400 : memref<2x128xi32, #tpu.memory_space<vmem>>)
      %dma_start3A_405 = arith.constant 0 : i32
      %dma_start3A_406 = arith.constant 0 : i32
      %dma_start3A_407 = arith.constant 0 : i32
      %dma_start3A_408 = tpu.memref_slice %arg5[%dma_start3A_405, %dma_start3A_406, %dma_start3A_407] : memref<4x2x128xi32, #tpu.memory_space<vmem>> -> memref<1x1x128xi32, #tpu.memory_space<vmem>>
      %dma_start3A_409 = tpu.memref_squeeze %dma_start3A_408 : memref<1x1x128xi32, #tpu.memory_space<vmem>> -> memref<128xi32, #tpu.memory_space<vmem>>
      %dma_start3A_410 = arith.constant 0 : i32
      %dma_start3A_411 = arith.constant 0 : i32
      %dma_start3A_412 = tpu.memref_slice %arg2[%dma_start3A_410, %dma_start3A_411] : memref<10000x48xf32, #tpu.memory_space<hbm>> -> memref<10000x48xf32, #tpu.memory_space<hbm>>
      tpu.enqueue_indirect_dma source(%dma_start3A_412 : memref<10000x48xf32, #tpu.memory_space<hbm>>) target(%arg6 : memref<128x48xf32, #tpu.memory_space<vmem>>) offsets(%dma_start3A_409 : memref<128xi32, #tpu.memory_space<vmem>>) semaphore(%arg13 : memref<!tpu.dma_semaphore, #tpu.memory_space<semaphore_mem>>)
      %mul3A_413 = arith.constant 4 : i32
      %mul3A_414 = arith.muli %mul3A_413, %scan3A_226 : i32
      %add3A_415 = arith.constant 3 : i32
      %add3A_416 = arith.addi %mul3A_414, %add3A_415 : i32
      %dma_wait3A_417 = arith.constant 3 : i32
      %dma_wait3A_418 = arith.constant 0 : i32
      %dma_wait3A_419 = arith.constant 0 : i32
      %dma_wait3A_420 = tpu.memref_slice %arg5[%dma_wait3A_417, %dma_wait3A_418, %dma_wait3A_419] : memref<4x2x128xi32, #tpu.memory_space<vmem>> -> memref<1x1x128xi32, #tpu.memory_space<vmem>>
      %dma_wait3A_421 = tpu.memref_squeeze %dma_wait3A_420 : memref<1x1x128xi32, #tpu.memory_space<vmem>> -> memref<128xi32, #tpu.memory_space<vmem>>
      %dma_wait3A_422 = arith.constant 0 : i32
      %dma_wait3A_423 = arith.constant 0 : i32
      %dma_wait3A_424 = tpu.memref_slice %arg2[%dma_wait3A_422, %dma_wait3A_423] : memref<10000x48xf32, #tpu.memory_space<hbm>> -> memref<10000x48xf32, #tpu.memory_space<hbm>>
      tpu.wait_indirect_dma semaphore(%arg14 : memref<!tpu.dma_semaphore, #tpu.memory_space<semaphore_mem>>) src(%dma_wait3A_424 : memref<10000x48xf32, #tpu.memory_space<hbm>>) dst(%arg7 : memref<128x48xf32, #tpu.memory_space<vmem>>)
      %run_scoped3A_425 = arith.constant 3 : i32
      %run_scoped3A_426 = arith.constant 1 : i32
      "tpu.region"() ({
        %run_scoped3A_475 = tpu.sem_alloc : memref<!tpu.dma_semaphore, #tpu.memory_space<semaphore_mem>>
        %dma_start3A_476 = arith.constant 0 : i32
        %dma_start3A_477 = tpu.memref_slice %arg5[%run_scoped3A_425, %run_scoped3A_426, %dma_start3A_476] : memref<4x2x128xi32, #tpu.memory_space<vmem>> -> memref<1x1x128xi32, #tpu.memory_space<vmem>>
        %dma_start3A_478 = tpu.memref_squeeze %dma_start3A_477 : memref<1x1x128xi32, #tpu.memory_space<vmem>> -> memref<128xi32, #tpu.memory_space<vmem>>
        %dma_start3A_479 = arith.constant 0 : i32
        %dma_start3A_480 = arith.constant 0 : i32
        %dma_start3A_481 = tpu.memref_slice %arg8[%scan3A_164, %dma_start3A_479, %dma_start3A_480] : memref<1x10112x48xf32, #tpu.memory_space<vmem_shared>> -> memref<1x10112x48xf32, #tpu.memory_space<vmem_shared>>
        %dma_start3A_482 = tpu.memref_squeeze %dma_start3A_481 : memref<1x10112x48xf32, #tpu.memory_space<vmem_shared>> -> memref<10112x48xf32, #tpu.memory_space<vmem_shared>>
        %dma_start3A_483 = arith.constant 0 : i32
        %dma_start3A_484 = arith.constant 0 : i32
        %dma_start3A_485 = tpu.memref_slice %dma_start3A_482[%dma_start3A_483, %dma_start3A_484] : memref<10112x48xf32, #tpu.memory_space<vmem_shared>> -> memref<10112x48xf32, #tpu.memory_space<vmem_shared>>
        tpu.enqueue_indirect_dma source(%arg7 : memref<128x48xf32, #tpu.memory_space<vmem>>) target(%dma_start3A_485 : memref<10112x48xf32, #tpu.memory_space<vmem_shared>>) offsets(%dma_start3A_478 : memref<128xi32, #tpu.memory_space<vmem>>) semaphore(%run_scoped3A_475 : memref<!tpu.dma_semaphore, #tpu.memory_space<semaphore_mem>>) {add = true}
        %dma_wait3A_486 = arith.constant 0 : i32
        %dma_wait3A_487 = tpu.memref_slice %arg5[%run_scoped3A_425, %run_scoped3A_426, %dma_wait3A_486] : memref<4x2x128xi32, #tpu.memory_space<vmem>> -> memref<1x1x128xi32, #tpu.memory_space<vmem>>
        %dma_wait3A_488 = tpu.memref_squeeze %dma_wait3A_487 : memref<1x1x128xi32, #tpu.memory_space<vmem>> -> memref<128xi32, #tpu.memory_space<vmem>>
        %dma_wait3A_489 = arith.constant 0 : i32
        %dma_wait3A_490 = arith.constant 0 : i32
        %dma_wait3A_491 = tpu.memref_slice %arg8[%scan3A_164, %dma_wait3A_489, %dma_wait3A_490] : memref<1x10112x48xf32, #tpu.memory_space<vmem_shared>> -> memref<1x10112x48xf32, #tpu.memory_space<vmem_shared>>
        %dma_wait3A_492 = tpu.memref_squeeze %dma_wait3A_491 : memref<1x10112x48xf32, #tpu.memory_space<vmem_shared>> -> memref<10112x48xf32, #tpu.memory_space<vmem_shared>>
        %dma_wait3A_493 = arith.constant 0 : i32
        %dma_wait3A_494 = arith.constant 0 : i32
        %dma_wait3A_495 = tpu.memref_slice %dma_wait3A_492[%dma_wait3A_493, %dma_wait3A_494] : memref<10112x48xf32, #tpu.memory_space<vmem_shared>> -> memref<10112x48xf32, #tpu.memory_space<vmem_shared>>
        tpu.wait_indirect_dma semaphore(%run_scoped3A_475 : memref<!tpu.dma_semaphore, #tpu.memory_space<semaphore_mem>>) src(%arg7 : memref<128x48xf32, #tpu.memory_space<vmem>>) dst(%dma_wait3A_495 : memref<10112x48xf32, #tpu.memory_space<vmem_shared>>)
        tpu.yield
      }) : () -> ()
      %add3A_427 = arith.constant 4 : i32
      %add3A_428 = arith.addi %add3A_416, %add3A_427 : i32
      %lt3A_429 = arith.constant 80 : i32
      %lt3A_430 = arith.cmpi slt, %add3A_428, %lt3A_429 : i32
      %add3A_431 = arith.addi %multiple_of3A, %add3A_428 : i32
      %select_n3A_432 = arith.select %lt3A_430, %add3A_431, %multiple_of3A : i32
      %dma_start3A_433 = arith.constant 3 : i32
      %dma_start3A_434 = arith.constant 0 : i32
      %dma_start3A_435 = arith.constant 0 : i32
      %dma_start3A_436 = tpu.memref_slice %arg5[%dma_start3A_433, %dma_start3A_434, %dma_start3A_435] : memref<4x2x128xi32, #tpu.memory_space<vmem>> -> memref<1x2x128xi32, #tpu.memory_space<vmem>>
      %dma_start3A_437 = tpu.memref_squeeze %dma_start3A_436 : memref<1x2x128xi32, #tpu.memory_space<vmem>> -> memref<2x128xi32, #tpu.memory_space<vmem>>
      %dma_start3A_438 = arith.constant 0 : i32
      %dma_start3A_439 = arith.constant 0 : i32
      %dma_start3A_440 = tpu.memref_slice %arg3[%select_n3A_432, %dma_start3A_438, %dma_start3A_439] : memref<2560x2x128xi32, #tpu.memory_space<hbm>> -> memref<1x2x128xi32, #tpu.memory_space<hbm>>
      %dma_start3A_441 = tpu.memref_squeeze %dma_start3A_440 : memref<1x2x128xi32, #tpu.memory_space<hbm>> -> memref<2x128xi32, #tpu.memory_space<hbm>>
      %dma_start3A_442 = arith.constant 0 : i32
      %dma_start3A_443 = arith.constant 0 : i32
      %dma_start3A_444 = tpu.memref_slice %arg5[%dma_start3A_433, %dma_start3A_442, %dma_start3A_443] : memref<4x2x128xi32, #tpu.memory_space<vmem>> -> memref<1x2x128xi32, #tpu.memory_space<vmem>>
      %dma_start3A_445 = tpu.memref_squeeze %dma_start3A_444 : memref<1x2x128xi32, #tpu.memory_space<vmem>> -> memref<2x128xi32, #tpu.memory_space<vmem>>
      %dma_start3A_446 = arith.constant 0 : i32
      %dma_start3A_447 = arith.constant 0 : i32
      %dma_start3A_448 = tpu.memref_slice %arg3[%select_n3A_432, %dma_start3A_446, %dma_start3A_447] : memref<2560x2x128xi32, #tpu.memory_space<hbm>> -> memref<1x2x128xi32, #tpu.memory_space<hbm>>
      %dma_start3A_449 = tpu.memref_squeeze %dma_start3A_448 : memref<1x2x128xi32, #tpu.memory_space<hbm>> -> memref<2x128xi32, #tpu.memory_space<hbm>>
      tpu.enqueue_dma source(%dma_start3A_449 : memref<2x128xi32, #tpu.memory_space<hbm>>) target(%dma_start3A_445 : memref<2x128xi32, #tpu.memory_space<vmem>>) target_semaphore(%arg12 : memref<!tpu.dma_semaphore, #tpu.memory_space<semaphore_mem>>)
      %dma_wait3A_450 = arith.constant 1 : i32
      %dma_wait3A_451 = arith.constant 0 : i32
      %dma_wait3A_452 = arith.constant 0 : i32
      %dma_wait3A_453 = tpu.memref_slice %arg5[%dma_wait3A_450, %dma_wait3A_451, %dma_wait3A_452] : memref<4x2x128xi32, #tpu.memory_space<vmem>> -> memref<1x2x128xi32, #tpu.memory_space<vmem>>
      %dma_wait3A_454 = tpu.memref_squeeze %dma_wait3A_453 : memref<1x2x128xi32, #tpu.memory_space<vmem>> -> memref<2x128xi32, #tpu.memory_space<vmem>>
      %dma_wait3A_455 = arith.constant 0 : i32
      %dma_wait3A_456 = arith.constant 0 : i32
      %dma_wait3A_457 = tpu.memref_slice %arg3[%multiple_of3A, %dma_wait3A_455, %dma_wait3A_456] : memref<2560x2x128xi32, #tpu.memory_space<hbm>> -> memref<1x2x128xi32, #tpu.memory_space<hbm>>
      %dma_wait3A_458 = tpu.memref_squeeze %dma_wait3A_457 : memref<1x2x128xi32, #tpu.memory_space<hbm>> -> memref<2x128xi32, #tpu.memory_space<hbm>>
      %dma_wait3A_459 = arith.constant 0 : i32
      %dma_wait3A_460 = arith.constant 0 : i32
      %dma_wait3A_461 = tpu.memref_slice %arg5[%dma_wait3A_450, %dma_wait3A_459, %dma_wait3A_460] : memref<4x2x128xi32, #tpu.memory_space<vmem>> -> memref<1x2x128xi32, #tpu.memory_space<vmem>>
      %dma_wait3A_462 = tpu.memref_squeeze %dma_wait3A_461 : memref<1x2x128xi32, #tpu.memory_space<vmem>> -> memref<2x128xi32, #tpu.memory_space<vmem>>
      %dma_wait3A_463 = arith.constant 0 : i32
      %dma_wait3A_464 = arith.constant 0 : i32
      %dma_wait3A_465 = tpu.memref_slice %arg3[%multiple_of3A, %dma_wait3A_463, %dma_wait3A_464] : memref<2560x2x128xi32, #tpu.memory_space<hbm>> -> memref<1x2x128xi32, #tpu.memory_space<hbm>>
      %dma_wait3A_466 = tpu.memref_squeeze %dma_wait3A_465 : memref<1x2x128xi32, #tpu.memory_space<hbm>> -> memref<2x128xi32, #tpu.memory_space<hbm>>
      tpu.wait_dma2 semaphore(%arg10 : memref<!tpu.dma_semaphore, #tpu.memory_space<semaphore_mem>>) src(%dma_wait3A_466 : memref<2x128xi32, #tpu.memory_space<hbm>>) dst(%dma_wait3A_462 : memref<2x128xi32, #tpu.memory_space<vmem>>)
      %dma_start3A_467 = arith.constant 1 : i32
      %dma_start3A_468 = arith.constant 0 : i32
      %dma_start3A_469 = arith.constant 0 : i32
      %dma_start3A_470 = tpu.memref_slice %arg5[%dma_start3A_467, %dma_start3A_468, %dma_start3A_469] : memref<4x2x128xi32, #tpu.memory_space<vmem>> -> memref<1x1x128xi32, #tpu.memory_space<vmem>>
      %dma_start3A_471 = tpu.memref_squeeze %dma_start3A_470 : memref<1x1x128xi32, #tpu.memory_space<vmem>> -> memref<128xi32, #tpu.memory_space<vmem>>
      %dma_start3A_472 = arith.constant 0 : i32
      %dma_start3A_473 = arith.constant 0 : i32
      %dma_start3A_474 = tpu.memref_slice %arg2[%dma_start3A_472, %dma_start3A_473] : memref<10000x48xf32, #tpu.memory_space<hbm>> -> memref<10000x48xf32, #tpu.memory_space<hbm>>
      tpu.enqueue_indirect_dma source(%dma_start3A_474 : memref<10000x48xf32, #tpu.memory_space<hbm>>) target(%arg7 : memref<128x48xf32, #tpu.memory_space<vmem>>) offsets(%dma_start3A_471 : memref<128xi32, #tpu.memory_space<vmem>>) semaphore(%arg14 : memref<!tpu.dma_semaphore, #tpu.memory_space<semaphore_mem>>)
    }
    %scan3A_169 = arith.constant 20 : i32
    %dma_wait3A_170 = arith.constant 0 : i32
    %dma_wait3A_171 = arith.constant 0 : i32
    %dma_wait3A_172 = arith.constant 0 : i32
    %dma_wait3A_173 = tpu.memref_slice %arg5[%dma_wait3A_170, %dma_wait3A_171, %dma_wait3A_172] : memref<4x2x128xi32, #tpu.memory_space<vmem>> -> memref<1x1x128xi32, #tpu.memory_space<vmem>>
    %dma_wait3A_174 = tpu.memref_squeeze %dma_wait3A_173 : memref<1x1x128xi32, #tpu.memory_space<vmem>> -> memref<128xi32, #tpu.memory_space<vmem>>
    %dma_wait3A_175 = arith.constant 0 : i32
    %dma_wait3A_176 = arith.constant 0 : i32
    %dma_wait3A_177 = tpu.memref_slice %arg2[%dma_wait3A_175, %dma_wait3A_176] : memref<10000x48xf32, #tpu.memory_space<hbm>> -> memref<10000x48xf32, #tpu.memory_space<hbm>>
    tpu.wait_indirect_dma semaphore(%arg13 : memref<!tpu.dma_semaphore, #tpu.memory_space<semaphore_mem>>) src(%dma_wait3A_177 : memref<10000x48xf32, #tpu.memory_space<hbm>>) dst(%arg6 : memref<128x48xf32, #tpu.memory_space<vmem>>)
    %dma_wait3A_178 = arith.constant 1 : i32
    %dma_wait3A_179 = arith.constant 0 : i32
    %dma_wait3A_180 = arith.constant 0 : i32
    %dma_wait3A_181 = tpu.memref_slice %arg5[%dma_wait3A_178, %dma_wait3A_179, %dma_wait3A_180] : memref<4x2x128xi32, #tpu.memory_space<vmem>> -> memref<1x1x128xi32, #tpu.memory_space<vmem>>
    %dma_wait3A_182 = tpu.memref_squeeze %dma_wait3A_181 : memref<1x1x128xi32, #tpu.memory_space<vmem>> -> memref<128xi32, #tpu.memory_space<vmem>>
    %dma_wait3A_183 = arith.constant 0 : i32
    %dma_wait3A_184 = arith.constant 0 : i32
    %dma_wait3A_185 = tpu.memref_slice %arg2[%dma_wait3A_183, %dma_wait3A_184] : memref<10000x48xf32, #tpu.memory_space<hbm>> -> memref<10000x48xf32, #tpu.memory_space<hbm>>
    tpu.wait_indirect_dma semaphore(%arg14 : memref<!tpu.dma_semaphore, #tpu.memory_space<semaphore_mem>>) src(%dma_wait3A_185 : memref<10000x48xf32, #tpu.memory_space<hbm>>) dst(%arg7 : memref<128x48xf32, #tpu.memory_space<vmem>>)
    %dma_wait3A_186 = arith.constant 2 : i32
    %dma_wait3A_187 = arith.constant 0 : i32
    %dma_wait3A_188 = arith.constant 0 : i32
    %dma_wait3A_189 = tpu.memref_slice %arg5[%dma_wait3A_186, %dma_wait3A_187, %dma_wait3A_188] : memref<4x2x128xi32, #tpu.memory_space<vmem>> -> memref<1x2x128xi32, #tpu.memory_space<vmem>>
    %dma_wait3A_190 = tpu.memref_squeeze %dma_wait3A_189 : memref<1x2x128xi32, #tpu.memory_space<vmem>> -> memref<2x128xi32, #tpu.memory_space<vmem>>
    %dma_wait3A_191 = arith.constant 0 : i32
    %dma_wait3A_192 = arith.constant 0 : i32
    %dma_wait3A_193 = tpu.memref_slice %arg3[%multiple_of3A, %dma_wait3A_191, %dma_wait3A_192] : memref<2560x2x128xi32, #tpu.memory_space<hbm>> -> memref<1x2x128xi32, #tpu.memory_space<hbm>>
    %dma_wait3A_194 = tpu.memref_squeeze %dma_wait3A_193 : memref<1x2x128xi32, #tpu.memory_space<hbm>> -> memref<2x128xi32, #tpu.memory_space<hbm>>
    %dma_wait3A_195 = arith.constant 0 : i32
    %dma_wait3A_196 = arith.constant 0 : i32
    %dma_wait3A_197 = tpu.memref_slice %arg5[%dma_wait3A_186, %dma_wait3A_195, %dma_wait3A_196] : memref<4x2x128xi32, #tpu.memory_space<vmem>> -> memref<1x2x128xi32, #tpu.memory_space<vmem>>
    %dma_wait3A_198 = tpu.memref_squeeze %dma_wait3A_197 : memref<1x2x128xi32, #tpu.memory_space<vmem>> -> memref<2x128xi32, #tpu.memory_space<vmem>>
    %dma_wait3A_199 = arith.constant 0 : i32
    %dma_wait3A_200 = arith.constant 0 : i32
    %dma_wait3A_201 = tpu.memref_slice %arg3[%multiple_of3A, %dma_wait3A_199, %dma_wait3A_200] : memref<2560x2x128xi32, #tpu.memory_space<hbm>> -> memref<1x2x128xi32, #tpu.memory_space<hbm>>
    %dma_wait3A_202 = tpu.memref_squeeze %dma_wait3A_201 : memref<1x2x128xi32, #tpu.memory_space<hbm>> -> memref<2x128xi32, #tpu.memory_space<hbm>>
    tpu.wait_dma2 semaphore(%arg11 : memref<!tpu.dma_semaphore, #tpu.memory_space<semaphore_mem>>) src(%dma_wait3A_202 : memref<2x128xi32, #tpu.memory_space<hbm>>) dst(%dma_wait3A_198 : memref<2x128xi32, #tpu.memory_space<vmem>>)
    %dma_wait3A_203 = arith.constant 3 : i32
    %dma_wait3A_204 = arith.constant 0 : i32
    %dma_wait3A_205 = arith.constant 0 : i32
    %dma_wait3A_206 = tpu.memref_slice %arg5[%dma_wait3A_203, %dma_wait3A_204, %dma_wait3A_205] : memref<4x2x128xi32, #tpu.memory_space<vmem>> -> memref<1x2x128xi32, #tpu.memory_space<vmem>>
    %dma_wait3A_207 = tpu.memref_squeeze %dma_wait3A_206 : memref<1x2x128xi32, #tpu.memory_space<vmem>> -> memref<2x128xi32, #tpu.memory_space<vmem>>
    %dma_wait3A_208 = arith.constant 0 : i32
    %dma_wait3A_209 = arith.constant 0 : i32
    %dma_wait3A_210 = tpu.memref_slice %arg3[%multiple_of3A, %dma_wait3A_208, %dma_wait3A_209] : memref<2560x2x128xi32, #tpu.memory_space<hbm>> -> memref<1x2x128xi32, #tpu.memory_space<hbm>>
    %dma_wait3A_211 = tpu.memref_squeeze %dma_wait3A_210 : memref<1x2x128xi32, #tpu.memory_space<hbm>> -> memref<2x128xi32, #tpu.memory_space<hbm>>
    %dma_wait3A_212 = arith.constant 0 : i32
    %dma_wait3A_213 = arith.constant 0 : i32
    %dma_wait3A_214 = tpu.memref_slice %arg5[%dma_wait3A_203, %dma_wait3A_212, %dma_wait3A_213] : memref<4x2x128xi32, #tpu.memory_space<vmem>> -> memref<1x2x128xi32, #tpu.memory_space<vmem>>
    %dma_wait3A_215 = tpu.memref_squeeze %dma_wait3A_214 : memref<1x2x128xi32, #tpu.memory_space<vmem>> -> memref<2x128xi32, #tpu.memory_space<vmem>>
    %dma_wait3A_216 = arith.constant 0 : i32
    %dma_wait3A_217 = arith.constant 0 : i32
    %dma_wait3A_218 = tpu.memref_slice %arg3[%multiple_of3A, %dma_wait3A_216, %dma_wait3A_217] : memref<2560x2x128xi32, #tpu.memory_space<hbm>> -> memref<1x2x128xi32, #tpu.memory_space<hbm>>
    %dma_wait3A_219 = tpu.memref_squeeze %dma_wait3A_218 : memref<1x2x128xi32, #tpu.memory_space<hbm>> -> memref<2x128xi32, #tpu.memory_space<hbm>>
    tpu.wait_dma2 semaphore(%arg12 : memref<!tpu.dma_semaphore, #tpu.memory_space<semaphore_mem>>) src(%dma_wait3A_219 : memref<2x128xi32, #tpu.memory_space<hbm>>) dst(%dma_wait3A_215 : memref<2x128xi32, #tpu.memory_space<vmem>>)
    %barrier3A_220 = arith.constant 0 : index
    tpu.barrier barrier_id(%barrier3A_220)
    %mul3A_221 = arith.constant 1 : i32
    %mul3A_222 = arith.muli %mul3A_221, %arg0 : i32
    %add3A_223 = arith.constant 0 : i32
    %add3A_224 = arith.addi %mul3A_222, %add3A_223 : i32
    %run_scoped3A_225 = arith.constant 0 : i32
    "tpu.region"() ({
      %run_scoped3A_226 = tpu.sem_alloc : memref<!tpu.dma_semaphore, #tpu.memory_space<semaphore_mem>>
      %dma_start3A_227 = arith.constant 0 : i32
      %dma_start3A_228 = tpu.memref_slice %arg4[%add3A_224, %multiple_of3A_5, %dma_start3A_227] : memref<2x10112x48xf32, #tpu.memory_space<hbm>> -> memref<1x632x48xf32, #tpu.memory_space<hbm>>
      %dma_start3A_229 = tpu.memref_squeeze %dma_start3A_228 : memref<1x632x48xf32, #tpu.memory_space<hbm>> -> memref<632x48xf32, #tpu.memory_space<hbm>>
      %dma_start3A_230 = arith.constant 0 : i32
      %dma_start3A_231 = arith.constant 0 : i32
      %dma_start3A_232 = tpu.memref_slice %arg8[%run_scoped3A_225, %dma_start3A_230, %dma_start3A_231] : memref<1x10112x48xf32, #tpu.memory_space<vmem_shared>> -> memref<1x10112x48xf32, #tpu.memory_space<vmem_shared>>
      %dma_start3A_233 = tpu.memref_squeeze %dma_start3A_232 : memref<1x10112x48xf32, #tpu.memory_space<vmem_shared>> -> memref<10112x48xf32, #tpu.memory_space<vmem_shared>>
      %dma_start3A_234 = arith.constant 0 : i32
      %dma_start3A_235 = tpu.memref_slice %dma_start3A_233[%multiple_of3A_5, %dma_start3A_234] : memref<10112x48xf32, #tpu.memory_space<vmem_shared>> -> memref<632x48xf32, #tpu.memory_space<vmem_shared>>
      tpu.enqueue_dma source(%dma_start3A_235 : memref<632x48xf32, #tpu.memory_space<vmem_shared>>) target(%dma_start3A_229 : memref<632x48xf32, #tpu.memory_space<hbm>>) target_semaphore(%run_scoped3A_226 : memref<!tpu.dma_semaphore, #tpu.memory_space<semaphore_mem>>)
      %dma_wait3A_236 = arith.constant 0 : i32
      %dma_wait3A_237 = tpu.memref_slice %arg4[%add3A_224, %multiple_of3A_5, %dma_wait3A_236] : memref<2x10112x48xf32, #tpu.memory_space<hbm>> -> memref<1x632x48xf32, #tpu.memory_space<hbm>>
      %dma_wait3A_238 = tpu.memref_squeeze %dma_wait3A_237 : memref<1x632x48xf32, #tpu.memory_space<hbm>> -> memref<632x48xf32, #tpu.memory_space<hbm>>
      %dma_wait3A_239 = arith.constant 0 : i32
      %dma_wait3A_240 = arith.constant 0 : i32
      %dma_wait3A_241 = tpu.memref_slice %arg8[%run_scoped3A_225, %dma_wait3A_239, %dma_wait3A_240] : memref<1x10112x48xf32, #tpu.memory_space<vmem_shared>> -> memref<1x10112x48xf32, #tpu.memory_space<vmem_shared>>
      %dma_wait3A_242 = tpu.memref_squeeze %dma_wait3A_241 : memref<1x10112x48xf32, #tpu.memory_space<vmem_shared>> -> memref<10112x48xf32, #tpu.memory_space<vmem_shared>>
      %dma_wait3A_243 = arith.constant 0 : i32
      %dma_wait3A_244 = tpu.memref_slice %dma_wait3A_242[%multiple_of3A_5, %dma_wait3A_243] : memref<10112x48xf32, #tpu.memory_space<vmem_shared>> -> memref<632x48xf32, #tpu.memory_space<vmem_shared>>
      tpu.wait_dma2 semaphore(%run_scoped3A_226 : memref<!tpu.dma_semaphore, #tpu.memory_space<semaphore_mem>>) src(%dma_wait3A_244 : memref<632x48xf32, #tpu.memory_space<vmem_shared>>) dst(%dma_wait3A_238 : memref<632x48xf32, #tpu.memory_space<hbm>>)
      tpu.yield
    }) : () -> ()
    return
  }
}

module attributes {stable_mosaic.version = 14 : i64} {
  func.func @_tc1_body(%arg0: i32, %arg1: memref<1000x128xf32, #tpu.memory_space<vmem>>, %arg2: memref<2x1000x128xf32, #tpu.memory_space<vmem>>, %arg3: memref<2x1000x16xf32, #tpu.memory_space<vmem>>, %arg4: memref<128x128xf32, #tpu.memory_space<vmem>>, %arg5: memref<128x128xf32, #tpu.memory_space<vmem>>, %arg6: memref<1x128xf32, #tpu.memory_space<vmem>>, %arg7: memref<128x48xf32, #tpu.memory_space<vmem>>, %arg8: memref<1000x128xf32, #tpu.memory_space<vmem>>, %arg9: memref<1000x48xf32, #tpu.memory_space<vmem>>, %arg10: memref<1000x1xf32, #tpu.memory_space<vmem>>) attributes {dimension_semantics = [#tpu.dimension_semantics<arbitrary>], iteration_bounds = array<i64: 10>, scalar_prefetch = 0 : i64, scratch_operands = 0 : i64, tpu.core_type = #tpu.core_type<tc>, window_params = [{transform_indices = @transform_0, window_bounds = array<i64: 1000, 128>}, {transform_indices = @transform_1, window_bounds = array<i64: 2, 1000, 128>}, {transform_indices = @transform_2, window_bounds = array<i64: 2, 1000, 16>}, {pipeline_mode = #tpu.pipeline_mode<synchronous>, transform_indices = @transform_3, window_bounds = array<i64: 128, 128>}, {pipeline_mode = #tpu.pipeline_mode<synchronous>, transform_indices = @transform_4, window_bounds = array<i64: 128, 128>}, {pipeline_mode = #tpu.pipeline_mode<synchronous>, transform_indices = @transform_5, window_bounds = array<i64: 1, 128>}, {pipeline_mode = #tpu.pipeline_mode<synchronous>, transform_indices = @transform_6, window_bounds = array<i64: 128, 48>}, {transform_indices = @transform_7, window_bounds = array<i64: 1000, 128>}, {transform_indices = @transform_8, window_bounds = array<i64: 1000, 48>}, {transform_indices = @transform_9, window_bounds = array<i64: 1000, 1>}]} {
    %get3A = arith.constant 0 : index
    %get3A_0 = arith.constant 0 : index
    %get3A_1 = arith.constant 0 : index
    %get3A_2 = vector.load %arg2[%get3A, %get3A_0, %get3A_1] : memref<2x1000x128xf32, #tpu.memory_space<vmem>>, vector<1x1000x128xf32>
    %get3A_3 = vector.shape_cast %get3A_2 : vector<1x1000x128xf32> to vector<1000x128xf32>
    %get3A_4 = arith.constant 1 : index
    %get3A_5 = arith.constant 0 : index
    %get3A_6 = arith.constant 0 : index
    %get3A_7 = vector.load %arg2[%get3A_4, %get3A_5, %get3A_6] : memref<2x1000x128xf32, #tpu.memory_space<vmem>>, vector<1x1000x128xf32>
    %get3A_8 = vector.shape_cast %get3A_7 : vector<1x1000x128xf32> to vector<1000x128xf32>
    %add3A = arith.addf %get3A_3, %get3A_8 : vector<1000x128xf32>
    %get3A_9 = arith.constant 0 : index
    %get3A_10 = arith.constant 0 : index
    %get3A_11 = arith.constant 0 : index
    %get3A_12 = vector.load %arg3[%get3A_9, %get3A_10, %get3A_11] : memref<2x1000x16xf32, #tpu.memory_space<vmem>>, vector<1x1000x16xf32>
    %get3A_13 = vector.shape_cast %get3A_12 : vector<1x1000x16xf32> to vector<1000x16xf32>
    %get3A_14 = arith.constant 1 : index
    %get3A_15 = arith.constant 0 : index
    %get3A_16 = arith.constant 0 : index
    %get3A_17 = vector.load %arg3[%get3A_14, %get3A_15, %get3A_16] : memref<2x1000x16xf32, #tpu.memory_space<vmem>>, vector<1x1000x16xf32>
    %get3A_18 = vector.shape_cast %get3A_17 : vector<1x1000x16xf32> to vector<1000x16xf32>
    %add3A_19 = arith.addf %get3A_13, %get3A_18 : vector<1000x16xf32>
    %slice3A = vector.extract_strided_slice %add3A_19 {offsets = [0, 0], sizes = [1000, 1], strides = [1, 1]} : vector<1000x16xf32> to vector<1000x1xf32>
    %max3A = arith.constant 1.000000e+00 : f32
    %max3A_20 = vector.broadcast %max3A : f32 to vector<1000x1xf32>
    %max3A_21 = arith.maximumf %slice3A, %max3A_20 : vector<1000x1xf32>
    %div3A = arith.constant 1.000000e+00 : f32
    %div3A_22 = vector.broadcast %div3A : f32 to vector<1000x1xf32>
    %div3A_23 = arith.divf %div3A_22, %max3A_21 : vector<1000x1xf32>
    %mul3A = vector.broadcast %div3A_23 : vector<1000x1xf32> to vector<1000x128xf32>
    %mul3A_24 = arith.mulf %add3A, %mul3A : vector<1000x128xf32>
    %get3A_25 = arith.constant 0 : index
    %get3A_26 = arith.constant 0 : index
    %get3A_27 = vector.load %arg5[%get3A_25, %get3A_26] : memref<128x128xf32, #tpu.memory_space<vmem>>, vector<128x128xf32>
    %dot_general3A = arith.constant dense<0.000000e+00> : vector<1000x128xf32>
    %dot_general3A_28 = tpu.matmul %mul3A_24, %get3A_27, %dot_general3A {dimension_numbers = #tpu.dot_dimension_numbers<[1], [0], [0], [1], [0, 0, 1, 1], [], []>, transpose_lhs_hint = false} : vector<1000x128xf32>, vector<128x128xf32>, vector<1000x128xf32> -> vector<1000x128xf32>
    %get3A_29 = arith.constant 0 : index
    %get3A_30 = arith.constant 0 : index
    %get3A_31 = vector.load %arg1[%get3A_29, %get3A_30] : memref<1000x128xf32, #tpu.memory_space<vmem>>, vector<1000x128xf32>
    %get3A_32 = arith.constant 0 : index
    %get3A_33 = arith.constant 0 : index
    %get3A_34 = vector.load %arg4[%get3A_32, %get3A_33] : memref<128x128xf32, #tpu.memory_space<vmem>>, vector<128x128xf32>
    %dot_general3A_35 = arith.constant dense<0.000000e+00> : vector<1000x128xf32>
    %dot_general3A_36 = tpu.matmul %get3A_31, %get3A_34, %dot_general3A_35 {dimension_numbers = #tpu.dot_dimension_numbers<[1], [0], [0], [1], [0, 0, 1, 1], [], []>, transpose_lhs_hint = false} : vector<1000x128xf32>, vector<128x128xf32>, vector<1000x128xf32> -> vector<1000x128xf32>
    %add3A_37 = arith.addf %dot_general3A_36, %dot_general3A_28 : vector<1000x128xf32>
    %get3A_38 = arith.constant 0 : index
    %get3A_39 = arith.constant 0 : index
    %get3A_40 = vector.load %arg6[%get3A_38, %get3A_39] : memref<1x128xf32, #tpu.memory_space<vmem>>, vector<1x128xf32>
    %add3A_41 = vector.broadcast %get3A_40 : vector<1x128xf32> to vector<1000x128xf32>
    %add3A_42 = arith.addf %add3A_37, %add3A_41 : vector<1000x128xf32>
    %max3A_43 = arith.constant 0.000000e+00 : f32
    %max3A_44 = vector.broadcast %max3A_43 : f32 to vector<1000x128xf32>
    %max3A_45 = arith.maximumf %add3A_42, %max3A_44 : vector<1000x128xf32>
    %swap3A = arith.constant 0 : index
    %swap3A_46 = arith.constant 0 : index
    %swap3A_47 = vector.load %arg8[%swap3A, %swap3A_46] : memref<1000x128xf32, #tpu.memory_space<vmem>>, vector<1000x128xf32>
    tpu.vector_store %arg8[%swap3A, %swap3A_46], %max3A_45 {strides = array<i32>} : memref<1000x128xf32, #tpu.memory_space<vmem>>, vector<1000x128xf32>,
    %get3A_48 = arith.constant 0 : index
    %get3A_49 = arith.constant 0 : index
    %get3A_50 = vector.load %arg7[%get3A_48, %get3A_49] : memref<128x48xf32, #tpu.memory_space<vmem>>, vector<128x48xf32>
    %dot_general3A_51 = arith.constant dense<0.000000e+00> : vector<1000x48xf32>
    %dot_general3A_52 = tpu.matmul %max3A_45, %get3A_50, %dot_general3A_51 {dimension_numbers = #tpu.dot_dimension_numbers<[1], [0], [0], [1], [0, 0, 1, 1], [], []>, transpose_lhs_hint = false} : vector<1000x128xf32>, vector<128x48xf32>, vector<1000x48xf32> -> vector<1000x48xf32>
    %swap3A_53 = arith.constant 0 : index
    %swap3A_54 = arith.constant 0 : index
    %swap3A_55 = vector.load %arg9[%swap3A_53, %swap3A_54] : memref<1000x48xf32, #tpu.memory_space<vmem>>, vector<1000x48xf32>
    tpu.vector_store %arg9[%swap3A_53, %swap3A_54], %dot_general3A_52 {strides = array<i32>} : memref<1000x48xf32, #tpu.memory_space<vmem>>, vector<1000x48xf32>,
    %swap3A_56 = arith.constant 0 : index
    %swap3A_57 = arith.constant 0 : index
    %swap3A_58 = vector.load %arg10[%swap3A_56, %swap3A_57] : memref<1000x1xf32, #tpu.memory_space<vmem>>, vector<1000x1xf32>
    tpu.vector_store %arg10[%swap3A_56, %swap3A_57], %div3A_23 {strides = array<i32>} : memref<1000x1xf32, #tpu.memory_space<vmem>>, vector<1000x1xf32>,
    return
  }
  func.func @transform_0(%arg0: i32) -> (i32, i32) {
    %c0_i32 = arith.constant 0 : i32
    %c0_i32_0 = arith.constant 0 : i32
    return %arg0, %c0_i32 : i32, i32
  }
  func.func @transform_1(%arg0: i32) -> (i32, i32, i32) {
    %c0_i32 = arith.constant 0 : i32
    %c0_i32_0 = arith.constant 0 : i32
    %c0_i32_1 = arith.constant 0 : i32
    return %c0_i32, %arg0, %c0_i32_0 : i32, i32, i32
  }
  func.func @transform_2(%arg0: i32) -> (i32, i32, i32) {
    %c0_i32 = arith.constant 0 : i32
    %c0_i32_0 = arith.constant 0 : i32
    %c0_i32_1 = arith.constant 0 : i32
    return %c0_i32, %arg0, %c0_i32_0 : i32, i32, i32
  }
  func.func @transform_3(%arg0: i32) -> (i32, i32) {
    %c0_i32 = arith.constant 0 : i32
    %c0_i32_0 = arith.constant 0 : i32
    %c0_i32_1 = arith.constant 0 : i32
    return %c0_i32, %c0_i32_0 : i32, i32
  }
  func.func @transform_4(%arg0: i32) -> (i32, i32) {
    %c0_i32 = arith.constant 0 : i32
    %c0_i32_0 = arith.constant 0 : i32
    %c0_i32_1 = arith.constant 0 : i32
    return %c0_i32, %c0_i32_0 : i32, i32
  }
  func.func @transform_5(%arg0: i32) -> (i32, i32) {
    %c0_i32 = arith.constant 0 : i32
    %c0_i32_0 = arith.constant 0 : i32
    %c0_i32_1 = arith.constant 0 : i32
    return %c0_i32, %c0_i32_0 : i32, i32
  }
  func.func @transform_6(%arg0: i32) -> (i32, i32) {
    %c0_i32 = arith.constant 0 : i32
    %c0_i32_0 = arith.constant 0 : i32
    %c0_i32_1 = arith.constant 0 : i32
    return %c0_i32, %c0_i32_0 : i32, i32
  }
  func.func @transform_7(%arg0: i32) -> (i32, i32) {
    %c0_i32 = arith.constant 0 : i32
    %c0_i32_0 = arith.constant 0 : i32
    return %arg0, %c0_i32 : i32, i32
  }
  func.func @transform_8(%arg0: i32) -> (i32, i32) {
    %c0_i32 = arith.constant 0 : i32
    %c0_i32_0 = arith.constant 0 : i32
    return %arg0, %c0_i32 : i32, i32
  }
  func.func @transform_9(%arg0: i32) -> (i32, i32) {
    %c0_i32 = arith.constant 0 : i32
    %c0_i32_0 = arith.constant 0 : i32
    return %arg0, %c0_i32 : i32, i32
  }
}

module attributes {stable_mosaic.version = 14 : i64} {
  func.func @_tc2_body(%arg0: i32, %arg1: memref<1000x128xf32, #tpu.memory_space<vmem>>, %arg2: memref<2x1000x48xf32, #tpu.memory_space<vmem>>, %arg3: memref<1000x1xf32, #tpu.memory_space<vmem>>, %arg4: memref<128x48xf32, #tpu.memory_space<vmem>>, %arg5: memref<1x48xf32, #tpu.memory_space<vmem>>, %arg6: memref<1000x40xf32, #tpu.memory_space<vmem>>) attributes {dimension_semantics = [#tpu.dimension_semantics<arbitrary>], iteration_bounds = array<i64: 10>, scalar_prefetch = 0 : i64, scratch_operands = 0 : i64, tpu.core_type = #tpu.core_type<tc>, window_params = [{transform_indices = @transform_0, window_bounds = array<i64: 1000, 128>}, {transform_indices = @transform_1, window_bounds = array<i64: 2, 1000, 48>}, {transform_indices = @transform_2, window_bounds = array<i64: 1000, 1>}, {pipeline_mode = #tpu.pipeline_mode<synchronous>, transform_indices = @transform_3, window_bounds = array<i64: 128, 48>}, {pipeline_mode = #tpu.pipeline_mode<synchronous>, transform_indices = @transform_4, window_bounds = array<i64: 1, 48>}, {transform_indices = @transform_5, window_bounds = array<i64: 1000, 40>}]} {
    %get3A = arith.constant 0 : index
    %get3A_0 = arith.constant 0 : index
    %get3A_1 = arith.constant 0 : index
    %get3A_2 = vector.load %arg2[%get3A, %get3A_0, %get3A_1] : memref<2x1000x48xf32, #tpu.memory_space<vmem>>, vector<1x1000x48xf32>
    %get3A_3 = vector.shape_cast %get3A_2 : vector<1x1000x48xf32> to vector<1000x48xf32>
    %get3A_4 = arith.constant 1 : index
    %get3A_5 = arith.constant 0 : index
    %get3A_6 = arith.constant 0 : index
    %get3A_7 = vector.load %arg2[%get3A_4, %get3A_5, %get3A_6] : memref<2x1000x48xf32, #tpu.memory_space<vmem>>, vector<1x1000x48xf32>
    %get3A_8 = vector.shape_cast %get3A_7 : vector<1x1000x48xf32> to vector<1000x48xf32>
    %add3A = arith.addf %get3A_3, %get3A_8 : vector<1000x48xf32>
    %get3A_9 = arith.constant 0 : index
    %get3A_10 = arith.constant 0 : index
    %get3A_11 = vector.load %arg3[%get3A_9, %get3A_10] : memref<1000x1xf32, #tpu.memory_space<vmem>>, vector<1000x1xf32>
    %mul3A = vector.broadcast %get3A_11 : vector<1000x1xf32> to vector<1000x48xf32>
    %mul3A_12 = arith.mulf %add3A, %mul3A : vector<1000x48xf32>
    %get3A_13 = arith.constant 0 : index
    %get3A_14 = arith.constant 0 : index
    %get3A_15 = vector.load %arg1[%get3A_13, %get3A_14] : memref<1000x128xf32, #tpu.memory_space<vmem>>, vector<1000x128xf32>
    %get3A_16 = arith.constant 0 : index
    %get3A_17 = arith.constant 0 : index
    %get3A_18 = vector.load %arg4[%get3A_16, %get3A_17] : memref<128x48xf32, #tpu.memory_space<vmem>>, vector<128x48xf32>
    %dot_general3A = arith.constant dense<0.000000e+00> : vector<1000x48xf32>
    %dot_general3A_19 = tpu.matmul %get3A_15, %get3A_18, %dot_general3A {dimension_numbers = #tpu.dot_dimension_numbers<[1], [0], [0], [1], [0, 0, 1, 1], [], []>, transpose_lhs_hint = false} : vector<1000x128xf32>, vector<128x48xf32>, vector<1000x48xf32> -> vector<1000x48xf32>
    %add3A_20 = arith.addf %dot_general3A_19, %mul3A_12 : vector<1000x48xf32>
    %get3A_21 = arith.constant 0 : index
    %get3A_22 = arith.constant 0 : index
    %get3A_23 = vector.load %arg5[%get3A_21, %get3A_22] : memref<1x48xf32, #tpu.memory_space<vmem>>, vector<1x48xf32>
    %add3A_24 = vector.broadcast %get3A_23 : vector<1x48xf32> to vector<1000x48xf32>
    %add3A_25 = arith.addf %add3A_20, %add3A_24 : vector<1000x48xf32>
    %slice3A = vector.extract_strided_slice %add3A_25 {offsets = [0, 0], sizes = [1000, 40], strides = [1, 1]} : vector<1000x48xf32> to vector<1000x40xf32>
    %swap3A = arith.constant 0 : index
    %swap3A_26 = arith.constant 0 : index
    %swap3A_27 = vector.load %arg6[%swap3A, %swap3A_26] : memref<1000x40xf32, #tpu.memory_space<vmem>>, vector<1000x40xf32>
    tpu.vector_store %arg6[%swap3A, %swap3A_26], %slice3A {strides = array<i32>} : memref<1000x40xf32, #tpu.memory_space<vmem>>, vector<1000x40xf32>,
    return
  }
  func.func @transform_0(%arg0: i32) -> (i32, i32) {
    %c0_i32 = arith.constant 0 : i32
    %c0_i32_0 = arith.constant 0 : i32
    return %arg0, %c0_i32 : i32, i32
  }
  func.func @transform_1(%arg0: i32) -> (i32, i32, i32) {
    %c0_i32 = arith.constant 0 : i32
    %c0_i32_0 = arith.constant 0 : i32
    %c0_i32_1 = arith.constant 0 : i32
    return %c0_i32, %arg0, %c0_i32_0 : i32, i32, i32
  }
  func.func @transform_2(%arg0: i32) -> (i32, i32) {
    %c0_i32 = arith.constant 0 : i32
    %c0_i32_0 = arith.constant 0 : i32
    return %arg0, %c0_i32 : i32, i32
  }
  func.func @transform_3(%arg0: i32) -> (i32, i32) {
    %c0_i32 = arith.constant 0 : i32
    %c0_i32_0 = arith.constant 0 : i32
    %c0_i32_1 = arith.constant 0 : i32
    return %c0_i32, %c0_i32_0 : i32, i32
  }
  func.func @transform_4(%arg0: i32) -> (i32, i32) {
    %c0_i32 = arith.constant 0 : i32
    %c0_i32_0 = arith.constant 0 : i32
    %c0_i32_1 = arith.constant 0 : i32
    return %c0_i32, %c0_i32_0 : i32, i32
  }
  func.func @transform_5(%arg0: i32) -> (i32, i32) {
    %c0_i32 = arith.constant 0 : i32
    %c0_i32_0 = arith.constant 0 : i32
    return %arg0, %c0_i32 : i32, i32
  }
}

</mosaic_0001>

<sc_bundles>
// kernel: kernel.6.cloned.1.call-start
scs
__scs_entry_jumppad:
0x0: {  	(pc) =	sbr.rel $0x88, $3  }
0x1: {  	(tag) =	ssettag $0x0;
	lr =	simm.s32 $0x1  }
0x2: {  	[smem:$0x3F99] =	sst lr;
	_ =	strace $0xD0000000  }
0x3: {  	_ = 	snop  }
0x4: {  	_ = 	snop  }
0x5: {  	_ = 	snop  }
0x6: {  	_ = 	snop  }
0x7: {  	_ = 	snop  }
__scs_overlays_trampoline_lowered:
0x8: {  	[smem:$0x3FA8] =	sst s0  }
0x9: {  	[smem:$0x3FA9] =	sst s1  }
0xa: {  	[smem:$0x3FAA] =	sst s2  }
0xb: {  	[smem:$0x3FAB] =	sst s3  }
0xc: {  	[smem:$0x3FAC] =	sst s4  }
0xd: {  	[smem:$0x3FAD] =	sst s5  }
0xe: {  	[smem:$0x3FAE] =	sst s6  }
0xf: {  	[smem:$0x3FAF] =	sst s7  }
0x10: {  	[smem:$0x3FB0] =	sst s8  }
0x11: {  	[smem:$0x3FB1] =	sst s9;
	s0 =	simm.s32 @!p0 $0x0  }
0x12: {  	s1 =	sld [smem:$0x3F97];
	s0 =	simm.s32 @p0 $0x1  }
0x13: {  	[smem:$0x3FB2] =	sst s0;
	s0 =	simm.s32 @!p1 $0x0  }
0x14: {  	s2 =	sld [smem:$0x3F96];
	s0 =	simm.s32 @p1 $0x1  }
0x15: {  	[smem:$0x3FB3] =	sst s0;
	s0 =	simm.s32 @!p2 $0x0  }
0x16: {  	s3 =	sld [smem:$0x3FDB];
	s0 =	simm.s32 @p2 $0x1  }
0x17: {  	s4 =	simm.s32 $0x1BF5;
	[smem:$0x3FB5] =	sst s0  }
0x18: {  	s0 =	sld [smem:$0x3F98];
	_ =	swait.ge [sflag:s4], $0x0  }
0x19: {  	s7 =	sld [smem:$0x3F99]  }
0x1a: {  	s8 =	sadd.s32 $0xFFFFE003, lr  }
0x1b: {  	s9 =	sadd.s32 $0xFFFFFEF7, lr;
	s5 =	simm.s32 $0xFFFFFFFF;
	p2 =	slt.u32 s8, $0xFFFFF086  }
0x1c: {  	p1 =	slt.u32 s9, $0xF7A;
	s5 =	simm.s32 @!p2 $0x0  }
0x1d: {  	s5 =	simm.s32 @p1 $0x1;
	p0 =	seq.s32 s7, s2  }
0x1e: {  	s7 =	smul.u32 @!p0 $0xF7A, s2;
	p2 =	seq.s32 @!p0 s5, $0x0  }
0x1f: {  	s9 =	smul.u32 $0xF7A, s1;
	s8 =	simm.s32 @!p0 $0x1BF5;
	p2 =	por !p2, p0  }
0x20: {  	[sflag:s8] =	ssyncset.s32 @!p0 $0xFFFFF086;
	s6 =	sadd.s32 @!p0 s3, s7;
	s7 =	simm.s32 @!p0 $0x108  }
0x21: {  	s3 =	sadd.s32 s3, s9;
	s6 =	sadd.s32 @!p0 $0x88, s6;
	s7 =	simm.s32 @p2 $0x1082  }
0x22: {  	[simem:s7], [sflag:s8] =	dma.local @!p0 [hbm:s6], $0xF7A  }
0x23: {  	s9 =	sor.u32 $0xD0000000, s2;
	s6 =	simm.s32 $0x108;
	_ =	swait.ge @!p0 [sflag:s8], $0x0  }
0x24: {  	s3 =	sadd.s32 $0x88, s3;
	s6 =	simm.s32 @!p1 $0x1082;
	[sflag:s4] =	ssyncset.s32 $0xFFFFF086  }
0x25: {  	[simem:s6], [sflag:s4] =	dma.local [hbm:s3], $0xF7A  }
0x26: {  	[smem:$0x3F99] =	sst s1;
	(tag) =	ssettag s2;
	_ =	strace s9  }
0x27: {  	s1 =	sld [smem:$0x3FA9]  }
0x28: {  	s2 =	sld [smem:$0x3FAA]  }
0x29: {  	s4 =	sld [smem:$0x3FAC]  }
0x2a: {  	p0 =	seq.s32 s5, $0x0;
	s5 =	sld [smem:$0x3FAD]  }
0x2b: {  	s6 =	sld [smem:$0x3FAE]  }
0x2c: {  	s7 =	sld [smem:$0x3FAF]  }
0x2d: {  	s3 =	simm.s32 $0x108;
	s8 =	sld [smem:$0x3FB0]  }
0x2e: {  	s3 =	simm.s32 @!p0 $0x1082;
	s9 =	sld [smem:$0x3FB1]  }
0x2f: {  	lr =	sadd.s32 s0, s3;
	s0 =	sld [smem:$0x3FA8]  }
0x30: {  	s3 =	sld [smem:$0x3FAB]  }
0x31: {  	[smem:$0x3FB4] =	sst s10  }
0x32: {  	s10 =	sld [smem:$0x3FB2];
	_ =	sdelay $0x3  }
0x33: {  	p0 =	seq.s32 s10, $0x1;
	s10 =	sld [smem:$0x3FB4];
	_ =	sdelay $0x3  }
0x34: {  	[smem:$0x3FB4] =	sst s10  }
0x35: {  	s10 =	sld [smem:$0x3FB3];
	_ =	sdelay $0x3  }
0x36: {  	p1 =	seq.s32 s10, $0x1;
	s10 =	sld [smem:$0x3FB4];
	_ =	sdelay $0x3  }
0x37: {  	[smem:$0x3FB4] =	sst s10  }
0x38: {  	s10 =	sld [smem:$0x3FB5]  }
0x39: {  	_ = 	snop;
	(pc) =	sbr.ind lr, $3  }
0x3a: {  	_ = 	snop  }
0x3b: {  	_ = 	snop  }
0x3c: {  	p2 =	seq.s32 s10, $0x1;
	s10 =	sld [smem:$0x3FB4]  }
0x3d: {  	_ =	shalt  }
0x3e: {  	_ =	shalt  }
0x3f: {  	_ =	shalt  }
0x40: {  	_ =	shalt  }
0x41: {  	_ =	shalt  }
0x42: {  	_ =	shalt  }
0x43: {  	_ =	shalt  }
0x44: {  	_ =	shalt  }
0x45: {  	_ =	shalt  }
0x46: {  	_ =	shalt  }
0x47: {  	_ =	shalt  }
0x48: {  	_ =	shalt  }
0x49: {  	_ =	shalt  }
0x4a: {  	_ =	shalt  }
0x4b: {  	_ =	shalt  }
0x4c: {  	_ =	shalt  }
0x4d: {  	_ =	shalt  }
0x4e: {  	_ =	shalt  }
0x4f: {  	_ =	shalt  }
0x50: {  	_ =	shalt  }
0x51: {  	_ =	shalt  }
0x52: {  	_ =	shalt  }
0x53: {  	_ =	shalt  }
0x54: {  	_ =	shalt  }
0x55: {  	_ =	shalt  }
0x56: {  	_ =	shalt  }
0x57: {  	_ =	shalt  }
0x58: {  	_ =	shalt  }
0x59: {  	_ =	shalt  }
0x5a: {  	_ =	shalt  }
0x5b: {  	_ =	shalt  }
0x5c: {  	_ =	shalt  }
0x5d: {  	_ =	shalt  }
0x5e: {  	_ =	shalt  }
0x5f: {  	_ =	shalt  }
0x60: {  	_ =	shalt  }
0x61: {  	_ =	shalt  }
0x62: {  	_ =	shalt  }
0x63: {  	_ =	shalt  }
0x64: {  	_ =	shalt  }
0x65: {  	_ =	shalt  }
0x66: {  	_ =	shalt  }
0x67: {  	_ =	shalt  }
0x68: {  	_ =	shalt  }
0x69: {  	_ =	shalt  }
0x6a: {  	_ =	shalt  }
0x6b: {  	_ =	shalt  }
0x6c: {  	_ =	shalt  }
0x6d: {  	_ =	shalt  }
0x6e: {  	_ =	shalt  }
0x6f: {  	_ =	shalt  }
0x70: {  	_ =	shalt  }
0x71: {  	_ =	shalt  }
0x72: {  	_ =	shalt  }
0x73: {  	_ =	shalt  }
0x74: {  	_ =	shalt  }
0x75: {  	_ =	shalt  }
0x76: {  	_ =	shalt  }
0x77: {  	_ =	shalt  }
0x78: {  	_ =	shalt  }
0x79: {  	_ =	shalt  }
0x7a: {  	_ =	shalt  }
0x7b: {  	_ =	shalt  }
0x7c: {  	_ =	shalt  }
0x7d: {  	_ =	shalt  }
0x7e: {  	_ =	shalt  }
0x7f: {  	_ =	shalt  }
0x80: {  	_ =	shalt  }
0x81: {  	_ =	shalt  }
0x82: {  	_ =	shalt  }
0x83: {  	_ =	shalt  }
0x84: {  	_ =	shalt  }
0x85: {  	_ =	shalt  }
0x86: {  	_ =	shalt  }
0x87: {  	_ =	shalt  }
.Lfunc_end0:
.L_simem_size_0:
called_computation_lowered:
.L_overlay_start_0:
0x88: {  	s2 =	sld [smem:$0x3FD9]  }
0x89: {  	s3 =	sld [smem:$0x3FFE];
	_ =	sdelay $0x1  }
0x8a: {  	s1 =	srdreg.scid  }
0x8b: {  	s0 =	sand.u32 $0x1, s1  }
0x8c: {  	s17 =	sshll.u32 s0, $0xA;
	s2 =	sadd.s32 s3, s2  }
0x8d: {  	s2 =	sadd.s32 s2, s17  }
0x8e: {  	[smem:$0x3FC0] =	sst s2  }
0x8f: {  	_ = 	snop  }
0x90: {  	s2 =	sld [smem:$0x3FC9]  }
0x91: {  	s18 =	sld [smem:$0x3FD0];
	(tm) =	ssettm $0x1  }
0x92: {  	s4 =	sld [smem:$0x3FFB];
	_ =	sdelay $0x3  }
0x93: {  	_ =	strace s4  }
0x94: {  	s4 =	sld [smem:$0x3FFC];
	_ =	sdelay $0x3  }
0x95: {  	_ =	strace s4  }
0x96: {  	s4 =	sld [smem:$0x3FFD];
	_ =	sdelay $0x3  }
0x97: {  	_ =	strace s4  }
0x98: {  	_ =	strace $0x8FFFFFFF  }
0x99: {  	s19 =	sld [smem:$0x3FDB];
	_ =	sdelay $0x1  }
0x9a: {  	s5 =	simm.s32 $_scs_section_size  }
0x9b: {  	s6 =	simm.s32 $_size__tile_overlayer_lowered;
	s7 =	simm.s32 $_tile_overlayer_lowered  }
0x9c: {  	s22 =	simm.s32 $0x1BFF;
	s21 =	sshll.u32 s7, $0x1;
	s4 =	sadd.s32 s5, s19  }
0x9d: {  	s8 =	simm.s32 $0x0;
	s20 =	sshll.u32 s6, $0x1;
	s6 =	sadd.s32 s21, s4  }
0x9e: {  	[timem:s8], [sflag:s22] =	dma.local [hbm:s6], s20  }
0x9f: {  	_ =	swait.ge [sflag:s22], s20  }
0xa0: {  	s5 =	ssub.s32 $0x0, s20;
	[sflag:s22] =	ssyncset.done $0x0  }
0xa1: {  	[sflag:s22] =	ssyncadd.s32 s5;
	_ =	sdelay $0x1  }
0xa2: {  	s23 =	simm.s32 $0x1B8B  }
0xa3: {  	_ =	swait.ge [sflag:s23], $0x1  }
0xa4: {  	[sflag:s23] =	ssyncset.done $0x0  }
0xa5: {  	s25 =	simm.s32 $0x1B8E;
	s24 =	sld [smem:$0x3FFE];
	[sflag:s23] =	ssyncadd.s32 $0xFFFFFFFF  }
0xa6: {  	s26 =	simm.s32 $execute0_lowered;
	[smem:$0x3FD2] =	sst s25  }
0xa7: {  	s6 =	sshll.u32 s26, $0x1;
	_ =	strace $0x80000046;
	[dreg:$0x1] =	wrdreg $0xFFFFFFFF  }
0xa8: {  	s28 =	simm.s32 $_size_execute0_lowered;
	s4 =	sadd.s32 s4, s6;
	[dreg:$0x0] =	wrdreg $0x0  }
0xa9: {  	s6 =	sshll.u32 s28, $0x1;
	[dreg:$0x2] =	wrdreg s4  }
0xaa: {  	[dreg:$0x3] =	wrdreg s6  }
0xab: {  	[dreg:$0x4] =	wrdreg $0xC0  }
0xac: {  	_ =	task [dreg:s8], $0x5FFFF  }
0xad: {  	[dreg:$0x1] =	wrdreg $0xFFFFFFFF  }
0xae: {  	[dreg:$0x0] =	wrdreg $0x60  }
0xaf: {  	[dreg:$0x2] =	wrdreg s2  }
0xb0: {  	[dreg:$0x3] =	wrdreg s24  }
0xb1: {  	[dreg:$0x4] =	wrdreg s18  }
0xb2: {  	[dreg:$0x5] =	wrdreg $0x84000  }
0xb3: {  	[dreg:$0x6] =	wrdreg $0x1C8000  }
0xb4: {  	[dreg:$0x7] =	wrdreg $0x9  }
0xb5: {  	_ =	task.clear_ibuf [dreg:s8], $0x8FFFF;
	_ =	strace $0x90000046  }
0xb6: {  	s29 =	simm.s32 $0x9;
	_ =	strace $0x80000048  }
0xb7: {  	_ =	swait.ge [sflag:s29], $0x1  }
0xb8: {  	[sflag:s29] =	ssyncadd.s32 $0xFFFFFFFF  }
0xb9: {  	_ =	strace $0x90000048  }
0xba: {  	_ =	sfence  }
0xbb: {  	s30 =	sld [smem:$0x0];
	_ =	sdelay $0x2  }
0xbc: {  	s31 =	sshll.u32 s1, $0xD;
	s1 =	sshrl.u32 s1, $0x2  }
0xbd: {  	s3 =	sand.u32 $0x4000, s31;
	s1 =	sadd.s32 s1, s30  }
0xbe: {  	s0 =	sor.u32 s3, s0;
	s1 =	sshll.u32 s1, $0x11  }
0xbf: {  	s0 =	sor.u32 s1, s0  }
0xc0: {  	s0 =	sadd.s32 $0x8F2B, s0  }
0xc1: {  	[sflag:s0] =	ssyncadd.remote.s32 $0x1  }
0xc2: {  	_ =	sfence.sel $0xFFFF  }
0xc3: {  	[dreg:$0x0] =	wrdreg $0xFFFFFFFF;
	(pc) =	sbr.abs _section_cstart, $3  }
0xc4: {  	[dreg:$0x1] =	wrdreg $0xFFFFFFFF  }
0xc5: {  	_ =	task.clear_ibuf [dreg:s8], $0x2FFFF;
	_ =	strace $0x9FFFFFFF  }
0xc6: {  	(tm) =	ssettm $0x7FFFFFFF  }
0xc7: {  	_ =	shalt  }
tec
execute0_lowered:
.L_overlay_start_1:
0x0: {  	(tag) =	ssettag $0x1  }
0x1: {  	s1 =	rddreg [dreg:$0x0]  }
0x2: {  	s0 =	rddreg [dreg:$0x1]  }
0x3: {  	s2 =	rddreg [dreg:$0x2];
	s4 =	srdreg.scid  }
0x4: {  	s18 =	stileid.u32;
	s3 =	rddreg [dreg:$0x3];
	s5 =	simm.s32 $0x0  }
0x5: {  	s28 =	simm.s32 $0x1C000;
	s29 =	simm.s32 $0x100;
	s8 =	smul.u32 $0x13C00, s18  }
0x6: {  	s30 =	simm.s32 $0x200;
	s9 =	sand.u32 $0x1, s4;
	s12 =	smul.u32 $0x278, s18  }
0x7: {  	s4 =	rddreg [dreg:$0x4];
	s11 =	sshll.u32 s18, $0x1;
	s18 =	smul.u32 $0x2780, s18  }
0x8: {  	s31 =	simm.s32 $0x300;
	[smem:$0x7FF] =	sst s5;
	s6 =	smul.u32 $0x13C000, s9  }
0x9: {  	_ =	strace $0x80000047;
	s10 =	ssub.s32 $0x2, s9;
	s11 =	sor.u32 s9, s11  }
0xa: {  	s9 =	smul.u32 $0x27800, s9;
	s25 =	sshrl.u32 s10, $0x1;
	s14 =	sadd.s32 $0x80, s12  }
0xb: {  	s15 =	sadd.s32 $0x100, s12;
	s16 =	sadd.s32 $0x180, s12;
	s12 =	sadd.s32 $0x200, s12  }
0xc: {  	s7 =	sadd.s32 s8, s6;
	s6 =	sadd.s32 $0x1A00, s0;
	s10 =	ssub.s32 s10, s25  }
0xd: {  	s8 =	sadd.s32 s8, s3;
	s13 =	sshll.u32 s14, $0x7;
	s26 =	sshll.u32 s15, $0x7  }
0xe: {  	s17 =	sshll.u32 s16, $0x7;
	s20 =	sshll.u32 s12, $0x7;
	s14 =	sshll.u32 s14, $0x4  }
0xf: {  	s21 =	sshll.u32 s15, $0x4;
	s22 =	sshll.u32 s16, $0x4;
	s12 =	sshll.u32 s12, $0x4  }
0x10: {  	s9 =	sadd.s32 s18, s9;
	s15 =	simm.s32 $0x180;
	s16 =	simm.s32 $0x4  }
0x11: {  	s7 =	sshrl.u32 s7, $0x3;
	s13 =	sadd.s32 s13, s3;
	s19 =	sadd.s32 s17, s3  }
0x12: {  	s14 =	sadd.s32 s14, s4;
	s12 =	sadd.s32 s12, s4;
	[dreg:$0x6] =	wrdreg s13  }
0x13: {  	s9 =	sshrl.u32 s9, $0x3;
	s0 =	sadd.s32 s7, s0;
	[dreg:$0x8] =	wrdreg s19  }
0x14: {  	s7 =	smul.u32 $0x50, s11;
	s13 =	sadd.s32 s26, s3;
	[dreg:$0xa] =	wrdreg s14  }
0x15: {  	s11 =	smul.u32 $0xA00, s11;
	s14 =	sadd.s32 s21, s4;
	[dreg:$0xe] =	wrdreg s12  }
0x16: {  	s25 =	sadd.s32 s2, s9;
	s26 =	smax.u32 s10, $0x1;
	[dreg:$0x7] =	wrdreg s13  }
0x17: {  	s2 =	simm.s32 $0x1;
	s9 =	simm.s32 $0x2;
	[dreg:$0xb] =	wrdreg s14  }
0x18: {  	s10 =	simm.s32 $0x4400;
	s12 =	simm.s32 $0x3;
	[dreg:$0x13] =	wrdreg s25  }
0x19: {  	s19 =	simm.s32 $0x380;
	s13 =	sadd.s32 s20, s3;
	[dreg:$0x14] =	wrdreg s26  }
0x1a: {  	s14 =	sadd.s32 s22, s4;
	s0 =	sadd.s32 $0x15A00, s0;
	[dreg:$0x9] =	wrdreg s13  }
0x1b: {  	s25 =	simm.s32 $0x400;
	s26 =	simm.s32 $0x7;
	[dreg:$0xc] =	wrdreg s14  }
0x1c: {  	s20 =	simm.s32 $0x0;
	s11 =	sadd.s32 s6, s11;
	[dreg:$0x12] =	wrdreg s0  }
0x1d: {  	s13 =	sadd.s32 s18, s4;
	s23 =	sadd.s32 $0x20, s11;
	[dreg:$0xd] =	wrdreg s11  }
0x1e: {  	s0 =	simm.s32 $0x80;
	s24 =	sadd.s32 $0x40, s11;
	[dreg:$0xf] =	wrdreg s23  }
0x1f: {  	s14 =	simm.s32 $0x6;
	s11 =	sadd.s32 $0x60, s11;
	[dreg:$0x10] =	wrdreg s24  }
0x20: {  	v0 =	vimm.f32 $0.0e+00;
	v1 =	vimm.f32 $1.000000000e+00;
	s18 =	simm.s32 $0x280;
	[dreg:$0x11] =	wrdreg s11;
	s11 =	simm.s32 $0x5  }
.LBB2_1:
0x21: {  	s21 =	simm.s32 $0x0;
	s22 =	simm.s32 $0x200  }
.LBB2_2:
0x22: {  	p0 =	sne.s32 s22, $0xFE00;
	[tilespmem:s21+$0x470] =	vst v0  }
0x23: {  	[tilespmem:s21+$0x400] =	vst v0  }
0x24: {  	[tilespmem:s21+$0x410] =	vst v0  }
.Ltmp0:
0x25: {  	[tilespmem:s21+$0x420] =	vst v0;
	(pc) =	sbr.rel @p0 .LBB2_2-.Ltmp0, $4  }
0x26: {  	[tilespmem:s21+$0x430] =	vst v0  }
0x27: {  	[tilespmem:s21+$0x440] =	vst v0  }
0x28: {  	[tilespmem:s21+$0x450] =	vst v0  }
0x29: {  	[tilespmem:s21+$0x460] =	vst v0;
	s21 =	sshra.s32 s22, $0x2;
	s22 =	sadd.s32 $0x200, s22  }
0x2a: {  	[tilespmem:s21+$0x470] =	vst v0  }
0x2b: {  	[tilespmem:s21+$0x400] =	vst v0  }
0x2c: {  	[tilespmem:s21+$0x410] =	vst v0  }
0x2d: {  	[tilespmem:s21+$0x420] =	vst v0  }
0x2e: {  	[tilespmem:s21+$0x430] =	vst v0  }
0x2f: {  	[tilespmem:s21+$0x440] =	vst v0  }
0x30: {  	[tilespmem:s21+$0x450] =	vst v0  }
0x31: {  	[tilespmem:s21+$0x460] =	vst v0  }
0x32: {  	[spmem:s8] =	stream.linear.scatter [tilespmem:s25], [sflag:$0x7], $0x4000, $0x38;
	[tilespmem:$0x1EF80] =	vst v63  }
0x33: {  	_ =	swait.ge [sflag:s26], $0x4000  }
0x34: {  	[sflag:s26] =	ssyncset.done $0x0  }
0x35: {  	s17 =	rddreg [dreg:$0x6];
	[sflag:s26] =	ssyncadd.s32 $0xFFFFC000  }
0x36: {  	[spmem:s17] =	stream.linear.scatter [tilespmem:s25], [sflag:$0x7], $0x4000, $0x38;
	[tilespmem:$0x1EF80] =	vst v63  }
0x37: {  	_ =	swait.ge [sflag:s26], $0x4000  }
0x38: {  	[sflag:s26] =	ssyncset.done $0x0  }
0x39: {  	s22 =	rddreg [dreg:$0x7];
	[sflag:s26] =	ssyncadd.s32 $0xFFFFC000  }
0x3a: {  	[spmem:s22] =	stream.linear.scatter [tilespmem:s25], [sflag:$0x7], $0x4000, $0x38;
	[tilespmem:$0x1EF80] =	vst v63  }
0x3b: {  	_ =	swait.ge [sflag:s26], $0x4000  }
0x3c: {  	[sflag:s26] =	ssyncset.done $0x0  }
0x3d: {  	s23 =	rddreg [dreg:$0x8];
	[sflag:s26] =	ssyncadd.s32 $0xFFFFC000  }
0x3e: {  	[spmem:s23] =	stream.linear.scatter [tilespmem:s25], [sflag:$0x7], $0x4000, $0x38;
	[tilespmem:$0x1EF80] =	vst v63  }
0x3f: {  	_ =	swait.ge [sflag:s26], $0x4000  }
0x40: {  	[sflag:s26] =	ssyncset.done $0x0  }
0x41: {  	s24 =	rddreg [dreg:$0x9];
	[sflag:s26] =	ssyncadd.s32 $0xFFFFC000  }
0x42: {  	[spmem:s24] =	stream.linear.scatter [tilespmem:s25], [sflag:$0x7], $0x3C00, $0x38;
	[tilespmem:$0x1EF80] =	vst v63  }
0x43: {  	_ =	swait.ge [sflag:s26], $0x3C00  }
0x44: {  	[sflag:s26] =	ssyncset.done $0x0  }
0x45: {  	s21 =	simm.s32 $0x40;
	s22 =	simm.s32 $0x0;
	[sflag:s26] =	ssyncadd.s32 $0xFFFFC400  }
.LBB2_4:
0x46: {  	p0 =	sne.s32 s21, $0x1FC0;
	[tilespmem:s22+$0x1C000] =	vst v0;
	s22 =	smov.u32 s21;
	s21 =	sadd.s32 $0x40, s21  }
.Ltmp1:
0x47: {  	(pc) =	sbr.rel @p0 .LBB2_4-.Ltmp1, $2  }
0x48: {  	_ =	sdelay $0x2  }
0x49: {  	s22 =	sshra.s32 s22, $0x2  }
0x4a: {  	[tilespmem:s22+$0x1C000] =	vst v0  }
0x4b: {  	[spmem:s13] =	stream.linear.scatter [tilespmem:s28], [sflag:$0x7], $0x800, $0x38;
	[tilespmem:$0x1EF80] =	vst v63  }
0x4c: {  	_ =	swait.ge [sflag:s26], $0x800  }
0x4d: {  	[sflag:s26] =	ssyncset.done $0x0  }
0x4e: {  	s17 =	rddreg [dreg:$0xa];
	[sflag:s26] =	ssyncadd.s32 $0xFFFFF800  }
0x4f: {  	[spmem:s17] =	stream.linear.scatter [tilespmem:s28], [sflag:$0x7], $0x800, $0x38;
	[tilespmem:$0x1EF80] =	vst v63  }
0x50: {  	_ =	swait.ge [sflag:s26], $0x800  }
0x51: {  	[sflag:s26] =	ssyncset.done $0x0  }
0x52: {  	s22 =	rddreg [dreg:$0xb];
	[sflag:s26] =	ssyncadd.s32 $0xFFFFF800  }
0x53: {  	[spmem:s22] =	stream.linear.scatter [tilespmem:s28], [sflag:$0x7], $0x800, $0x38;
	[tilespmem:$0x1EF80] =	vst v63  }
0x54: {  	_ =	swait.ge [sflag:s26], $0x800  }
0x55: {  	[sflag:s26] =	ssyncset.done $0x0  }
0x56: {  	s23 =	rddreg [dreg:$0xc];
	[sflag:s26] =	ssyncadd.s32 $0xFFFFF800  }
0x57: {  	[spmem:s23] =	stream.linear.scatter [tilespmem:s28], [sflag:$0x7], $0x800, $0x38;
	[tilespmem:$0x1EF80] =	vst v63  }
0x58: {  	_ =	swait.ge [sflag:s26], $0x800  }
0x59: {  	[sflag:s26] =	ssyncset.done $0x0  }
0x5a: {  	s24 =	rddreg [dreg:$0xe];
	[sflag:s26] =	ssyncadd.s32 $0xFFFFF800  }
0x5b: {  	[spmem:s24] =	stream.linear.scatter [tilespmem:s28], [sflag:$0x7], $0x780, $0x38;
	[tilespmem:$0x1EF80] =	vst v63  }
0x5c: {  	_ =	swait.ge [sflag:s26], $0x780  }
0x5d: {  	[sflag:s26] =	ssyncset.done $0x0  }
0x5e: {  	s21 =	simm.s32 $0x40;
	s22 =	simm.s32 $0x0;
	[sflag:s26] =	ssyncadd.s32 $0xFFFFF880  }
.LBB2_6:
0x5f: {  	p0 =	sne.s32 s21, $0x1FC0;
	[tilespmem:s22+$0x1C000] =	vst v1;
	s22 =	smov.u32 s21;
	s21 =	sadd.s32 $0x40, s21  }
.Ltmp2:
0x60: {  	(pc) =	sbr.rel @p0 .LBB2_6-.Ltmp2, $2  }
0x61: {  	_ =	sdelay $0x2  }
0x62: {  	s22 =	sshra.s32 s22, $0x2  }
0x63: {  	[tilespmem:s22+$0x1C000] =	vst v1  }
0x64: {  	[bflag:$0x0] =	sbarrier.arrive $0xFFFF  }
0x65: {  	s17 =	rddreg [dreg:$0xd]  }
0x66: {  	[tilespmem:s5], [sflag:$0x1] =	stream.linear.gather [hbm4b:s17+s5], $0x100, $0x38;
	[tilespmem:$0x1EF80] =	vst v63  }
0x67: {  	s22 =	rddreg [dreg:$0xf]  }
0x68: {  	[tilespmem:s29], [sflag:$0x2] =	stream.linear.gather [hbm4b:s22+s5], $0x100, $0x38;
	[tilespmem:$0x1EF80] =	vst v63  }
0x69: {  	s23 =	rddreg [dreg:$0x10]  }
0x6a: {  	[tilespmem:s30], [sflag:$0x3] =	stream.linear.gather [hbm4b:s23+s5], $0x100, $0x38;
	[tilespmem:$0x1EF80] =	vst v63  }
0x6b: {  	s24 =	rddreg [dreg:$0x11]  }
0x6c: {  	[tilespmem:s31], [sflag:$0x4] =	stream.linear.gather [hbm4b:s24+s5], $0x100, $0x38;
	[tilespmem:$0x1EF80] =	vst v63  }
0x6d: {  	_ =	swait.ge [sflag:s2], $0x100  }
0x6e: {  	[sflag:s2] =	ssyncset.done $0x0  }
0x6f: {  	[sflag:s2] =	ssyncadd.s32 $0xFFFFFF00  }
0x70: {  	[tilespmem:s25], [sflag:$0x5] =	stream.indirect.gather [hbm4b:s1+s0], $0x80, s5, s0, $0xb8;
	[tilespmem:$0x1EF80] =	vst v63  }
0x71: {  	_ =	swait.ge [sflag:s9], $0x100  }
0x72: {  	[sflag:s9] =	ssyncset.done $0x0  }
0x73: {  	[sflag:s9] =	ssyncadd.s32 $0xFFFFFF00  }
0x74: {  	[tilespmem:s10], [sflag:$0x6] =	stream.indirect.gather [hbm4b:s1+s0], $0x80, s29, s0, $0xb8;
	[tilespmem:$0x1EF80] =	vst v63  }
0x75: {  	_ =	swait.ge [sflag:s11], $0x4000  }
0x76: {  	[sflag:s11] =	ssyncset.done $0x0  }
0x77: {  	[sflag:s11] =	ssyncadd.s32 $0xFFFFC000  }
0x78: {  	[spmem:s3] =	stream.indirect.scatter.add.f32 [tilespmem:s25], [sflag:$0x7], $0x80, s0, s0, $0xb8;
	[tilespmem:$0x1EF80] =	vst v63  }
0x79: {  	p0 =	por $0x0, $0x0;
	s21 =	simm.s32 $0x4;
	_ =	swait.ge [sflag:s26], $0x4000  }
0x7a: {  	s21 =	simm.s32 @p0 $0x0;
	[sflag:s26] =	ssyncset.done $0x0  }
0x7b: {  	s21 =	sadd.s32 s7, s21;
	[sflag:s26] =	ssyncadd.s32 $0xFFFFC000  }
0x7c: {  	[spmem:s4] =	stream.indirect.scatter.add.f32 [tilespmem:s28], [sflag:$0x7], $0x10, s0, s0, $0xb8;
	[tilespmem:$0x1EF80] =	vst v63  }
0x7d: {  	s21 =	sshll.u32 s21, $0x5;
	_ =	swait.ge [sflag:s26], $0x800  }
0x7e: {  	s21 =	sand.u32 $0x1FFFFF80, s21;
	[sflag:s26] =	ssyncset.done $0x0  }
0x7f: {  	s21 =	sadd.s32 s6, s21;
	[sflag:s26] =	ssyncadd.s32 $0xFFFFF800  }
0x80: {  	[tilespmem:s5], [sflag:$0x1] =	stream.linear.gather [hbm4b:s21+s5], $0x100, $0x38;
	[tilespmem:$0x1EF80] =	vst v63  }
0x81: {  	_ =	swait.ge [sflag:s12], $0x100  }
0x82: {  	[sflag:s12] =	ssyncset.done $0x0  }
0x83: {  	[sflag:s12] =	ssyncadd.s32 $0xFFFFFF00  }
0x84: {  	[tilespmem:s25], [sflag:$0x5] =	stream.indirect.gather [hbm4b:s1+s0], $0x80, s30, s0, $0xb8;
	[tilespmem:$0x1EF80] =	vst v63  }
0x85: {  	_ =	swait.ge [sflag:s14], $0x4000  }
0x86: {  	[sflag:s14] =	ssyncset.done $0x0  }
0x87: {  	[sflag:s14] =	ssyncadd.s32 $0xFFFFC000  }
0x88: {  	[spmem:s3] =	stream.indirect.scatter.add.f32 [tilespmem:s10], [sflag:$0x7], $0x80, s15, s0, $0xb8;
	[tilespmem:$0x1EF80] =	vst v63  }
0x89: {  	s21 =	simm.s32 $0x5;
	_ =	swait.ge [sflag:s26], $0x4000  }
0x8a: {  	s21 =	simm.s32 @p0 $0x0;
	[sflag:s26] =	ssyncset.done $0x0  }
0x8b: {  	s21 =	sadd.s32 s7, s21;
	[sflag:s26] =	ssyncadd.s32 $0xFFFFC000  }
0x8c: {  	[spmem:s4] =	stream.indirect.scatter.add.f32 [tilespmem:s28], [sflag:$0x7], $0x10, s15, s0, $0xb8;
	[tilespmem:$0x1EF80] =	vst v63  }
0x8d: {  	s21 =	sshll.u32 s21, $0x5;
	_ =	swait.ge [sflag:s26], $0x800  }
0x8e: {  	s21 =	sand.u32 $0x1FFFFFA0, s21;
	[sflag:s26] =	ssyncset.done $0x0  }
0x8f: {  	s21 =	sadd.s32 s6, s21;
	[sflag:s26] =	ssyncadd.s32 $0xFFFFF800  }
0x90: {  	[tilespmem:s29], [sflag:$0x2] =	stream.linear.gather [hbm4b:s21+s5], $0x100, $0x38;
	[tilespmem:$0x1EF80] =	vst v63  }
0x91: {  	_ =	swait.ge [sflag:s16], $0x100  }
0x92: {  	[sflag:s16] =	ssyncset.done $0x0  }
0x93: {  	[sflag:s16] =	ssyncadd.s32 $0xFFFFFF00  }
0x94: {  	[tilespmem:s10], [sflag:$0x6] =	stream.indirect.gather [hbm4b:s1+s0], $0x80, s31, s0, $0xb8;
	[tilespmem:$0x1EF80] =	vst v63  }
0x95: {  	_ =	swait.ge [sflag:s11], $0x4000  }
0x96: {  	[sflag:s11] =	ssyncset.done $0x0  }
0x97: {  	[sflag:s11] =	ssyncadd.s32 $0xFFFFC000  }
0x98: {  	[spmem:s3] =	stream.indirect.scatter.add.f32 [tilespmem:s25], [sflag:$0x7], $0x80, s18, s0, $0xb8;
	[tilespmem:$0x1EF80] =	vst v63  }
0x99: {  	s21 =	simm.s32 $0x6;
	_ =	swait.ge [sflag:s26], $0x4000  }
0x9a: {  	s21 =	simm.s32 @p0 $0x0;
	[sflag:s26] =	ssyncset.done $0x0  }
0x9b: {  	s21 =	sadd.s32 s7, s21;
	[sflag:s26] =	ssyncadd.s32 $0xFFFFC000  }
0x9c: {  	[spmem:s4] =	stream.indirect.scatter.add.f32 [tilespmem:s28], [sflag:$0x7], $0x10, s18, s0, $0xb8;
	[tilespmem:$0x1EF80] =	vst v63  }
0x9d: {  	s21 =	sshll.u32 s21, $0x5;
	_ =	swait.ge [sflag:s26], $0x800  }
0x9e: {  	s21 =	sand.u32 $0x1FFFFFC0, s21;
	[sflag:s26] =	ssyncset.done $0x0  }
0x9f: {  	s21 =	sadd.s32 s6, s21;
	[sflag:s26] =	ssyncadd.s32 $0xFFFFF800  }
0xa0: {  	[tilespmem:s30], [sflag:$0x3] =	stream.linear.gather [hbm4b:s21+s5], $0x100, $0x38;
	[tilespmem:$0x1EF80] =	vst v63  }
0xa1: {  	_ =	swait.ge [sflag:s2], $0x100  }
0xa2: {  	[sflag:s2] =	ssyncset.done $0x0  }
0xa3: {  	[sflag:s2] =	ssyncadd.s32 $0xFFFFFF00  }
0xa4: {  	[tilespmem:s25], [sflag:$0x5] =	stream.indirect.gather [hbm4b:s1+s0], $0x80, s5, s0, $0xb8;
	[tilespmem:$0x1EF80] =	vst v63  }
0xa5: {  	_ =	swait.ge [sflag:s14], $0x4000  }
0xa6: {  	[sflag:s14] =	ssyncset.done $0x0  }
0xa7: {  	[sflag:s14] =	ssyncadd.s32 $0xFFFFC000  }
0xa8: {  	[spmem:s3] =	stream.indirect.scatter.add.f32 [tilespmem:s10], [sflag:$0x7], $0x80, s19, s0, $0xb8;
	[tilespmem:$0x1EF80] =	vst v63  }
0xa9: {  	s21 =	simm.s32 $0x7;
	_ =	swait.ge [sflag:s26], $0x4000  }
0xaa: {  	s21 =	simm.s32 @p0 $0x0;
	[sflag:s26] =	ssyncset.done $0x0  }
0xab: {  	s21 =	sadd.s32 s7, s21;
	[sflag:s26] =	ssyncadd.s32 $0xFFFFC000  }
0xac: {  	[spmem:s4] =	stream.indirect.scatter.add.f32 [tilespmem:s28], [sflag:$0x7], $0x10, s19, s0, $0xb8;
	[tilespmem:$0x1EF80] =	vst v63  }
0xad: {  	s21 =	sshll.u32 s21, $0x5;
	_ =	swait.ge [sflag:s26], $0x800  }
0xae: {  	s21 =	sand.u32 $0x1FFFFFE0, s21;
	[sflag:s26] =	ssyncset.done $0x0  }
0xaf: {  	s21 =	sadd.s32 s6, s21;
	[sflag:s26] =	ssyncadd.s32 $0xFFFFF800  }
0xb0: {  	[tilespmem:s31], [sflag:$0x4] =	stream.linear.gather [hbm4b:s21+s5], $0x100, $0x38;
	[tilespmem:$0x1EF80] =	vst v63  }
0xb1: {  	s21 =	simm.s32 $0xB;
	_ =	swait.ge [sflag:s9], $0x100  }
.LBB2_8:
0xb2: {  	p0 =	sne.s32 s21, $0x53  }
0xb3: {  	[sflag:s9] =	ssyncset.done $0x0;
	s22 =	smov.u32 s21;
	s21 =	sadd.s32 $0x4, s21  }
0xb4: {  	[sflag:s9] =	ssyncadd.s32 $0xFFFFFF00  }
0xb5: {  	[tilespmem:s10], [sflag:$0x6] =	stream.indirect.gather [hbm4b:s1+s0], $0x80, s29, s0, $0xb8;
	[tilespmem:$0x1EF80] =	vst v63  }
0xb6: {  	_ =	swait.ge [sflag:s11], $0x4000  }
0xb7: {  	[sflag:s11] =	ssyncset.done $0x0  }
0xb8: {  	s23 =	sadd.s32 $0xFFFFFFFE, s22;
	s24 =	sadd.s32 $0xFFFFFFFF, s22;
	[sflag:s11] =	ssyncadd.s32 $0xFFFFC000  }
0xb9: {  	[spmem:s3] =	stream.indirect.scatter.add.f32 [tilespmem:s25], [sflag:$0x7], $0x80, s0, s0, $0xb8;
	[tilespmem:$0x1EF80] =	vst v63  }
0xba: {  	p1 =	seq.s32 s22, $0x53;
	s17 =	sadd.s32 $0xFFFFFFFD, s22;
	_ =	swait.ge [sflag:s26], $0x4000  }
0xbb: {  	s17 =	simm.s32 @p1 $0x0;
	s22 =	simm.s32 @p1 $0x0;
	[sflag:s26] =	ssyncset.done $0x0  }
0xbc: {  	s23 =	simm.s32 @p1 $0x0;
	s24 =	simm.s32 @p1 $0x0;
	s17 =	sadd.s32 s7, s17  }
0xbd: {  	s23 =	sadd.s32 s7, s23;
	s17 =	sshll.u32 s17, $0x5;
	[sflag:s26] =	ssyncadd.s32 $0xFFFFC000  }
0xbe: {  	[spmem:s4] =	stream.indirect.scatter.add.f32 [tilespmem:s28], [sflag:$0x7], $0x10, s0, s0, $0xb8;
	[tilespmem:$0x1EF80] =	vst v63  }
0xbf: {  	s24 =	sadd.s32 s7, s24;
	s17 =	sand.u32 $0x1FFFFF80, s17;
	_ =	swait.ge [sflag:s26], $0x800  }
0xc0: {  	s23 =	sshll.u32 s23, $0x5;
	s17 =	sadd.s32 s6, s17;
	[sflag:s26] =	ssyncset.done $0x0  }
0xc1: {  	s22 =	sadd.s32 s7, s22;
	s24 =	sshll.u32 s24, $0x5;
	[sflag:s26] =	ssyncadd.s32 $0xFFFFF800  }
0xc2: {  	[tilespmem:s5], [sflag:$0x1] =	stream.linear.gather [hbm4b:s17+s5], $0x100, $0x38;
	[tilespmem:$0x1EF80] =	vst v63  }
0xc3: {  	s22 =	sshll.u32 s22, $0x5;
	s17 =	sand.u32 $0x1FFFFFA0, s23;
	_ =	swait.ge [sflag:s12], $0x100  }
0xc4: {  	s22 =	sand.u32 $0x1FFFFFE0, s22;
	[sflag:s12] =	ssyncset.done $0x0  }
0xc5: {  	[sflag:s12] =	ssyncadd.s32 $0xFFFFFF00  }
0xc6: {  	[tilespmem:s25], [sflag:$0x5] =	stream.indirect.gather [hbm4b:s1+s0], $0x80, s30, s0, $0xb8;
	[tilespmem:$0x1EF80] =	vst v63  }
0xc7: {  	_ =	swait.ge [sflag:s14], $0x4000  }
0xc8: {  	[sflag:s14] =	ssyncset.done $0x0  }
0xc9: {  	[sflag:s14] =	ssyncadd.s32 $0xFFFFC000  }
0xca: {  	[spmem:s3] =	stream.indirect.scatter.add.f32 [tilespmem:s10], [sflag:$0x7], $0x80, s15, s0, $0xb8;
	[tilespmem:$0x1EF80] =	vst v63  }
0xcb: {  	_ =	swait.ge [sflag:s26], $0x4000  }
0xcc: {  	[sflag:s26] =	ssyncset.done $0x0  }
0xcd: {  	[sflag:s26] =	ssyncadd.s32 $0xFFFFC000  }
0xce: {  	[spmem:s4] =	stream.indirect.scatter.add.f32 [tilespmem:s28], [sflag:$0x7], $0x10, s15, s0, $0xb8;
	[tilespmem:$0x1EF80] =	vst v63  }
0xcf: {  	_ =	swait.ge [sflag:s26], $0x800  }
0xd0: {  	[sflag:s26] =	ssyncset.done $0x0  }
0xd1: {  	s17 =	sadd.s32 s6, s17;
	[sflag:s26] =	ssyncadd.s32 $0xFFFFF800  }
0xd2: {  	[tilespmem:s29], [sflag:$0x2] =	stream.linear.gather [hbm4b:s17+s5], $0x100, $0x38;
	[tilespmem:$0x1EF80] =	vst v63  }
0xd3: {  	_ =	swait.ge [sflag:s16], $0x100  }
0xd4: {  	[sflag:s16] =	ssyncset.done $0x0  }
0xd5: {  	[sflag:s16] =	ssyncadd.s32 $0xFFFFFF00  }
0xd6: {  	[tilespmem:s10], [sflag:$0x6] =	stream.indirect.gather [hbm4b:s1+s0], $0x80, s31, s0, $0xb8;
	[tilespmem:$0x1EF80] =	vst v63  }
0xd7: {  	_ =	swait.ge [sflag:s11], $0x4000  }
0xd8: {  	[sflag:s11] =	ssyncset.done $0x0  }
0xd9: {  	[sflag:s11] =	ssyncadd.s32 $0xFFFFC000  }
0xda: {  	[spmem:s3] =	stream.indirect.scatter.add.f32 [tilespmem:s25], [sflag:$0x7], $0x80, s18, s0, $0xb8;
	[tilespmem:$0x1EF80] =	vst v63  }
0xdb: {  	_ =	swait.ge [sflag:s26], $0x4000  }
0xdc: {  	[sflag:s26] =	ssyncset.done $0x0  }
0xdd: {  	s17 =	sand.u32 $0x1FFFFFC0, s24;
	[sflag:s26] =	ssyncadd.s32 $0xFFFFC000  }
0xde: {  	[spmem:s4] =	stream.indirect.scatter.add.f32 [tilespmem:s28], [sflag:$0x7], $0x10, s18, s0, $0xb8;
	[tilespmem:$0x1EF80] =	vst v63  }
0xdf: {  	s17 =	sadd.s32 s6, s17;
	_ =	swait.ge [sflag:s26], $0x800  }
0xe0: {  	[sflag:s26] =	ssyncset.done $0x0  }
0xe1: {  	[sflag:s26] =	ssyncadd.s32 $0xFFFFF800  }
0xe2: {  	[tilespmem:s30], [sflag:$0x3] =	stream.linear.gather [hbm4b:s17+s5], $0x100, $0x38;
	[tilespmem:$0x1EF80] =	vst v63  }
0xe3: {  	_ =	swait.ge [sflag:s2], $0x100  }
0xe4: {  	[sflag:s2] =	ssyncset.done $0x0  }
0xe5: {  	[sflag:s2] =	ssyncadd.s32 $0xFFFFFF00  }
0xe6: {  	[tilespmem:s25], [sflag:$0x5] =	stream.indirect.gather [hbm4b:s1+s0], $0x80, s5, s0, $0xb8;
	[tilespmem:$0x1EF80] =	vst v63  }
0xe7: {  	_ =	swait.ge [sflag:s14], $0x4000  }
0xe8: {  	[sflag:s14] =	ssyncset.done $0x0  }
0xe9: {  	[sflag:s14] =	ssyncadd.s32 $0xFFFFC000  }
0xea: {  	[spmem:s3] =	stream.indirect.scatter.add.f32 [tilespmem:s10], [sflag:$0x7], $0x80, s19, s0, $0xb8;
	[tilespmem:$0x1EF80] =	vst v63  }
0xeb: {  	_ =	swait.ge [sflag:s26], $0x4000  }
0xec: {  	[sflag:s26] =	ssyncset.done $0x0  }
0xed: {  	[sflag:s26] =	ssyncadd.s32 $0xFFFFC000  }
0xee: {  	[spmem:s4] =	stream.indirect.scatter.add.f32 [tilespmem:s28], [sflag:$0x7], $0x10, s19, s0, $0xb8;
	[tilespmem:$0x1EF80] =	vst v63  }
.Ltmp3:
0xef: {  	_ =	swait.ge [sflag:s26], $0x800;
	(pc) =	sbr.rel @p0 .LBB2_8-.Ltmp3, $4  }
0xf0: {  	[sflag:s26] =	ssyncset.done $0x0  }
0xf1: {  	s17 =	sadd.s32 s6, s22;
	[sflag:s26] =	ssyncadd.s32 $0xFFFFF800  }
0xf2: {  	[tilespmem:s31], [sflag:$0x4] =	stream.linear.gather [hbm4b:s17+s5], $0x100, $0x38;
	[tilespmem:$0x1EF80] =	vst v63  }
0xf3: {  	_ =	swait.ge [sflag:s9], $0x100  }
0xf4: {  	[sflag:s9] =	ssyncset.done $0x0  }
0xf5: {  	[sflag:s9] =	ssyncadd.s32 $0xFFFFFF00  }
0xf6: {  	[tilespmem:s10], [sflag:$0x6] =	stream.indirect.gather [hbm4b:s1+s0], $0x80, s29, s0, $0xb8;
	[tilespmem:$0x1EF80] =	vst v63  }
0xf7: {  	_ =	swait.ge [sflag:s11], $0x4000  }
0xf8: {  	[sflag:s11] =	ssyncset.done $0x0  }
0xf9: {  	[sflag:s11] =	ssyncadd.s32 $0xFFFFC000  }
0xfa: {  	_ =	swait.ge [sflag:s14], $0x4000  }
0xfb: {  	[sflag:s14] =	ssyncset.done $0x0  }
0xfc: {  	[sflag:s14] =	ssyncadd.s32 $0xFFFFC000  }
0xfd: {  	_ =	swait.ge [sflag:s12], $0x100  }
0xfe: {  	[sflag:s12] =	ssyncset.done $0x0  }
0xff: {  	[sflag:s12] =	ssyncadd.s32 $0xFFFFFF00  }
0x100: {  	_ =	swait.ge [sflag:s16], $0x100  }
0x101: {  	[sflag:s16] =	ssyncset.done $0x0  }
0x102: {  	s17 =	stileid.u32;
	[sflag:s16] =	ssyncadd.s32 $0xFFFFFF00  }
0x103: {  	s17 =	sshll.u32 s17, $0x6;
	[bflag:$0x0] =	sbarrier.arrive $0xFFFF  }
0x104: {  	s21 =	sshrl.u32 s8, $0x3;
	s17 =	sor.u32 $0x1C07, s17;
	s22 =	rddreg [dreg:$0x12]  }
0x105: {  	[hbm:s22], [sflag:s17] =	dma.local [spmem:s21], $0x2780  }
0x106: {  	_ =	swait.ge [sflag:s26], $0x2780  }
0x107: {  	[sflag:s26] =	ssyncset.done $0x0  }
0x108: {  	s22 =	sshrl.u32 s13, $0x3;
	s23 =	rddreg [dreg:$0x13];
	[sflag:s26] =	ssyncadd.s32 $0xFFFFD880  }
0x109: {  	[hbm:s23], [sflag:s17] =	dma.local [spmem:s22], $0x4F0  }
0x10a: {  	_ =	swait.ge [sflag:s26], $0x4F0  }
0x10b: {  	s20 =	sadd.s32 $0x1, s20;
	s24 =	rddreg [dreg:$0x14]  }
0x10c: {  	p0 =	sne.s32 s20, s24  }
.Ltmp4:
0x10d: {  	_ = 	snop;
	(pc) =	sbr.rel @p0 .LBB2_1-.Ltmp4, $3  }
0x10e: {  	_ =	sdelay $0x1  }
0x10f: {  	[sflag:s26] =	ssyncset.done $0x0  }
0x110: {  	[sflag:s26] =	ssyncadd.s32 $0xFFFFFB10  }
0x111: {  	_ =	sfence.sel $0x180000  }
0x112: {  	[bflag:$0x0] =	sbarrier.arrive $0xFFFF  }
0x113: {  	_ =	strace $0x90000047  }
0x114: {  	s0 =	stileid.u32;
	[bflag:$0x2] =	sbarrier.arrive $0xFFFF  }
0x115: {  	p0 =	sne.s32 s0, $0x0;
	s0 =	rddreg [dreg:$0x5]  }
0x116: {  	s0 =	sadd.s32 @!p0 $0x100000, s0  }
0x117: {  	[sflag:s0] =	ssyncadd.tile.s32 @!p0 $0x1;
	_ =	shalt  }
.Lfunc_end2:
_tile_overlayer_lowered:
.L_overlay_start_2:
0x118: {  	(tag) =	ssettag $0x2  }
0x119: {  	s0 =	rddreg [dreg:$0x0];
	s2 =	stileid.u32  }
0x11a: {  	s1 =	rddreg [dreg:$0x1];
	p0 =	sne.s32 s2, $0x0  }
0x11b: {  	s3 =	rddreg [dreg:$0x2];
	[bflag:$0x3] =	sbarrier.arrive $0xFFFF;
	s2 =	simm.s32 @!p0 $0x1C07  }
0x11c: {  	[timem:s3], [sflag:s2] =	dma.local @!p0 [hbm:s0], s1  }
0x11d: {  	s0 =	simm.s32 @!p0 $0x7  }
0x11e: {  	_ =	swait.ge @!p0 [sflag:s0], s1  }
0x11f: {  	s1 =	ssub.s32 @!p0 $0x0, s1;
	[sflag:s0] =	ssyncset.done @!p0 $0x0  }
0x120: {  	[sflag:s0] =	ssyncadd.s32 @!p0 s1  }
0x121: {  	[bflag:$0x3] =	sbarrier.arrive $0xFFFF  }
0x122: {  	_ =	shalt  }

// kernel: kernel.9.cloned.1.call-start
scs
__scs_entry_jumppad:
0x0: {  	(pc) =	sbr.rel $0x88, $3  }
0x1: {  	(tag) =	ssettag $0x0;
	lr =	simm.s32 $0x1  }
0x2: {  	[smem:$0x3F99] =	sst lr;
	_ =	strace $0xD0000000  }
0x3: {  	_ = 	snop  }
0x4: {  	_ = 	snop  }
0x5: {  	_ = 	snop  }
0x6: {  	_ = 	snop  }
0x7: {  	_ = 	snop  }
__scs_overlays_trampoline_lowered:
0x8: {  	[smem:$0x3FA8] =	sst s0  }
0x9: {  	[smem:$0x3FA9] =	sst s1  }
0xa: {  	[smem:$0x3FAA] =	sst s2  }
0xb: {  	[smem:$0x3FAB] =	sst s3  }
0xc: {  	[smem:$0x3FAC] =	sst s4  }
0xd: {  	[smem:$0x3FAD] =	sst s5  }
0xe: {  	[smem:$0x3FAE] =	sst s6  }
0xf: {  	[smem:$0x3FAF] =	sst s7  }
0x10: {  	[smem:$0x3FB0] =	sst s8  }
0x11: {  	[smem:$0x3FB1] =	sst s9;
	s0 =	simm.s32 @!p0 $0x0  }
0x12: {  	s1 =	sld [smem:$0x3F97];
	s0 =	simm.s32 @p0 $0x1  }
0x13: {  	[smem:$0x3FB2] =	sst s0;
	s0 =	simm.s32 @!p1 $0x0  }
0x14: {  	s2 =	sld [smem:$0x3F96];
	s0 =	simm.s32 @p1 $0x1  }
0x15: {  	[smem:$0x3FB3] =	sst s0;
	s0 =	simm.s32 @!p2 $0x0  }
0x16: {  	s3 =	sld [smem:$0x3FDB];
	s0 =	simm.s32 @p2 $0x1  }
0x17: {  	s4 =	simm.s32 $0x1BF5;
	[smem:$0x3FB5] =	sst s0  }
0x18: {  	s0 =	sld [smem:$0x3F98];
	_ =	swait.ge [sflag:s4], $0x0  }
0x19: {  	s7 =	sld [smem:$0x3F99]  }
0x1a: {  	s8 =	sadd.s32 $0xFFFFE003, lr  }
0x1b: {  	s9 =	sadd.s32 $0xFFFFFEF7, lr;
	s5 =	simm.s32 $0xFFFFFFFF;
	p2 =	slt.u32 s8, $0xFFFFF086  }
0x1c: {  	p1 =	slt.u32 s9, $0xF7A;
	s5 =	simm.s32 @!p2 $0x0  }
0x1d: {  	s5 =	simm.s32 @p1 $0x1;
	p0 =	seq.s32 s7, s2  }
0x1e: {  	s7 =	smul.u32 @!p0 $0xF7A, s2;
	p2 =	seq.s32 @!p0 s5, $0x0  }
0x1f: {  	s9 =	smul.u32 $0xF7A, s1;
	s8 =	simm.s32 @!p0 $0x1BF5;
	p2 =	por !p2, p0  }
0x20: {  	[sflag:s8] =	ssyncset.s32 @!p0 $0xFFFFF086;
	s6 =	sadd.s32 @!p0 s3, s7;
	s7 =	simm.s32 @!p0 $0x108  }
0x21: {  	s3 =	sadd.s32 s3, s9;
	s6 =	sadd.s32 @!p0 $0x88, s6;
	s7 =	simm.s32 @p2 $0x1082  }
0x22: {  	[simem:s7], [sflag:s8] =	dma.local @!p0 [hbm:s6], $0xF7A  }
0x23: {  	s9 =	sor.u32 $0xD0000000, s2;
	s6 =	simm.s32 $0x108;
	_ =	swait.ge @!p0 [sflag:s8], $0x0  }
0x24: {  	s3 =	sadd.s32 $0x88, s3;
	s6 =	simm.s32 @!p1 $0x1082;
	[sflag:s4] =	ssyncset.s32 $0xFFFFF086  }
0x25: {  	[simem:s6], [sflag:s4] =	dma.local [hbm:s3], $0xF7A  }
0x26: {  	[smem:$0x3F99] =	sst s1;
	(tag) =	ssettag s2;
	_ =	strace s9  }
0x27: {  	s1 =	sld [smem:$0x3FA9]  }
0x28: {  	s2 =	sld [smem:$0x3FAA]  }
0x29: {  	s4 =	sld [smem:$0x3FAC]  }
0x2a: {  	p0 =	seq.s32 s5, $0x0;
	s5 =	sld [smem:$0x3FAD]  }
0x2b: {  	s6 =	sld [smem:$0x3FAE]  }
0x2c: {  	s7 =	sld [smem:$0x3FAF]  }
0x2d: {  	s3 =	simm.s32 $0x108;
	s8 =	sld [smem:$0x3FB0]  }
0x2e: {  	s3 =	simm.s32 @!p0 $0x1082;
	s9 =	sld [smem:$0x3FB1]  }
0x2f: {  	lr =	sadd.s32 s0, s3;
	s0 =	sld [smem:$0x3FA8]  }
0x30: {  	s3 =	sld [smem:$0x3FAB]  }
0x31: {  	[smem:$0x3FB4] =	sst s10  }
0x32: {  	s10 =	sld [smem:$0x3FB2];
	_ =	sdelay $0x3  }
0x33: {  	p0 =	seq.s32 s10, $0x1;
	s10 =	sld [smem:$0x3FB4];
	_ =	sdelay $0x3  }
0x34: {  	[smem:$0x3FB4] =	sst s10  }
0x35: {  	s10 =	sld [smem:$0x3FB3];
	_ =	sdelay $0x3  }
0x36: {  	p1 =	seq.s32 s10, $0x1;
	s10 =	sld [smem:$0x3FB4];
	_ =	sdelay $0x3  }
0x37: {  	[smem:$0x3FB4] =	sst s10  }
0x38: {  	s10 =	sld [smem:$0x3FB5]  }
0x39: {  	_ = 	snop;
	(pc) =	sbr.ind lr, $3  }
0x3a: {  	_ = 	snop  }
0x3b: {  	_ = 	snop  }
0x3c: {  	p2 =	seq.s32 s10, $0x1;
	s10 =	sld [smem:$0x3FB4]  }
0x3d: {  	_ =	shalt  }
0x3e: {  	_ =	shalt  }
0x3f: {  	_ =	shalt  }
0x40: {  	_ =	shalt  }
0x41: {  	_ =	shalt  }
0x42: {  	_ =	shalt  }
0x43: {  	_ =	shalt  }
0x44: {  	_ =	shalt  }
0x45: {  	_ =	shalt  }
0x46: {  	_ =	shalt  }
0x47: {  	_ =	shalt  }
0x48: {  	_ =	shalt  }
0x49: {  	_ =	shalt  }
0x4a: {  	_ =	shalt  }
0x4b: {  	_ =	shalt  }
0x4c: {  	_ =	shalt  }
0x4d: {  	_ =	shalt  }
0x4e: {  	_ =	shalt  }
0x4f: {  	_ =	shalt  }
0x50: {  	_ =	shalt  }
0x51: {  	_ =	shalt  }
0x52: {  	_ =	shalt  }
0x53: {  	_ =	shalt  }
0x54: {  	_ =	shalt  }
0x55: {  	_ =	shalt  }
0x56: {  	_ =	shalt  }
0x57: {  	_ =	shalt  }
0x58: {  	_ =	shalt  }
0x59: {  	_ =	shalt  }
0x5a: {  	_ =	shalt  }
0x5b: {  	_ =	shalt  }
0x5c: {  	_ =	shalt  }
0x5d: {  	_ =	shalt  }
0x5e: {  	_ =	shalt  }
0x5f: {  	_ =	shalt  }
0x60: {  	_ =	shalt  }
0x61: {  	_ =	shalt  }
0x62: {  	_ =	shalt  }
0x63: {  	_ =	shalt  }
0x64: {  	_ =	shalt  }
0x65: {  	_ =	shalt  }
0x66: {  	_ =	shalt  }
0x67: {  	_ =	shalt  }
0x68: {  	_ =	shalt  }
0x69: {  	_ =	shalt  }
0x6a: {  	_ =	shalt  }
0x6b: {  	_ =	shalt  }
0x6c: {  	_ =	shalt  }
0x6d: {  	_ =	shalt  }
0x6e: {  	_ =	shalt  }
0x6f: {  	_ =	shalt  }
0x70: {  	_ =	shalt  }
0x71: {  	_ =	shalt  }
0x72: {  	_ =	shalt  }
0x73: {  	_ =	shalt  }
0x74: {  	_ =	shalt  }
0x75: {  	_ =	shalt  }
0x76: {  	_ =	shalt  }
0x77: {  	_ =	shalt  }
0x78: {  	_ =	shalt  }
0x79: {  	_ =	shalt  }
0x7a: {  	_ =	shalt  }
0x7b: {  	_ =	shalt  }
0x7c: {  	_ =	shalt  }
0x7d: {  	_ =	shalt  }
0x7e: {  	_ =	shalt  }
0x7f: {  	_ =	shalt  }
0x80: {  	_ =	shalt  }
0x81: {  	_ =	shalt  }
0x82: {  	_ =	shalt  }
0x83: {  	_ =	shalt  }
0x84: {  	_ =	shalt  }
0x85: {  	_ =	shalt  }
0x86: {  	_ =	shalt  }
0x87: {  	_ =	shalt  }
.Lfunc_end0:
.L_simem_size_0:
called_computation.1_lowered:
.L_overlay_start_0:
0x88: {  	s2 =	sld [smem:$0x3FD9]  }
0x89: {  	s3 =	sld [smem:$0x3FFE];
	_ =	sdelay $0x1  }
0x8a: {  	s1 =	srdreg.scid  }
0x8b: {  	s0 =	sand.u32 $0x1, s1  }
0x8c: {  	s16 =	sshll.u32 s0, $0xA;
	s2 =	sadd.s32 s3, s2  }
0x8d: {  	s2 =	sadd.s32 s2, s16  }
0x8e: {  	[smem:$0x3FC0] =	sst s2  }
0x8f: {  	_ = 	snop  }
0x90: {  	(tm) =	ssettm $0x1  }
0x91: {  	s17 =	sld [smem:$0x3FFB];
	_ =	sdelay $0x3  }
0x92: {  	_ =	strace s17  }
0x93: {  	s2 =	sld [smem:$0x3FFC];
	_ =	sdelay $0x3  }
0x94: {  	_ =	strace s2  }
0x95: {  	s2 =	sld [smem:$0x3FFD];
	_ =	sdelay $0x3  }
0x96: {  	_ =	strace s2  }
0x97: {  	_ =	strace $0x8FFFFFFF  }
0x98: {  	s18 =	sld [smem:$0x3FDB];
	_ =	sdelay $0x1  }
0x99: {  	s19 =	simm.s32 $_scs_section_size  }
0x9a: {  	s4 =	simm.s32 $_size__tile_overlayer_lowered;
	s5 =	simm.s32 $_tile_overlayer_lowered  }
0x9b: {  	s22 =	simm.s32 $0x1BFF;
	s21 =	sshll.u32 s5, $0x1;
	s2 =	sadd.s32 s19, s18  }
0x9c: {  	s6 =	simm.s32 $0x0;
	s20 =	sshll.u32 s4, $0x1;
	s4 =	sadd.s32 s21, s2  }
0x9d: {  	[timem:s6], [sflag:s22] =	dma.local [hbm:s4], s20  }
0x9e: {  	_ =	swait.ge [sflag:s22], s20  }
0x9f: {  	s3 =	ssub.s32 $0x0, s20;
	[sflag:s22] =	ssyncset.done $0x0  }
0xa0: {  	[sflag:s22] =	ssyncadd.s32 s3;
	_ =	sdelay $0x1  }
0xa1: {  	s23 =	simm.s32 $0x1B8B  }
0xa2: {  	_ =	swait.ge [sflag:s23], $0x1  }
0xa3: {  	[sflag:s23] =	ssyncset.done $0x0  }
0xa4: {  	s25 =	simm.s32 $0x1B8E;
	s24 =	sld [smem:$0x3FFE];
	[sflag:s23] =	ssyncadd.s32 $0xFFFFFFFF  }
0xa5: {  	s26 =	simm.s32 $execute0_lowered;
	[smem:$0x3FD2] =	sst s25  }
0xa6: {  	s4 =	sshll.u32 s26, $0x1;
	_ =	strace $0x80000049;
	[dreg:$0x1] =	wrdreg $0xFFFFFFFF  }
0xa7: {  	s28 =	simm.s32 $_size_execute0_lowered;
	s2 =	sadd.s32 s2, s4;
	[dreg:$0x0] =	wrdreg $0x0  }
0xa8: {  	s4 =	sshll.u32 s28, $0x1;
	[dreg:$0x2] =	wrdreg s2  }
0xa9: {  	[dreg:$0x3] =	wrdreg s4  }
0xaa: {  	[dreg:$0x4] =	wrdreg $0xC0  }
0xab: {  	_ =	task [dreg:s6], $0x5FFFF  }
0xac: {  	[dreg:$0x1] =	wrdreg $0xFFFFFFFF  }
0xad: {  	[dreg:$0x0] =	wrdreg $0x60  }
0xae: {  	[dreg:$0x2] =	wrdreg s24  }
0xaf: {  	[dreg:$0x3] =	wrdreg $0x34000  }
0xb0: {  	[dreg:$0x4] =	wrdreg $0x9  }
0xb1: {  	_ =	task.clear_ibuf [dreg:s6], $0x5FFFF;
	_ =	strace $0x90000049  }
0xb2: {  	s29 =	simm.s32 $0x9;
	_ =	strace $0x8000004B  }
0xb3: {  	_ =	swait.ge [sflag:s29], $0x1  }
0xb4: {  	[sflag:s29] =	ssyncadd.s32 $0xFFFFFFFF  }
0xb5: {  	_ =	strace $0x9000004B  }
0xb6: {  	_ =	sfence  }
0xb7: {  	s30 =	sld [smem:$0x0];
	_ =	sdelay $0x2  }
0xb8: {  	s31 =	sshll.u32 s1, $0xD;
	s1 =	sshrl.u32 s1, $0x2  }
0xb9: {  	s3 =	sand.u32 $0x4000, s31;
	s1 =	sadd.s32 s1, s30  }
0xba: {  	s0 =	sor.u32 s3, s0;
	s1 =	sshll.u32 s1, $0x11  }
0xbb: {  	s0 =	sor.u32 s1, s0  }
0xbc: {  	s0 =	sadd.s32 $0x8F2B, s0  }
0xbd: {  	[sflag:s0] =	ssyncadd.remote.s32 $0x1  }
0xbe: {  	_ =	sfence.sel $0xFFFF  }
0xbf: {  	[dreg:$0x0] =	wrdreg $0xFFFFFFFF;
	(pc) =	sbr.abs _section_cstart, $3  }
0xc0: {  	[dreg:$0x1] =	wrdreg $0xFFFFFFFF  }
0xc1: {  	_ =	task.clear_ibuf [dreg:s6], $0x2FFFF;
	_ =	strace $0x9FFFFFFF  }
0xc2: {  	(tm) =	ssettm $0x7FFFFFFF  }
0xc3: {  	_ =	shalt  }
tec
execute0_lowered:
.L_overlay_start_1:
0x0: {  	(tag) =	ssettag $0x1  }
0x1: {  	s0 =	rddreg [dreg:$0x0]  }
0x2: {  	s1 =	srdreg.scid;
	s10 =	stileid.u32  }
0x3: {  	s2 =	rddreg [dreg:$0x1];
	s3 =	simm.s32 $0x0;
	s24 =	simm.s32 $0x180  }
0x4: {  	s25 =	simm.s32 $0x280;
	s26 =	simm.s32 $0x380;
	s28 =	simm.s32 $0x7  }
0x5: {  	s29 =	simm.s32 $0x3;
	s30 =	simm.s32 $0x6;
	s31 =	simm.s32 $0x4  }
0x6: {  	s1 =	sand.u32 $0x1, s1;
	s7 =	smul.u32 $0x7680, s10;
	[smem:$0x7FF] =	sst s3  }
0x7: {  	s5 =	sadd.s32 $0x1A00, s0;
	s9 =	sshll.u32 s10, $0x1;
	s10 =	smul.u32 $0x1DA00, s10  }
0x8: {  	s4 =	smul.u32 $0x76800, s1;
	_ =	strace $0x8000004A;
	[dreg:$0x3] =	wrdreg s24  }
0x9: {  	s8 =	ssub.s32 $0x2, s1;
	s1 =	sor.u32 s1, s9;
	[dreg:$0x4] =	wrdreg s25  }
0xa: {  	s24 =	simm.s32 $0x2;
	[dreg:$0x5] =	wrdreg s26;
	s25 =	simm.s32 $0x1C00  }
0xb: {  	s26 =	simm.s32 $0x5;
	s18 =	sshrl.u32 s8, $0x1;
	s19 =	sshrl.u32 s10, $0x2  }
0xc: {  	s20 =	smul.u32 $0xA00, s1;
	s6 =	sadd.s32 s7, s4;
	s4 =	sadd.s32 $0x15A00, s0  }
0xd: {  	s8 =	ssub.s32 s8, s18;
	s7 =	sadd.s32 s7, s2;
	s21 =	sadd.s32 s19, s2  }
0xe: {  	s18 =	simm.s32 $0x400;
	s19 =	simm.s32 $0x100;
	s6 =	sshrl.u32 s6, $0x3  }
0xf: {  	s9 =	sadd.s32 $0x1800, s21;
	s22 =	sadd.s32 $0x3000, s21;
	s10 =	sadd.s32 s5, s20  }
0x10: {  	s23 =	sadd.s32 $0x4800, s21;
	s17 =	smax.u32 s8, $0x1;
	[dreg:$0x6] =	wrdreg s9  }
0x11: {  	s20 =	simm.s32 $0x200;
	s0 =	sadd.s32 s6, s0;
	[dreg:$0x7] =	wrdreg s22  }
0x12: {  	s6 =	smul.u32 $0x50, s1;
	[dreg:$0x8] =	wrdreg s23;
	s1 =	sadd.s32 $0x6000, s21  }
0x13: {  	s13 =	sadd.s32 $0x20, s10;
	s14 =	sadd.s32 $0x40, s10;
	s15 =	sadd.s32 $0x60, s10  }
0x14: {  	s21 =	simm.s32 $0x300;
	s22 =	simm.s32 $0x1;
	s23 =	simm.s32 $0x80  }
0x15: {  	v0 =	vimm.f32 $0.0e+00;
	[dreg:$0x9] =	wrdreg s1;
	s16 =	sadd.s32 $0x24600, s0;
	s1 =	simm.s32 $0x0  }
.LBB2_1:
0x16: {  	s0 =	simm.s32 $0xC0;
	s8 =	simm.s32 $0x0  }
.LBB2_2:
0x17: {  	p0 =	sne.s32 s0, $0x5F40;
	[tilespmem:s8+$0x420] =	vst v0;
	s9 =	smov.u32 s0;
	s0 =	sadd.s32 $0xC0, s0  }
.Ltmp0:
0x18: {  	[tilespmem:s8+$0x400] =	vst v0;
	(pc) =	sbr.rel @p0 .LBB2_2-.Ltmp0, $2  }
0x19: {  	[tilespmem:s8+$0x410] =	vst v0;
	_ =	sdelay $0x2  }
0x1a: {  	s8 =	sshra.s32 s9, $0x2  }
0x1b: {  	[tilespmem:s8+$0x420] =	vst v0  }
0x1c: {  	[tilespmem:s8+$0x400] =	vst v0  }
0x1d: {  	[tilespmem:s8+$0x410] =	vst v0;
	s0 =	simm.s32 $0x7  }
0x1e: {  	[spmem:s7] =	stream.linear.scatter [tilespmem:s18], [sflag:$0x7], $0x1800, $0x38;
	[tilespmem:$0xAA80] =	vst v63  }
0x1f: {  	_ =	swait.ge [sflag:s0], $0x1800  }
0x20: {  	[sflag:s0] =	ssyncset.done $0x0  }
0x21: {  	s12 =	rddreg [dreg:$0x6];
	[sflag:s0] =	ssyncadd.s32 $0xFFFFE800  }
0x22: {  	[spmem:s12] =	stream.linear.scatter [tilespmem:s18], [sflag:$0x7], $0x1800, $0x38;
	[tilespmem:$0xAA80] =	vst v63  }
0x23: {  	_ =	swait.ge [sflag:s0], $0x1800  }
0x24: {  	[sflag:s0] =	ssyncset.done $0x0  }
0x25: {  	s9 =	rddreg [dreg:$0x7];
	[sflag:s0] =	ssyncadd.s32 $0xFFFFE800  }
0x26: {  	[spmem:s9] =	stream.linear.scatter [tilespmem:s18], [sflag:$0x7], $0x1800, $0x38;
	[tilespmem:$0xAA80] =	vst v63  }
0x27: {  	_ =	swait.ge [sflag:s0], $0x1800  }
0x28: {  	[sflag:s0] =	ssyncset.done $0x0  }
0x29: {  	s11 =	rddreg [dreg:$0x8];
	[sflag:s0] =	ssyncadd.s32 $0xFFFFE800  }
0x2a: {  	[spmem:s11] =	stream.linear.scatter [tilespmem:s18], [sflag:$0x7], $0x1800, $0x38;
	[tilespmem:$0xAA80] =	vst v63  }
0x2b: {  	_ =	swait.ge [sflag:s0], $0x1800  }
0x2c: {  	[sflag:s0] =	ssyncset.done $0x0  }
0x2d: {  	s12 =	rddreg [dreg:$0x9];
	[sflag:s0] =	ssyncadd.s32 $0xFFFFE800  }
0x2e: {  	[spmem:s12] =	stream.linear.scatter [tilespmem:s18], [sflag:$0x7], $0x1680, $0x38;
	[tilespmem:$0xAA80] =	vst v63  }
0x2f: {  	_ =	swait.ge [sflag:s0], $0x1680  }
0x30: {  	[sflag:s0] =	ssyncset.done $0x0  }
0x31: {  	[sflag:s0] =	ssyncadd.s32 $0xFFFFE980  }
0x32: {  	[bflag:$0x0] =	sbarrier.arrive $0xFFFF  }
0x33: {  	[tilespmem:s3], [sflag:$0x1] =	stream.linear.gather [hbm4b:s10+s3], $0x100, $0x38;
	[tilespmem:$0xAA80] =	vst v63  }
0x34: {  	_ = 	snop  }
0x35: {  	[tilespmem:s19], [sflag:$0x2] =	stream.linear.gather [hbm4b:s13+s3], $0x100, $0x38;
	[tilespmem:$0xAA80] =	vst v63  }
0x36: {  	_ = 	snop  }
0x37: {  	[tilespmem:s20], [sflag:$0x3] =	stream.linear.gather [hbm4b:s14+s3], $0x100, $0x38;
	[tilespmem:$0xAA80] =	vst v63  }
0x38: {  	_ = 	snop  }
0x39: {  	[tilespmem:s21], [sflag:$0x4] =	stream.linear.gather [hbm4b:s15+s3], $0x100, $0x38;
	[tilespmem:$0xAA80] =	vst v63  }
0x3a: {  	_ =	swait.ge [sflag:s22], $0x100  }
0x3b: {  	[sflag:s22] =	ssyncset.done $0x0  }
0x3c: {  	[sflag:s22] =	ssyncadd.s32 $0xFFFFFF00  }
0x3d: {  	[tilespmem:s18], [sflag:$0x5] =	stream.indirect.gather [hbm4b:s4+s23], $0x30, s3, s23, $0xb8;
	[tilespmem:$0xAA80] =	vst v63  }
0x3e: {  	_ =	swait.ge [sflag:s24], $0x100  }
0x3f: {  	[sflag:s24] =	ssyncset.done $0x0  }
0x40: {  	[sflag:s24] =	ssyncadd.s32 $0xFFFFFF00  }
0x41: {  	[tilespmem:s25], [sflag:$0x6] =	stream.indirect.gather [hbm4b:s4+s23], $0x30, s19, s23, $0xb8;
	[tilespmem:$0xAA80] =	vst v63  }
0x42: {  	p0 =	por $0x0, $0x0;
	s8 =	simm.s32 $0x4;
	_ =	swait.ge [sflag:s26], $0x1800  }
0x43: {  	s8 =	simm.s32 @p0 $0x0;
	[sflag:s26] =	ssyncset.done $0x0  }
0x44: {  	s8 =	sadd.s32 s6, s8;
	[sflag:s26] =	ssyncadd.s32 $0xFFFFE800  }
0x45: {  	[spmem:s2] =	stream.indirect.scatter.add.f32 [tilespmem:s18], [sflag:$0x7], $0x30, s23, s23, $0xb8;
	[tilespmem:$0xAA80] =	vst v63  }
0x46: {  	s8 =	sshll.u32 s8, $0x5;
	_ =	swait.ge [sflag:s28], $0x1800  }
0x47: {  	s8 =	sand.u32 $0x1FFFFF80, s8;
	[sflag:s28] =	ssyncset.done $0x0  }
0x48: {  	s8 =	sadd.s32 s5, s8;
	[sflag:s28] =	ssyncadd.s32 $0xFFFFE800  }
0x49: {  	[tilespmem:s3], [sflag:$0x1] =	stream.linear.gather [hbm4b:s8+s3], $0x100, $0x38;
	[tilespmem:$0xAA80] =	vst v63  }
0x4a: {  	_ =	swait.ge [sflag:s29], $0x100  }
0x4b: {  	[sflag:s29] =	ssyncset.done $0x0  }
0x4c: {  	[sflag:s29] =	ssyncadd.s32 $0xFFFFFF00  }
0x4d: {  	[tilespmem:s18], [sflag:$0x5] =	stream.indirect.gather [hbm4b:s4+s23], $0x30, s20, s23, $0xb8;
	[tilespmem:$0xAA80] =	vst v63  }
0x4e: {  	s8 =	simm.s32 $0x5;
	_ =	swait.ge [sflag:s30], $0x1800  }
0x4f: {  	s8 =	simm.s32 @p0 $0x0;
	[sflag:s30] =	ssyncset.done $0x0  }
0x50: {  	s8 =	sadd.s32 s6, s8;
	s9 =	rddreg [dreg:$0x3];
	[sflag:s30] =	ssyncadd.s32 $0xFFFFE800  }
0x51: {  	[spmem:s2] =	stream.indirect.scatter.add.f32 [tilespmem:s25], [sflag:$0x7], $0x30, s9, s23, $0xb8;
	[tilespmem:$0xAA80] =	vst v63  }
0x52: {  	s8 =	sshll.u32 s8, $0x5;
	_ =	swait.ge [sflag:s28], $0x1800  }
0x53: {  	s8 =	sand.u32 $0x1FFFFFA0, s8;
	[sflag:s28] =	ssyncset.done $0x0  }
0x54: {  	s8 =	sadd.s32 s5, s8;
	[sflag:s28] =	ssyncadd.s32 $0xFFFFE800  }
0x55: {  	[tilespmem:s19], [sflag:$0x2] =	stream.linear.gather [hbm4b:s8+s3], $0x100, $0x38;
	[tilespmem:$0xAA80] =	vst v63  }
0x56: {  	_ =	swait.ge [sflag:s31], $0x100  }
0x57: {  	[sflag:s31] =	ssyncset.done $0x0  }
0x58: {  	[sflag:s31] =	ssyncadd.s32 $0xFFFFFF00  }
0x59: {  	[tilespmem:s25], [sflag:$0x6] =	stream.indirect.gather [hbm4b:s4+s23], $0x30, s21, s23, $0xb8;
	[tilespmem:$0xAA80] =	vst v63  }
0x5a: {  	s8 =	simm.s32 $0x6;
	_ =	swait.ge [sflag:s26], $0x1800  }
0x5b: {  	s8 =	simm.s32 @p0 $0x0;
	[sflag:s26] =	ssyncset.done $0x0  }
0x5c: {  	s8 =	sadd.s32 s6, s8;
	s11 =	rddreg [dreg:$0x4];
	[sflag:s26] =	ssyncadd.s32 $0xFFFFE800  }
0x5d: {  	[spmem:s2] =	stream.indirect.scatter.add.f32 [tilespmem:s18], [sflag:$0x7], $0x30, s11, s23, $0xb8;
	[tilespmem:$0xAA80] =	vst v63  }
0x5e: {  	s8 =	sshll.u32 s8, $0x5;
	_ =	swait.ge [sflag:s28], $0x1800  }
0x5f: {  	s8 =	sand.u32 $0x1FFFFFC0, s8;
	[sflag:s28] =	ssyncset.done $0x0  }
0x60: {  	s8 =	sadd.s32 s5, s8;
	[sflag:s28] =	ssyncadd.s32 $0xFFFFE800  }
0x61: {  	[tilespmem:s20], [sflag:$0x3] =	stream.linear.gather [hbm4b:s8+s3], $0x100, $0x38;
	[tilespmem:$0xAA80] =	vst v63  }
0x62: {  	_ =	swait.ge [sflag:s22], $0x100  }
0x63: {  	[sflag:s22] =	ssyncset.done $0x0  }
0x64: {  	[sflag:s22] =	ssyncadd.s32 $0xFFFFFF00  }
0x65: {  	[tilespmem:s18], [sflag:$0x5] =	stream.indirect.gather [hbm4b:s4+s23], $0x30, s3, s23, $0xb8;
	[tilespmem:$0xAA80] =	vst v63  }
0x66: {  	_ =	swait.ge [sflag:s30], $0x1800  }
0x67: {  	s0 =	simm.s32 @p0 $0x0;
	[sflag:s30] =	ssyncset.done $0x0  }
0x68: {  	s0 =	sadd.s32 s6, s0;
	s12 =	rddreg [dreg:$0x5];
	[sflag:s30] =	ssyncadd.s32 $0xFFFFE800  }
0x69: {  	[spmem:s2] =	stream.indirect.scatter.add.f32 [tilespmem:s25], [sflag:$0x7], $0x30, s12, s23, $0xb8;
	[tilespmem:$0xAA80] =	vst v63  }
0x6a: {  	s0 =	sshll.u32 s0, $0x5;
	_ =	swait.ge [sflag:s28], $0x1800  }
0x6b: {  	s0 =	sand.u32 $0x1FFFFFE0, s0;
	[sflag:s28] =	ssyncset.done $0x0  }
0x6c: {  	s0 =	sadd.s32 s5, s0;
	[sflag:s28] =	ssyncadd.s32 $0xFFFFE800  }
0x6d: {  	[tilespmem:s21], [sflag:$0x4] =	stream.linear.gather [hbm4b:s0+s3], $0x100, $0x38;
	[tilespmem:$0xAA80] =	vst v63  }
0x6e: {  	s0 =	simm.s32 $0xB;
	_ =	swait.ge [sflag:s24], $0x100  }
.LBB2_4:
0x6f: {  	[sflag:s24] =	ssyncset.done $0x0  }
0x70: {  	s8 =	smov.u32 s0;
	[sflag:s24] =	ssyncadd.s32 $0xFFFFFF00  }
0x71: {  	[tilespmem:s25], [sflag:$0x6] =	stream.indirect.gather [hbm4b:s4+s23], $0x30, s19, s23, $0xb8;
	[tilespmem:$0xAA80] =	vst v63  }
0x72: {  	p1 =	seq.s32 s8, $0x53;
	s12 =	sadd.s32 $0xFFFFFFFD, s8;
	_ =	swait.ge [sflag:s26], $0x1800  }
0x73: {  	s12 =	simm.s32 @p1 $0x0;
	[sflag:s26] =	ssyncset.done $0x0  }
0x74: {  	s12 =	sadd.s32 s6, s12;
	[sflag:s26] =	ssyncadd.s32 $0xFFFFE800  }
0x75: {  	[spmem:s2] =	stream.indirect.scatter.add.f32 [tilespmem:s18], [sflag:$0x7], $0x30, s23, s23, $0xb8;
	[tilespmem:$0xAA80] =	vst v63  }
0x76: {  	s12 =	sshll.u32 s12, $0x5;
	_ =	swait.ge [sflag:s28], $0x1800  }
0x77: {  	s12 =	sand.u32 $0x1FFFFF80, s12;
	[sflag:s28] =	ssyncset.done $0x0  }
0x78: {  	s12 =	sadd.s32 s5, s12;
	[sflag:s28] =	ssyncadd.s32 $0xFFFFE800  }
0x79: {  	[tilespmem:s3], [sflag:$0x1] =	stream.linear.gather [hbm4b:s12+s3], $0x100, $0x38;
	[tilespmem:$0xAA80] =	vst v63  }
0x7a: {  	_ =	swait.ge [sflag:s29], $0x100  }
0x7b: {  	[sflag:s29] =	ssyncset.done $0x0  }
0x7c: {  	[sflag:s29] =	ssyncadd.s32 $0xFFFFFF00  }
0x7d: {  	[tilespmem:s18], [sflag:$0x5] =	stream.indirect.gather [hbm4b:s4+s23], $0x30, s20, s23, $0xb8;
	[tilespmem:$0xAA80] =	vst v63  }
0x7e: {  	s9 =	sadd.s32 $0xFFFFFFFE, s8;
	_ =	swait.ge [sflag:s30], $0x1800  }
0x7f: {  	s9 =	simm.s32 @p1 $0x0;
	[sflag:s30] =	ssyncset.done $0x0  }
0x80: {  	s9 =	sadd.s32 s6, s9;
	s12 =	rddreg [dreg:$0x3];
	[sflag:s30] =	ssyncadd.s32 $0xFFFFE800  }
0x81: {  	[spmem:s2] =	stream.indirect.scatter.add.f32 [tilespmem:s25], [sflag:$0x7], $0x30, s12, s23, $0xb8;
	[tilespmem:$0xAA80] =	vst v63  }
0x82: {  	s9 =	sshll.u32 s9, $0x5;
	_ =	swait.ge [sflag:s28], $0x1800  }
0x83: {  	s9 =	sand.u32 $0x1FFFFFA0, s9;
	[sflag:s28] =	ssyncset.done $0x0  }
0x84: {  	s9 =	sadd.s32 s5, s9;
	[sflag:s28] =	ssyncadd.s32 $0xFFFFE800  }
0x85: {  	[tilespmem:s19], [sflag:$0x2] =	stream.linear.gather [hbm4b:s9+s3], $0x100, $0x38;
	[tilespmem:$0xAA80] =	vst v63  }
0x86: {  	_ =	swait.ge [sflag:s31], $0x100  }
0x87: {  	[sflag:s31] =	ssyncset.done $0x0  }
0x88: {  	[sflag:s31] =	ssyncadd.s32 $0xFFFFFF00  }
0x89: {  	[tilespmem:s25], [sflag:$0x6] =	stream.indirect.gather [hbm4b:s4+s23], $0x30, s21, s23, $0xb8;
	[tilespmem:$0xAA80] =	vst v63  }
0x8a: {  	s11 =	sadd.s32 $0xFFFFFFFF, s8;
	_ =	swait.ge [sflag:s26], $0x1800  }
0x8b: {  	s11 =	simm.s32 @p1 $0x0;
	[sflag:s26] =	ssyncset.done $0x0  }
0x8c: {  	s11 =	sadd.s32 s6, s11;
	s12 =	rddreg [dreg:$0x4];
	[sflag:s26] =	ssyncadd.s32 $0xFFFFE800  }
0x8d: {  	[spmem:s2] =	stream.indirect.scatter.add.f32 [tilespmem:s18], [sflag:$0x7], $0x30, s12, s23, $0xb8;
	[tilespmem:$0xAA80] =	vst v63  }
0x8e: {  	s11 =	sshll.u32 s11, $0x5;
	_ =	swait.ge [sflag:s28], $0x1800  }
0x8f: {  	s11 =	sand.u32 $0x1FFFFFC0, s11;
	[sflag:s28] =	ssyncset.done $0x0  }
0x90: {  	s11 =	sadd.s32 s5, s11;
	[sflag:s28] =	ssyncadd.s32 $0xFFFFE800  }
0x91: {  	[tilespmem:s20], [sflag:$0x3] =	stream.linear.gather [hbm4b:s11+s3], $0x100, $0x38;
	[tilespmem:$0xAA80] =	vst v63  }
0x92: {  	_ =	swait.ge [sflag:s22], $0x100  }
0x93: {  	[sflag:s22] =	ssyncset.done $0x0  }
0x94: {  	[sflag:s22] =	ssyncadd.s32 $0xFFFFFF00  }
0x95: {  	[tilespmem:s18], [sflag:$0x5] =	stream.indirect.gather [hbm4b:s4+s23], $0x30, s3, s23, $0xb8;
	[tilespmem:$0xAA80] =	vst v63  }
0x96: {  	_ =	swait.ge [sflag:s30], $0x1800  }
0x97: {  	p0 =	sne.s32 s0, $0x53;
	s8 =	simm.s32 @p1 $0x0;
	[sflag:s30] =	ssyncset.done $0x0  }
0x98: {  	s8 =	sadd.s32 s6, s8;
	s12 =	rddreg [dreg:$0x5];
	[sflag:s30] =	ssyncadd.s32 $0xFFFFE800  }
0x99: {  	[spmem:s2] =	stream.indirect.scatter.add.f32 [tilespmem:s25], [sflag:$0x7], $0x30, s12, s23, $0xb8;
	[tilespmem:$0xAA80] =	vst v63  }
.Ltmp1:
0x9a: {  	s8 =	sshll.u32 s8, $0x5;
	_ =	swait.ge [sflag:s28], $0x1800;
	(pc) =	sbr.rel @p0 .LBB2_4-.Ltmp1, $4  }
0x9b: {  	s8 =	sand.u32 $0x1FFFFFE0, s8;
	[sflag:s28] =	ssyncset.done $0x0  }
0x9c: {  	s8 =	sadd.s32 s5, s8;
	[sflag:s28] =	ssyncadd.s32 $0xFFFFE800  }
0x9d: {  	[tilespmem:s21], [sflag:$0x4] =	stream.linear.gather [hbm4b:s8+s3], $0x100, $0x38;
	[tilespmem:$0xAA80] =	vst v63  }
0x9e: {  	s0 =	sadd.s32 $0x4, s0;
	_ =	swait.ge [sflag:s24], $0x100  }
0x9f: {  	[sflag:s24] =	ssyncset.done $0x0  }
0xa0: {  	[sflag:s24] =	ssyncadd.s32 $0xFFFFFF00  }
0xa1: {  	[tilespmem:s25], [sflag:$0x6] =	stream.indirect.gather [hbm4b:s4+s23], $0x30, s19, s23, $0xb8;
	[tilespmem:$0xAA80] =	vst v63  }
0xa2: {  	_ =	swait.ge [sflag:s26], $0x1800  }
0xa3: {  	[sflag:s26] =	ssyncset.done $0x0  }
0xa4: {  	[sflag:s26] =	ssyncadd.s32 $0xFFFFE800  }
0xa5: {  	_ =	swait.ge [sflag:s30], $0x1800  }
0xa6: {  	[sflag:s30] =	ssyncset.done $0x0  }
0xa7: {  	[sflag:s30] =	ssyncadd.s32 $0xFFFFE800  }
0xa8: {  	_ =	swait.ge [sflag:s29], $0x100  }
0xa9: {  	[sflag:s29] =	ssyncset.done $0x0  }
0xaa: {  	[sflag:s29] =	ssyncadd.s32 $0xFFFFFF00  }
0xab: {  	s0 =	stileid.u32;
	_ =	swait.ge [sflag:s31], $0x100  }
0xac: {  	s8 =	sshrl.u32 s7, $0x3;
	s1 =	sadd.s32 $0x1, s1;
	[sflag:s31] =	ssyncset.done $0x0  }
0xad: {  	s0 =	sshll.u32 s0, $0x6;
	p0 =	sne.s32 s1, s17;
	[sflag:s31] =	ssyncadd.s32 $0xFFFFFF00  }
.Ltmp2:
0xae: {  	s0 =	sor.u32 $0x1C07, s0;
	[bflag:$0x0] =	sbarrier.arrive $0xFFFF;
	(pc) =	sbr.rel @p0 .LBB2_1-.Ltmp2, $4  }
0xaf: {  	[hbm:s16], [sflag:s0] =	dma.local [spmem:s8], $0xED0  }
0xb0: {  	_ =	swait.ge [sflag:s28], $0xED0  }
0xb1: {  	[sflag:s28] =	ssyncset.done $0x0  }
0xb2: {  	[sflag:s28] =	ssyncadd.s32 $0xFFFFF130  }
0xb3: {  	_ =	sfence.sel $0x180000  }
0xb4: {  	[bflag:$0x0] =	sbarrier.arrive $0xFFFF  }
0xb5: {  	_ =	strace $0x9000004A  }
0xb6: {  	s0 =	stileid.u32;
	[bflag:$0x2] =	sbarrier.arrive $0xFFFF  }
0xb7: {  	p0 =	sne.s32 s0, $0x0;
	s0 =	rddreg [dreg:$0x2]  }
0xb8: {  	s0 =	sadd.s32 @!p0 $0x100000, s0  }
0xb9: {  	[sflag:s0] =	ssyncadd.tile.s32 @!p0 $0x1;
	_ =	shalt  }
.Lfunc_end2:
_tile_overlayer_lowered:
.L_overlay_start_2:
0xba: {  	(tag) =	ssettag $0x2  }
0xbb: {  	s0 =	rddreg [dreg:$0x0];
	s2 =	stileid.u32  }
0xbc: {  	s1 =	rddreg [dreg:$0x1];
	p0 =	sne.s32 s2, $0x0  }
0xbd: {  	s3 =	rddreg [dreg:$0x2];
	[bflag:$0x3] =	sbarrier.arrive $0xFFFF;
	s2 =	simm.s32 @!p0 $0x1C07  }
0xbe: {  	[timem:s3], [sflag:s2] =	dma.local @!p0 [hbm:s0], s1  }
0xbf: {  	s0 =	simm.s32 @!p0 $0x7  }
0xc0: {  	_ =	swait.ge @!p0 [sflag:s0], s1  }
0xc1: {  	s1 =	ssub.s32 @!p0 $0x0, s1;
	[sflag:s0] =	ssyncset.done @!p0 $0x0  }
0xc2: {  	[sflag:s0] =	ssyncadd.s32 @!p0 s1  }
0xc3: {  	[bflag:$0x3] =	sbarrier.arrive $0xFFFF  }
0xc4: {  	_ =	shalt  }

</sc_bundles>
